<compile_context>
chip_gen: v7x
topology: tpu7x:2x2x1
jax: 0.10.2.dev20260603
libtpu: 0.0.44.dev20260713+nightly
codegen_flags: <defaults>
</compile_context>

<pallas_src>
import functools

import jax
import jax.numpy as jnp
from jax import lax
from jax.experimental import pallas as pl
from jax.experimental.pallas import tpu as pltpu
from jax.experimental.pallas import tpu_sc as plsc

N = 10000
E = 320000
D = 128
S = 512
L = 20000
NH = 4
HD = D // NH

NC = 2
NS = 16
NW = NC * NS

N_ACC = 10240
ROWS_PER_TILE = N_ACC // NS
CHUNK = 128
C_PER_W = 80
C_HALF = C_PER_W // 2
E_PER_W = C_PER_W * CHUNK
E_PAD = E_PER_W * NW
L_PER_W = 640
L_PAD = L_PER_W * NW

_mesh = plsc.VectorSubcoreMesh(core_axis_name="c", subcore_axis_name="s",
                               num_cores=NC, num_subcores=NS)


@functools.partial(
    pl.kernel,
    out_type=jax.ShapeDtypeStruct((NC, N_ACC, D), jnp.float32),
    mesh=_mesh,
    scratch_types=[
        pltpu.VMEM((C_PER_W, CHUNK), jnp.int32),
        pltpu.VMEM((CHUNK, D), jnp.float32),
        pltpu.VMEM_SHARED((N_ACC, D), jnp.float32),
        pltpu.SemaphoreType.DMA,
        pltpu.SemaphoreType.DMA,
    ],
)
def _deg_kernel(src_hbm, zeros_hbm, ones_hbm, out_hbm,
                idx_v, ones_v, acc, sem, sem2):
    cid = lax.axis_index("c")
    sid = lax.axis_index("s")
    wid = sid * NC + cid
    pltpu.sync_copy(ones_hbm, ones_v)
    pltpu.sync_copy(zeros_hbm.at[pl.ds(sid * ROWS_PER_TILE, ROWS_PER_TILE)],
                    acc.at[pl.ds(sid * ROWS_PER_TILE, ROWS_PER_TILE)])
    plsc.subcore_barrier()
    pltpu.sync_copy(src_hbm.at[wid], idx_v)

    pltpu.async_copy(ones_v, acc.at[idx_v.at[0]], sem, add=True)
    pltpu.async_copy(ones_v, acc.at[idx_v.at[1]], sem2, add=True)

    def body(k, _):
        a = 2 * k
        pltpu.make_async_copy(ones_v, acc.at[idx_v.at[a]], sem).wait()

        @pl.when(k < C_PER_W // 2 - 1)
        def _():
            pltpu.async_copy(ones_v, acc.at[idx_v.at[a + 2]], sem, add=True)

        pltpu.make_async_copy(ones_v, acc.at[idx_v.at[a + 1]], sem2).wait()

        @pl.when(k < C_PER_W // 2 - 1)
        def _():
            pltpu.async_copy(ones_v, acc.at[idx_v.at[a + 3]], sem2, add=True)

        return 0

    lax.fori_loop(0, C_PER_W // 2, body, 0)
    plsc.subcore_barrier()
    pltpu.sync_copy(acc.at[pl.ds(sid * ROWS_PER_TILE, ROWS_PER_TILE)],
                    out_hbm.at[cid, pl.ds(sid * ROWS_PER_TILE, ROWS_PER_TILE)])


@functools.partial(
    pl.kernel,
    out_type=jax.ShapeDtypeStruct((NC, N_ACC, D), jnp.float32),
    mesh=_mesh,
    scratch_types=[
        pltpu.VMEM((C_HALF, CHUNK), jnp.int32),
        pltpu.VMEM((C_HALF, CHUNK), jnp.int32),
        pltpu.VMEM((CHUNK, D), jnp.float32),
        pltpu.VMEM((CHUNK, D), jnp.float32),
        pltpu.VMEM_SHARED((N_ACC, D), jnp.float32),
        pltpu.SemaphoreType.DMA,
        pltpu.SemaphoreType.DMA,
    ],
)
def _segsum_kernel(feat_hbm, src_hbm, dst_hbm, zeros_hbm, out_hbm,
                   sidx, didx, rows0, rows1, acc, gs0, gs1):
    cid = lax.axis_index("c")
    sid = lax.axis_index("s")
    wid = sid * NC + cid
    pltpu.sync_copy(zeros_hbm.at[pl.ds(sid * ROWS_PER_TILE, ROWS_PER_TILE)],
                    acc.at[pl.ds(sid * ROWS_PER_TILE, ROWS_PER_TILE)])
    plsc.subcore_barrier()

    for half in range(C_PER_W // C_HALF):
        pltpu.sync_copy(src_hbm.at[wid, pl.ds(half * C_HALF, C_HALF)], sidx)
        pltpu.sync_copy(dst_hbm.at[wid, pl.ds(half * C_HALF, C_HALF)], didx)
        pltpu.async_copy(feat_hbm.at[sidx.at[0]], rows0, gs0)

        def body(k, _):
            a = 2 * k
            b = a + 1
            pltpu.async_copy(feat_hbm.at[sidx.at[b]], rows1, gs1)
            pltpu.make_async_copy(feat_hbm.at[sidx.at[a]], rows0, gs0).wait()
            pltpu.sync_copy(rows0, acc.at[didx.at[a]], add=True)

            @pl.when(k < C_HALF // 2 - 1)
            def _():
                pltpu.async_copy(feat_hbm.at[sidx.at[a + 2]], rows0, gs0)

            pltpu.make_async_copy(feat_hbm.at[sidx.at[b]], rows1, gs1).wait()
            pltpu.sync_copy(rows1, acc.at[didx.at[b]], add=True)
            return 0

        lax.fori_loop(0, C_HALF // 2, body, 0)
    plsc.subcore_barrier()
    pltpu.sync_copy(acc.at[pl.ds(sid * ROWS_PER_TILE, ROWS_PER_TILE)],
                    out_hbm.at[cid, pl.ds(sid * ROWS_PER_TILE, ROWS_PER_TILE)])


@functools.partial(
    pl.kernel,
    out_type=jax.ShapeDtypeStruct((NW, L_PER_W), jnp.float32),
    mesh=_mesh,
    scratch_types=[
        pltpu.VMEM((L_PER_W,), jnp.int32),
        pltpu.VMEM((L_PER_W,), jnp.int32),
        pltpu.VMEM((L_PER_W,), jnp.float32),
        pltpu.VMEM((L_PER_W,), jnp.float32),
        pltpu.VMEM((L_PER_W,), jnp.float32),
        pltpu.SemaphoreType.DMA,
        pltpu.SemaphoreType.DMA,
    ],
)
def _scores_kernel(pred_hbm, eli_hbm, out_hbm, si, di, av, bv, out_v, s1, s2):
    cid = lax.axis_index("c")
    sid = lax.axis_index("s")
    wid = sid * NC + cid
    pltpu.sync_copy(eli_hbm.at[0, wid], si)
    pltpu.sync_copy(eli_hbm.at[1, wid], di)
    ca = pltpu.async_copy(pred_hbm.at[si], av, s1)
    cb = pltpu.async_copy(pred_hbm.at[di], bv, s2)
    ca.wait()
    cb.wait()

    def body(j, _):
        out_v[pl.ds(j * 16, 16)] = av[pl.ds(j * 16, 16)] * bv[pl.ds(j * 16, 16)]
        return 0

    lax.fori_loop(0, L_PER_W // 16, body, 0)
    pltpu.sync_copy(out_v, out_hbm.at[wid])


def _dis_of(degp):
    deg = degp[0] + degp[1]
    return jnp.where(deg > 0, 1.0 / jnp.sqrt(jnp.maximum(deg, 1e-12)), 0.0)


def _feat0_body(x_ref, degp_ref, out_ref):
    dis = _dis_of(degp_ref[...])
    out_ref[...] = x_ref[...] * dis[:, None]


def _mm(a, b_t):
    return lax.dot_general(a, b_t, (((1,), (1,)), ((), ())),
                           preferred_element_type=jnp.float32)


def _gcn_body(rstp_ref, degp_ref, xin_ref, wm_ref, bm_ref, ws_ref, bs_ref,
              h_ref, featn_ref):
    dis = _dis_of(degp_ref[...])
    rst = (rstp_ref[0] + rstp_ref[1]) * dis[:, None]
    h = _mm(rst, wm_ref[...]) + bm_ref[...] + _mm(xin_ref[...], ws_ref[...]) + bs_ref[...]
    h_ref[...] = h
    featn_ref[...] = h * dis[:, None]


def _decoder_body(rstp_ref, degp_ref, h0_ref, wm_ref, bm_ref, ws_ref, bs_ref,
                  seq_ref, ipw_ref, ipb_ref, opw_ref, opb_ref,
                  lng_ref, lnb_ref, w1_ref, w2_ref,
                  xn_ref, pred_ref, kmat, vmat):
    @pl.when(pl.program_id(0) == 0)
    def _():
        seq = seq_ref[...]
        kmat[...] = _mm(seq, ipw_ref[D:2 * D]) + ipb_ref[0, D:2 * D]
        vmat[...] = _mm(seq, ipw_ref[2 * D:]) + ipb_ref[0, 2 * D:]

    dis = _dis_of(degp_ref[...])
    rst = (rstp_ref[0] + rstp_ref[1]) * dis[:, None]
    h1 = (_mm(rst, wm_ref[...]) + bm_ref[...]
          + _mm(h0_ref[...], ws_ref[...]) + bs_ref[...])

    q = _mm(h1, ipw_ref[:D]) + ipb_ref[0, :D]
    km = kmat[...]
    vm = vmat[...]
    scale = 1.0 / jnp.sqrt(jnp.float32(HD))
    ctx_parts = []
    for hh in range(NH):
        qh = q[:, hh * HD:(hh + 1) * HD]
        kh = km[:, hh * HD:(hh + 1) * HD]
        vh = vm[:, hh * HD:(hh + 1) * HD]
        logits = _mm(qh, kh) * scale
        m = jnp.max(logits, axis=1, keepdims=True)
        p = jnp.exp(logits - m)
        attn = p / jnp.sum(p, axis=1, keepdims=True)
        ctx_parts.append(lax.dot_general(attn, vh, (((1,), (0,)), ((), ())),
                                         preferred_element_type=jnp.float32))
    ctx = jnp.concatenate(ctx_parts, axis=1)
    out_att = _mm(ctx, opw_ref[...]) + opb_ref[...]
    y = out_att + h1
    mu = jnp.mean(y, axis=-1, keepdims=True)
    var = jnp.mean((y - mu) ** 2, axis=-1, keepdims=True)
    ca = (y - mu) / jnp.sqrt(var + 1e-5) * lng_ref[...] + lnb_ref[...]
    nrm = jnp.sqrt(jnp.sum(ca * ca, axis=-1, keepdims=True))
    xn = ca / jnp.maximum(nrm, 1e-12)
    xn_ref[...] = xn
    hid = jnp.maximum(_mm(xn, w1_ref[...]), 0.0)
    z = _mm(hid, w2_ref[...])
    pred_ref[...] = jnp.where(z >= 0,
                              1.0 / (1.0 + jnp.exp(-z)),
                              jnp.exp(z) / (1.0 + jnp.exp(z)))


_BN = 512
_GRID = N_ACC // _BN


def _rowblock(r=D):
    return pl.BlockSpec((_BN, r), lambda i: (i, 0))


def _const2(shape):
    return pl.BlockSpec(shape, lambda i: tuple(0 for _ in shape))


_feat0_call = pl.pallas_call(
    _feat0_body,
    grid=(_GRID,),
    in_specs=[_rowblock(), pl.BlockSpec((2, _BN), lambda i: (0, i))],
    out_specs=_rowblock(),
    out_shape=jax.ShapeDtypeStruct((N_ACC, D), jnp.float32),
)

_gcn_call = pl.pallas_call(
    _gcn_body,
    grid=(_GRID,),
    in_specs=[
        pl.BlockSpec((2, _BN, D), lambda i: (0, i, 0)),
        pl.BlockSpec((2, _BN), lambda i: (0, i)),
        _rowblock(),
        _const2((D, D)), _const2((1, D)), _const2((D, D)), _const2((1, D)),
    ],
    out_specs=[_rowblock(), _rowblock()],
    out_shape=[jax.ShapeDtypeStruct((N_ACC, D), jnp.float32),
               jax.ShapeDtypeStruct((N_ACC, D), jnp.float32)],
)

_decoder_call = pl.pallas_call(
    _decoder_body,
    grid=(_GRID,),
    in_specs=[
        pl.BlockSpec((2, _BN, D), lambda i: (0, i, 0)),
        pl.BlockSpec((2, _BN), lambda i: (0, i)),
        _rowblock(),
        _const2((D, D)), _const2((1, D)), _const2((D, D)), _const2((1, D)),
        _const2((S, D)), _const2((3 * D, D)), _const2((1, 3 * D)),
        _const2((D, D)), _const2((1, D)),
        _const2((1, D)), _const2((1, D)),
        _const2((D, D)), _const2((1, D)),
    ],
    out_specs=[_rowblock(), _rowblock(1)],
    out_shape=[jax.ShapeDtypeStruct((N_ACC, D), jnp.float32),
               jax.ShapeDtypeStruct((N_ACC, 1), jnp.float32)],
    scratch_shapes=[pltpu.VMEM((S, D), jnp.float32),
                    pltpu.VMEM((S, D), jnp.float32)],
)


def kernel(x, edge_index, edge_label_index, seq_embeddings,
           W_msg0, b_msg0, W_skip0, b_skip0, W_msg1, b_msg1, W_skip1, b_skip1,
           in_proj_w, in_proj_b, out_proj_w, out_proj_b, ln_g, ln_b,
           weight1, weight2):
    f32 = jnp.float32
    x_pad = jnp.zeros((N_ACC, D), f32).at[:N].set(x)
    pad_e = N + (jnp.arange(E_PAD - E, dtype=jnp.int32) % (N_ACC - N))
    src3 = jnp.concatenate([edge_index[0], pad_e]).reshape(NW, C_PER_W, CHUNK)
    dst3 = jnp.concatenate([edge_index[1], pad_e]).reshape(NW, C_PER_W, CHUNK)
    eli3 = jnp.concatenate(
        [edge_label_index,
         jnp.zeros((2, L_PAD - L), jnp.int32)], axis=1).reshape(2, NW, L_PER_W)
    zrows = jnp.zeros((N_ACC, D), f32)
    ones_rows = jnp.ones((CHUNK, D), f32)

    degp = _deg_kernel(src3, zrows, ones_rows)[:, :, 0]

    feat0 = _feat0_call(x_pad, degp)
    rst0 = _segsum_kernel(feat0, src3, dst3, zrows)

    b2 = lambda b: b.reshape(1, -1)
    h0, feat1 = _gcn_call(rst0, degp, x_pad,
                          W_msg0, b2(b_msg0), W_skip0, b2(b_skip0))
    rst1 = _segsum_kernel(feat1, src3, dst3, zrows)

    xn_pad, pred = _decoder_call(rst1, degp, h0,
                                 W_msg1, b2(b_msg1), W_skip1, b2(b_skip1),
                                 seq_embeddings, in_proj_w, b2(in_proj_b),
                                 out_proj_w, b2(out_proj_b),
                                 b2(ln_g), b2(ln_b), weight1, weight2)

    scores = _scores_kernel(pred.reshape(N_ACC), eli3).reshape(L_PAD)[:L]
    return scores, xn_pad[:N]

# --- scband reference (transcript-rebuilt; emitter-appended) ---
"""Pipeline reference for scband-model-65025804861875 (READ-ONLY COPY).

The authoritative reference and input builder live on the scoring server;
editing this copy changes nothing except your own understanding.
"""

import jax, jax.numpy as jnp
import numpy as np

N = 10000
E = 320000
D = 128
HID = 128
S = 512
L = 20000
NH = 4
HD = D // NH


def setup_inputs(seed: int = 0):
    key = jax.random.key(seed)
    ks = jax.random.split(key, 24)
    s = 0.05
    inp = {}
    inp['x'] = jax.random.normal(ks[0], (N, D), dtype=jnp.float32)
    inp['edge_index'] = jax.random.randint(ks[1], (2, E), 0, N, dtype=jnp.int32)
    inp['edge_label_index'] = jax.random.randint(ks[2], (2, L), 0, N, dtype=jnp.int32)
    inp['seq_embeddings'] = jax.random.normal(ks[3], (S, D), dtype=jnp.float32)
    inp['W_msg0'] = jax.random.normal(ks[4], (D, D), dtype=jnp.float32) * s
    inp['b_msg0'] = jnp.zeros((D,), dtype=jnp.float32)
    inp['W_skip0'] = jax.random.normal(ks[5], (D, D), dtype=jnp.float32) * s
    inp['b_skip0'] = jnp.zeros((D,), dtype=jnp.float32)
    inp['W_msg1'] = jax.random.normal(ks[6], (D, D), dtype=jnp.float32) * s
    inp['b_msg1'] = jnp.zeros((D,), dtype=jnp.float32)
    inp['W_skip1'] = jax.random.normal(ks[7], (D, D), dtype=jnp.float32) * s
    inp['b_skip1'] = jnp.zeros((D,), dtype=jnp.float32)
    inp['in_proj_w'] = jax.random.normal(ks[8], (3 * D, D), dtype=jnp.float32) * s
    inp['in_proj_b'] = jnp.zeros((3 * D,), dtype=jnp.float32)
    inp['out_proj_w'] = jax.random.normal(ks[9], (D, D), dtype=jnp.float32) * s
    inp['out_proj_b'] = jnp.zeros((D,), dtype=jnp.float32)
    inp['ln_g'] = jnp.ones((D,), dtype=jnp.float32)
    inp['ln_b'] = jnp.zeros((D,), dtype=jnp.float32)
    inp['weight1'] = jax.random.normal(ks[10], (HID, D), dtype=jnp.float32) * s
    inp['weight2'] = jax.random.normal(ks[11], (1, HID), dtype=jnp.float32) * s
    return inp


def _gcn_layer(x, src, dst, Wm, bm, Ws, bs):
    deg = jax.ops.segment_sum(jnp.ones((src.shape[0],), dtype=x.dtype), src, num_segments=N)
    dis = jnp.where(deg > 0, 1.0 / jnp.sqrt(jnp.maximum(deg, 1e-12)), 0.0)
    feat = x * dis[:, None]
    rst = jax.ops.segment_sum(feat[src], dst, num_segments=N)
    rst = rst * dis[:, None]
    return rst @ Wm.T + bm + x @ Ws.T + bs


def _forward(x, seq, edge_index, edge_label_index, W_msg0, b_msg0, W_skip0, b_skip0, W_msg1, b_msg1, W_skip1, b_skip1, in_proj_w, in_proj_b, out_proj_w, out_proj_b, ln_g, ln_b, weight1, weight2):
    src, dst = edge_index[0], edge_index[1]
    h = _gcn_layer(x, src, dst, W_msg0, b_msg0, W_skip0, b_skip0)
    h = _gcn_layer(h, src, dst, W_msg1, b_msg1, W_skip1, b_skip1)
    Wq, Wk, Wv = in_proj_w[:D], in_proj_w[D:2 * D], in_proj_w[2 * D:]
    bq, bk, bv = in_proj_b[:D], in_proj_b[D:2 * D], in_proj_b[2 * D:]
    q = (h @ Wq.T + bq).reshape(h.shape[0], NH, HD)
    k = (seq @ Wk.T + bk).reshape(seq.shape[0], NH, HD)
    v = (seq @ Wv.T + bv).reshape(seq.shape[0], NH, HD)
    logits = jnp.einsum('nhd,shd->hns', q, k) / jnp.sqrt(jnp.float32(HD))
    attn = jax.nn.softmax(logits, axis=-1)
    ctx = jnp.einsum('hns,shd->nhd', attn, v).reshape(h.shape[0], D)
    out_att = ctx @ out_proj_w.T + out_proj_b
    y = out_att + h
    mu = jnp.mean(y, axis=-1, keepdims=True)
    var = jnp.mean((y - mu) ** 2, axis=-1, keepdims=True)
    ca = (y - mu) / jnp.sqrt(var + 1e-5) * ln_g + ln_b
    nrm = jnp.sqrt(jnp.sum(ca * ca, axis=-1, keepdims=True))
    xn = ca / jnp.maximum(nrm, 1e-12)
    pred = jax.nn.relu(xn @ weight1.T)
    pred = jax.nn.sigmoid(pred @ weight2.T)
    nf = pred[edge_label_index]
    scores = jnp.sum(nf[0] * nf[1], axis=-1)
    return scores, xn


def reference(x, edge_index, edge_label_index, seq_embeddings, W_msg0, b_msg0, W_skip0, b_skip0, W_msg1, b_msg1, W_skip1, b_skip1, in_proj_w, in_proj_b, out_proj_w, out_proj_b, ln_g, ln_b, weight1, weight2):
    return _forward(x, seq_embeddings, edge_index, edge_label_index, W_msg0, b_msg0, W_skip0, b_skip0, W_msg1, b_msg1, W_skip1, b_skip1, in_proj_w, in_proj_b, out_proj_w, out_proj_b, ln_g, ln_b, weight1, weight2)

if __name__ == "__main__":
    import jax
    _d = setup_inputs()
    print(jax.jit(kernel)(*tuple(_d.values())))

</pallas_src>

<mosaic_0001>
#map = affine_map<(d0, d1) -> (0, 0)>
#map1 = affine_map<(d0, d1) -> (0, 0, 0)>
module attributes {stable_mosaic.version = 14 : i64} {
  func.func @_segsum_kernel(%arg0: i32, %arg1: i32, %arg2: memref<10240x128xf32, #tpu.memory_space<hbm>>, %arg3: memref<32x80x128xi32, #tpu.memory_space<hbm>>, %arg4: memref<32x80x128xi32, #tpu.memory_space<hbm>>, %arg5: memref<10240x128xf32, #tpu.memory_space<hbm>>, %arg6: memref<2x10240x128xf32, #tpu.memory_space<hbm>>, %arg7: memref<40x128xi32, #tpu.memory_space<vmem>>, %arg8: memref<40x128xi32, #tpu.memory_space<vmem>>, %arg9: memref<128x128xf32, #tpu.memory_space<vmem>>, %arg10: memref<128x128xf32, #tpu.memory_space<vmem>>, %arg11: memref<10240x128xf32, #tpu.memory_space<vmem_shared>>, %arg12: memref<!tpu.dma_semaphore, #tpu.memory_space<semaphore_mem>>, %arg13: memref<!tpu.dma_semaphore, #tpu.memory_space<semaphore_mem>>) attributes {dimension_semantics = [#tpu.dimension_semantics<core_parallel>, #tpu.dimension_semantics<subcore_parallel>], iteration_bounds = array<i64: 2, 16>, scalar_prefetch = 0 : i64, scratch_operands = 7 : i64, tpu.core_type = #tpu.core_type<sc_vector_subcore>, window_params = [{transform_indices = #map}, {transform_indices = #map1}, {transform_indices = #map1}, {transform_indices = #map}, {transform_indices = #map1}]} {
    %mul3A = arith.constant 2 : i32
    %mul3A_0 = arith.muli %arg1, %mul3A : i32
    %add3A = arith.addi %mul3A_0, %arg0 : i32
    %mul3A_1 = arith.constant 640 : i32
    %mul3A_2 = arith.muli %arg1, %mul3A_1 : i32
    %mul3A_3 = arith.constant 640 : i32
    %mul3A_4 = arith.muli %arg1, %mul3A_3 : i32
    "tpu.region"() ({
      %run_scoped3A = tpu.sem_alloc : memref<!tpu.dma_semaphore, #tpu.memory_space<semaphore_mem>>
      %dma_start3A_36 = arith.constant 0 : i32
      %dma_start3A_37 = tpu.memref_slice %arg11[%mul3A_4, %dma_start3A_36] : memref<10240x128xf32, #tpu.memory_space<vmem_shared>> -> memref<640x128xf32, #tpu.memory_space<vmem_shared>>
      %dma_start3A_38 = arith.constant 0 : i32
      %dma_start3A_39 = tpu.memref_slice %arg5[%mul3A_2, %dma_start3A_38] : memref<10240x128xf32, #tpu.memory_space<hbm>> -> memref<640x128xf32, #tpu.memory_space<hbm>>
      tpu.enqueue_dma source(%dma_start3A_39 : memref<640x128xf32, #tpu.memory_space<hbm>>) target(%dma_start3A_37 : memref<640x128xf32, #tpu.memory_space<vmem_shared>>) target_semaphore(%run_scoped3A : memref<!tpu.dma_semaphore, #tpu.memory_space<semaphore_mem>>)
      %dma_wait3A = arith.constant 0 : i32
      %dma_wait3A_40 = tpu.memref_slice %arg11[%mul3A_4, %dma_wait3A] : memref<10240x128xf32, #tpu.memory_space<vmem_shared>> -> memref<640x128xf32, #tpu.memory_space<vmem_shared>>
      %dma_wait3A_41 = arith.constant 0 : i32
      %dma_wait3A_42 = tpu.memref_slice %arg5[%mul3A_2, %dma_wait3A_41] : memref<10240x128xf32, #tpu.memory_space<hbm>> -> memref<640x128xf32, #tpu.memory_space<hbm>>
      tpu.wait_dma2 semaphore(%run_scoped3A : memref<!tpu.dma_semaphore, #tpu.memory_space<semaphore_mem>>) src(%dma_wait3A_42 : memref<640x128xf32, #tpu.memory_space<hbm>>) dst(%dma_wait3A_40 : memref<640x128xf32, #tpu.memory_space<vmem_shared>>)
      tpu.yield
    }) : () -> ()
    %barrier3A = arith.constant 0 : index
    tpu.barrier barrier_id(%barrier3A)
    "tpu.region"() ({
      %run_scoped3A = tpu.sem_alloc : memref<!tpu.dma_semaphore, #tpu.memory_space<semaphore_mem>>
      %dma_start3A_36 = arith.constant 0 : i32
      %dma_start3A_37 = arith.constant 0 : i32
      %dma_start3A_38 = tpu.memref_slice %arg3[%add3A, %dma_start3A_36, %dma_start3A_37] : memref<32x80x128xi32, #tpu.memory_space<hbm>> -> memref<1x40x128xi32, #tpu.memory_space<hbm>>
      %dma_start3A_39 = tpu.memref_squeeze %dma_start3A_38 : memref<1x40x128xi32, #tpu.memory_space<hbm>> -> memref<40x128xi32, #tpu.memory_space<hbm>>
      %dma_start3A_40 = arith.constant 0 : i32
      %dma_start3A_41 = arith.constant 0 : i32
      %dma_start3A_42 = tpu.memref_slice %arg3[%add3A, %dma_start3A_40, %dma_start3A_41] : memref<32x80x128xi32, #tpu.memory_space<hbm>> -> memref<1x40x128xi32, #tpu.memory_space<hbm>>
      %dma_start3A_43 = tpu.memref_squeeze %dma_start3A_42 : memref<1x40x128xi32, #tpu.memory_space<hbm>> -> memref<40x128xi32, #tpu.memory_space<hbm>>
      tpu.enqueue_dma source(%dma_start3A_43 : memref<40x128xi32, #tpu.memory_space<hbm>>) target(%arg7 : memref<40x128xi32, #tpu.memory_space<vmem>>) target_semaphore(%run_scoped3A : memref<!tpu.dma_semaphore, #tpu.memory_space<semaphore_mem>>)
      %dma_wait3A = arith.constant 0 : i32
      %dma_wait3A_44 = arith.constant 0 : i32
      %dma_wait3A_45 = tpu.memref_slice %arg3[%add3A, %dma_wait3A, %dma_wait3A_44] : memref<32x80x128xi32, #tpu.memory_space<hbm>> -> memref<1x40x128xi32, #tpu.memory_space<hbm>>
      %dma_wait3A_46 = tpu.memref_squeeze %dma_wait3A_45 : memref<1x40x128xi32, #tpu.memory_space<hbm>> -> memref<40x128xi32, #tpu.memory_space<hbm>>
      %dma_wait3A_47 = arith.constant 0 : i32
      %dma_wait3A_48 = arith.constant 0 : i32
      %dma_wait3A_49 = tpu.memref_slice %arg3[%add3A, %dma_wait3A_47, %dma_wait3A_48] : memref<32x80x128xi32, #tpu.memory_space<hbm>> -> memref<1x40x128xi32, #tpu.memory_space<hbm>>
      %dma_wait3A_50 = tpu.memref_squeeze %dma_wait3A_49 : memref<1x40x128xi32, #tpu.memory_space<hbm>> -> memref<40x128xi32, #tpu.memory_space<hbm>>
      tpu.wait_dma2 semaphore(%run_scoped3A : memref<!tpu.dma_semaphore, #tpu.memory_space<semaphore_mem>>) src(%dma_wait3A_50 : memref<40x128xi32, #tpu.memory_space<hbm>>) dst(%arg7 : memref<40x128xi32, #tpu.memory_space<vmem>>)
      tpu.yield
    }) : () -> ()
    "tpu.region"() ({
      %run_scoped3A = tpu.sem_alloc : memref<!tpu.dma_semaphore, #tpu.memory_space<semaphore_mem>>
      %dma_start3A_36 = arith.constant 0 : i32
      %dma_start3A_37 = arith.constant 0 : i32
      %dma_start3A_38 = tpu.memref_slice %arg4[%add3A, %dma_start3A_36, %dma_start3A_37] : memref<32x80x128xi32, #tpu.memory_space<hbm>> -> memref<1x40x128xi32, #tpu.memory_space<hbm>>
      %dma_start3A_39 = tpu.memref_squeeze %dma_start3A_38 : memref<1x40x128xi32, #tpu.memory_space<hbm>> -> memref<40x128xi32, #tpu.memory_space<hbm>>
      %dma_start3A_40 = arith.constant 0 : i32
      %dma_start3A_41 = arith.constant 0 : i32
      %dma_start3A_42 = tpu.memref_slice %arg4[%add3A, %dma_start3A_40, %dma_start3A_41] : memref<32x80x128xi32, #tpu.memory_space<hbm>> -> memref<1x40x128xi32, #tpu.memory_space<hbm>>
      %dma_start3A_43 = tpu.memref_squeeze %dma_start3A_42 : memref<1x40x128xi32, #tpu.memory_space<hbm>> -> memref<40x128xi32, #tpu.memory_space<hbm>>
      tpu.enqueue_dma source(%dma_start3A_43 : memref<40x128xi32, #tpu.memory_space<hbm>>) target(%arg8 : memref<40x128xi32, #tpu.memory_space<vmem>>) target_semaphore(%run_scoped3A : memref<!tpu.dma_semaphore, #tpu.memory_space<semaphore_mem>>)
      %dma_wait3A = arith.constant 0 : i32
      %dma_wait3A_44 = arith.constant 0 : i32
      %dma_wait3A_45 = tpu.memref_slice %arg4[%add3A, %dma_wait3A, %dma_wait3A_44] : memref<32x80x128xi32, #tpu.memory_space<hbm>> -> memref<1x40x128xi32, #tpu.memory_space<hbm>>
      %dma_wait3A_46 = tpu.memref_squeeze %dma_wait3A_45 : memref<1x40x128xi32, #tpu.memory_space<hbm>> -> memref<40x128xi32, #tpu.memory_space<hbm>>
      %dma_wait3A_47 = arith.constant 0 : i32
      %dma_wait3A_48 = arith.constant 0 : i32
      %dma_wait3A_49 = tpu.memref_slice %arg4[%add3A, %dma_wait3A_47, %dma_wait3A_48] : memref<32x80x128xi32, #tpu.memory_space<hbm>> -> memref<1x40x128xi32, #tpu.memory_space<hbm>>
      %dma_wait3A_50 = tpu.memref_squeeze %dma_wait3A_49 : memref<1x40x128xi32, #tpu.memory_space<hbm>> -> memref<40x128xi32, #tpu.memory_space<hbm>>
      tpu.wait_dma2 semaphore(%run_scoped3A : memref<!tpu.dma_semaphore, #tpu.memory_space<semaphore_mem>>) src(%dma_wait3A_50 : memref<40x128xi32, #tpu.memory_space<hbm>>) dst(%arg8 : memref<40x128xi32, #tpu.memory_space<vmem>>)
      tpu.yield
    }) : () -> ()
    %dma_start3A = arith.constant 0 : i32
    %dma_start3A_5 = arith.constant 0 : i32
    %dma_start3A_6 = tpu.memref_slice %arg7[%dma_start3A, %dma_start3A_5] : memref<40x128xi32, #tpu.memory_space<vmem>> -> memref<1x128xi32, #tpu.memory_space<vmem>>
    %dma_start3A_7 = tpu.memref_squeeze %dma_start3A_6 : memref<1x128xi32, #tpu.memory_space<vmem>> -> memref<128xi32, #tpu.memory_space<vmem>>
    %dma_start3A_8 = arith.constant 0 : i32
    %dma_start3A_9 = arith.constant 0 : i32
    %dma_start3A_10 = tpu.memref_slice %arg2[%dma_start3A_8, %dma_start3A_9] : memref<10240x128xf32, #tpu.memory_space<hbm>> -> memref<10240x128xf32, #tpu.memory_space<hbm>>
    tpu.enqueue_indirect_dma source(%dma_start3A_10 : memref<10240x128xf32, #tpu.memory_space<hbm>>) target(%arg9 : memref<128x128xf32, #tpu.memory_space<vmem>>) offsets(%dma_start3A_7 : memref<128xi32, #tpu.memory_space<vmem>>) semaphore(%arg12 : memref<!tpu.dma_semaphore, #tpu.memory_space<semaphore_mem>>)
    %scan3A = arith.constant 0 : i32
    %scan3A_11 = arith.constant 0 : i32
    %scan3A_12 = arith.constant 20 : i32
    %scan3A_13 = arith.addi %scan3A_11, %scan3A_12 : i32
    %scan3A_14 = arith.constant 1 : i32
    %scan3A_15 = scf.for %scan3A_36 = %scan3A_11 to %scan3A_13 step %scan3A_14 iter_args(%scan3A_37 = %scan3A) -> (i32)  : i32 {
      %mul3A_38 = arith.constant 2 : i32
      %mul3A_39 = arith.muli %mul3A_38, %scan3A_36 : i32
      %add3A_40 = arith.constant 1 : i32
      %add3A_41 = arith.addi %mul3A_39, %add3A_40 : i32
      %dma_start3A_42 = arith.constant 0 : i32
      %dma_start3A_43 = tpu.memref_slice %arg7[%add3A_41, %dma_start3A_42] : memref<40x128xi32, #tpu.memory_space<vmem>> -> memref<1x128xi32, #tpu.memory_space<vmem>>
      %dma_start3A_44 = tpu.memref_squeeze %dma_start3A_43 : memref<1x128xi32, #tpu.memory_space<vmem>> -> memref<128xi32, #tpu.memory_space<vmem>>
      %dma_start3A_45 = arith.constant 0 : i32
      %dma_start3A_46 = arith.constant 0 : i32
      %dma_start3A_47 = tpu.memref_slice %arg2[%dma_start3A_45, %dma_start3A_46] : memref<10240x128xf32, #tpu.memory_space<hbm>> -> memref<10240x128xf32, #tpu.memory_space<hbm>>
      tpu.enqueue_indirect_dma source(%dma_start3A_47 : memref<10240x128xf32, #tpu.memory_space<hbm>>) target(%arg10 : memref<128x128xf32, #tpu.memory_space<vmem>>) offsets(%dma_start3A_44 : memref<128xi32, #tpu.memory_space<vmem>>) semaphore(%arg13 : memref<!tpu.dma_semaphore, #tpu.memory_space<semaphore_mem>>)
      %dma_wait3A = arith.constant 0 : i32
      %dma_wait3A_48 = tpu.memref_slice %arg7[%mul3A_39, %dma_wait3A] : memref<40x128xi32, #tpu.memory_space<vmem>> -> memref<1x128xi32, #tpu.memory_space<vmem>>
      %dma_wait3A_49 = tpu.memref_squeeze %dma_wait3A_48 : memref<1x128xi32, #tpu.memory_space<vmem>> -> memref<128xi32, #tpu.memory_space<vmem>>
      %dma_wait3A_50 = arith.constant 0 : i32
      %dma_wait3A_51 = arith.constant 0 : i32
      %dma_wait3A_52 = tpu.memref_slice %arg2[%dma_wait3A_50, %dma_wait3A_51] : memref<10240x128xf32, #tpu.memory_space<hbm>> -> memref<10240x128xf32, #tpu.memory_space<hbm>>
      tpu.wait_indirect_dma semaphore(%arg12 : memref<!tpu.dma_semaphore, #tpu.memory_space<semaphore_mem>>) src(%dma_wait3A_52 : memref<10240x128xf32, #tpu.memory_space<hbm>>) dst(%arg9 : memref<128x128xf32, #tpu.memory_space<vmem>>)
      "tpu.region"() ({
        %run_scoped3A = tpu.sem_alloc : memref<!tpu.dma_semaphore, #tpu.memory_space<semaphore_mem>>
        %dma_start3A_62 = arith.constant 0 : i32
        %dma_start3A_63 = tpu.memref_slice %arg8[%mul3A_39, %dma_start3A_62] : memref<40x128xi32, #tpu.memory_space<vmem>> -> memref<1x128xi32, #tpu.memory_space<vmem>>
        %dma_start3A_64 = tpu.memref_squeeze %dma_start3A_63 : memref<1x128xi32, #tpu.memory_space<vmem>> -> memref<128xi32, #tpu.memory_space<vmem>>
        %dma_start3A_65 = arith.constant 0 : i32
        %dma_start3A_66 = arith.constant 0 : i32
        %dma_start3A_67 = tpu.memref_slice %arg11[%dma_start3A_65, %dma_start3A_66] : memref<10240x128xf32, #tpu.memory_space<vmem_shared>> -> memref<10240x128xf32, #tpu.memory_space<vmem_shared>>
        tpu.enqueue_indirect_dma source(%arg9 : memref<128x128xf32, #tpu.memory_space<vmem>>) target(%dma_start3A_67 : memref<10240x128xf32, #tpu.memory_space<vmem_shared>>) offsets(%dma_start3A_64 : memref<128xi32, #tpu.memory_space<vmem>>) semaphore(%run_scoped3A : memref<!tpu.dma_semaphore, #tpu.memory_space<semaphore_mem>>) {add = true}
        %dma_wait3A_68 = arith.constant 0 : i32
        %dma_wait3A_69 = tpu.memref_slice %arg8[%mul3A_39, %dma_wait3A_68] : memref<40x128xi32, #tpu.memory_space<vmem>> -> memref<1x128xi32, #tpu.memory_space<vmem>>
        %dma_wait3A_70 = tpu.memref_squeeze %dma_wait3A_69 : memref<1x128xi32, #tpu.memory_space<vmem>> -> memref<128xi32, #tpu.memory_space<vmem>>
        %dma_wait3A_71 = arith.constant 0 : i32
        %dma_wait3A_72 = arith.constant 0 : i32
        %dma_wait3A_73 = tpu.memref_slice %arg11[%dma_wait3A_71, %dma_wait3A_72] : memref<10240x128xf32, #tpu.memory_space<vmem_shared>> -> memref<10240x128xf32, #tpu.memory_space<vmem_shared>>
        tpu.wait_indirect_dma semaphore(%run_scoped3A : memref<!tpu.dma_semaphore, #tpu.memory_space<semaphore_mem>>) src(%arg9 : memref<128x128xf32, #tpu.memory_space<vmem>>) dst(%dma_wait3A_73 : memref<10240x128xf32, #tpu.memory_space<vmem_shared>>)
        tpu.yield
      }) : () -> ()
      %lt3A = arith.constant 19 : i32
      %lt3A_53 = arith.cmpi slt, %scan3A_36, %lt3A : i32
      %convert_element_type3A = arith.extui %lt3A_53 : i1 to i32
      %cond3A = arith.constant 0 : i32
      %cond3A_54 = arith.cmpi ne, %convert_element_type3A, %cond3A : i32
      scf.if %cond3A_54 {
        %add3A_62 = arith.constant 2 : i32
        %add3A_63 = arith.addi %mul3A_39, %add3A_62 : i32
        %dma_start3A_64 = arith.constant 0 : i32
        %dma_start3A_65 = tpu.memref_slice %arg7[%add3A_63, %dma_start3A_64] : memref<40x128xi32, #tpu.memory_space<vmem>> -> memref<1x128xi32, #tpu.memory_space<vmem>>
        %dma_start3A_66 = tpu.memref_squeeze %dma_start3A_65 : memref<1x128xi32, #tpu.memory_space<vmem>> -> memref<128xi32, #tpu.memory_space<vmem>>
        %dma_start3A_67 = arith.constant 0 : i32
        %dma_start3A_68 = arith.constant 0 : i32
        %dma_start3A_69 = tpu.memref_slice %arg2[%dma_start3A_67, %dma_start3A_68] : memref<10240x128xf32, #tpu.memory_space<hbm>> -> memref<10240x128xf32, #tpu.memory_space<hbm>>
        tpu.enqueue_indirect_dma source(%dma_start3A_69 : memref<10240x128xf32, #tpu.memory_space<hbm>>) target(%arg9 : memref<128x128xf32, #tpu.memory_space<vmem>>) offsets(%dma_start3A_66 : memref<128xi32, #tpu.memory_space<vmem>>) semaphore(%arg12 : memref<!tpu.dma_semaphore, #tpu.memory_space<semaphore_mem>>)
      } else {
      }
      %dma_wait3A_55 = arith.constant 0 : i32
      %dma_wait3A_56 = tpu.memref_slice %arg7[%add3A_41, %dma_wait3A_55] : memref<40x128xi32, #tpu.memory_space<vmem>> -> memref<1x128xi32, #tpu.memory_space<vmem>>
      %dma_wait3A_57 = tpu.memref_squeeze %dma_wait3A_56 : memref<1x128xi32, #tpu.memory_space<vmem>> -> memref<128xi32, #tpu.memory_space<vmem>>
      %dma_wait3A_58 = arith.constant 0 : i32
      %dma_wait3A_59 = arith.constant 0 : i32
      %dma_wait3A_60 = tpu.memref_slice %arg2[%dma_wait3A_58, %dma_wait3A_59] : memref<10240x128xf32, #tpu.memory_space<hbm>> -> memref<10240x128xf32, #tpu.memory_space<hbm>>
      tpu.wait_indirect_dma semaphore(%arg13 : memref<!tpu.dma_semaphore, #tpu.memory_space<semaphore_mem>>) src(%dma_wait3A_60 : memref<10240x128xf32, #tpu.memory_space<hbm>>) dst(%arg10 : memref<128x128xf32, #tpu.memory_space<vmem>>)
      "tpu.region"() ({
        %run_scoped3A = tpu.sem_alloc : memref<!tpu.dma_semaphore, #tpu.memory_space<semaphore_mem>>
        %dma_start3A_62 = arith.constant 0 : i32
        %dma_start3A_63 = tpu.memref_slice %arg8[%add3A_41, %dma_start3A_62] : memref<40x128xi32, #tpu.memory_space<vmem>> -> memref<1x128xi32, #tpu.memory_space<vmem>>
        %dma_start3A_64 = tpu.memref_squeeze %dma_start3A_63 : memref<1x128xi32, #tpu.memory_space<vmem>> -> memref<128xi32, #tpu.memory_space<vmem>>
        %dma_start3A_65 = arith.constant 0 : i32
        %dma_start3A_66 = arith.constant 0 : i32
        %dma_start3A_67 = tpu.memref_slice %arg11[%dma_start3A_65, %dma_start3A_66] : memref<10240x128xf32, #tpu.memory_space<vmem_shared>> -> memref<10240x128xf32, #tpu.memory_space<vmem_shared>>
        tpu.enqueue_indirect_dma source(%arg10 : memref<128x128xf32, #tpu.memory_space<vmem>>) target(%dma_start3A_67 : memref<10240x128xf32, #tpu.memory_space<vmem_shared>>) offsets(%dma_start3A_64 : memref<128xi32, #tpu.memory_space<vmem>>) semaphore(%run_scoped3A : memref<!tpu.dma_semaphore, #tpu.memory_space<semaphore_mem>>) {add = true}
        %dma_wait3A_68 = arith.constant 0 : i32
        %dma_wait3A_69 = tpu.memref_slice %arg8[%add3A_41, %dma_wait3A_68] : memref<40x128xi32, #tpu.memory_space<vmem>> -> memref<1x128xi32, #tpu.memory_space<vmem>>
        %dma_wait3A_70 = tpu.memref_squeeze %dma_wait3A_69 : memref<1x128xi32, #tpu.memory_space<vmem>> -> memref<128xi32, #tpu.memory_space<vmem>>
        %dma_wait3A_71 = arith.constant 0 : i32
        %dma_wait3A_72 = arith.constant 0 : i32
        %dma_wait3A_73 = tpu.memref_slice %arg11[%dma_wait3A_71, %dma_wait3A_72] : memref<10240x128xf32, #tpu.memory_space<vmem_shared>> -> memref<10240x128xf32, #tpu.memory_space<vmem_shared>>
        tpu.wait_indirect_dma semaphore(%run_scoped3A : memref<!tpu.dma_semaphore, #tpu.memory_space<semaphore_mem>>) src(%arg10 : memref<128x128xf32, #tpu.memory_space<vmem>>) dst(%dma_wait3A_73 : memref<10240x128xf32, #tpu.memory_space<vmem_shared>>)
        tpu.yield
      }) : () -> ()
      %scan3A_61 = arith.constant 0 : i32
      scf.yield %scan3A_61 : i32
    }
    %scan3A_16 = arith.constant 20 : i32
    "tpu.region"() ({
      %run_scoped3A = tpu.sem_alloc : memref<!tpu.dma_semaphore, #tpu.memory_space<semaphore_mem>>
      %dma_start3A_36 = arith.constant 40 : i32
      %dma_start3A_37 = arith.constant 0 : i32
      %dma_start3A_38 = tpu.memref_slice %arg3[%add3A, %dma_start3A_36, %dma_start3A_37] : memref<32x80x128xi32, #tpu.memory_space<hbm>> -> memref<1x40x128xi32, #tpu.memory_space<hbm>>
      %dma_start3A_39 = tpu.memref_squeeze %dma_start3A_38 : memref<1x40x128xi32, #tpu.memory_space<hbm>> -> memref<40x128xi32, #tpu.memory_space<hbm>>
      %dma_start3A_40 = arith.constant 40 : i32
      %dma_start3A_41 = arith.constant 0 : i32
      %dma_start3A_42 = tpu.memref_slice %arg3[%add3A, %dma_start3A_40, %dma_start3A_41] : memref<32x80x128xi32, #tpu.memory_space<hbm>> -> memref<1x40x128xi32, #tpu.memory_space<hbm>>
      %dma_start3A_43 = tpu.memref_squeeze %dma_start3A_42 : memref<1x40x128xi32, #tpu.memory_space<hbm>> -> memref<40x128xi32, #tpu.memory_space<hbm>>
      tpu.enqueue_dma source(%dma_start3A_43 : memref<40x128xi32, #tpu.memory_space<hbm>>) target(%arg7 : memref<40x128xi32, #tpu.memory_space<vmem>>) target_semaphore(%run_scoped3A : memref<!tpu.dma_semaphore, #tpu.memory_space<semaphore_mem>>)
      %dma_wait3A = arith.constant 40 : i32
      %dma_wait3A_44 = arith.constant 0 : i32
      %dma_wait3A_45 = tpu.memref_slice %arg3[%add3A, %dma_wait3A, %dma_wait3A_44] : memref<32x80x128xi32, #tpu.memory_space<hbm>> -> memref<1x40x128xi32, #tpu.memory_space<hbm>>
      %dma_wait3A_46 = tpu.memref_squeeze %dma_wait3A_45 : memref<1x40x128xi32, #tpu.memory_space<hbm>> -> memref<40x128xi32, #tpu.memory_space<hbm>>
      %dma_wait3A_47 = arith.constant 40 : i32
      %dma_wait3A_48 = arith.constant 0 : i32
      %dma_wait3A_49 = tpu.memref_slice %arg3[%add3A, %dma_wait3A_47, %dma_wait3A_48] : memref<32x80x128xi32, #tpu.memory_space<hbm>> -> memref<1x40x128xi32, #tpu.memory_space<hbm>>
      %dma_wait3A_50 = tpu.memref_squeeze %dma_wait3A_49 : memref<1x40x128xi32, #tpu.memory_space<hbm>> -> memref<40x128xi32, #tpu.memory_space<hbm>>
      tpu.wait_dma2 semaphore(%run_scoped3A : memref<!tpu.dma_semaphore, #tpu.memory_space<semaphore_mem>>) src(%dma_wait3A_50 : memref<40x128xi32, #tpu.memory_space<hbm>>) dst(%arg7 : memref<40x128xi32, #tpu.memory_space<vmem>>)
      tpu.yield
    }) : () -> ()
    "tpu.region"() ({
      %run_scoped3A = tpu.sem_alloc : memref<!tpu.dma_semaphore, #tpu.memory_space<semaphore_mem>>
      %dma_start3A_36 = arith.constant 40 : i32
      %dma_start3A_37 = arith.constant 0 : i32
      %dma_start3A_38 = tpu.memref_slice %arg4[%add3A, %dma_start3A_36, %dma_start3A_37] : memref<32x80x128xi32, #tpu.memory_space<hbm>> -> memref<1x40x128xi32, #tpu.memory_space<hbm>>
      %dma_start3A_39 = tpu.memref_squeeze %dma_start3A_38 : memref<1x40x128xi32, #tpu.memory_space<hbm>> -> memref<40x128xi32, #tpu.memory_space<hbm>>
      %dma_start3A_40 = arith.constant 40 : i32
      %dma_start3A_41 = arith.constant 0 : i32
      %dma_start3A_42 = tpu.memref_slice %arg4[%add3A, %dma_start3A_40, %dma_start3A_41] : memref<32x80x128xi32, #tpu.memory_space<hbm>> -> memref<1x40x128xi32, #tpu.memory_space<hbm>>
      %dma_start3A_43 = tpu.memref_squeeze %dma_start3A_42 : memref<1x40x128xi32, #tpu.memory_space<hbm>> -> memref<40x128xi32, #tpu.memory_space<hbm>>
      tpu.enqueue_dma source(%dma_start3A_43 : memref<40x128xi32, #tpu.memory_space<hbm>>) target(%arg8 : memref<40x128xi32, #tpu.memory_space<vmem>>) target_semaphore(%run_scoped3A : memref<!tpu.dma_semaphore, #tpu.memory_space<semaphore_mem>>)
      %dma_wait3A = arith.constant 40 : i32
      %dma_wait3A_44 = arith.constant 0 : i32
      %dma_wait3A_45 = tpu.memref_slice %arg4[%add3A, %dma_wait3A, %dma_wait3A_44] : memref<32x80x128xi32, #tpu.memory_space<hbm>> -> memref<1x40x128xi32, #tpu.memory_space<hbm>>
      %dma_wait3A_46 = tpu.memref_squeeze %dma_wait3A_45 : memref<1x40x128xi32, #tpu.memory_space<hbm>> -> memref<40x128xi32, #tpu.memory_space<hbm>>
      %dma_wait3A_47 = arith.constant 40 : i32
      %dma_wait3A_48 = arith.constant 0 : i32
      %dma_wait3A_49 = tpu.memref_slice %arg4[%add3A, %dma_wait3A_47, %dma_wait3A_48] : memref<32x80x128xi32, #tpu.memory_space<hbm>> -> memref<1x40x128xi32, #tpu.memory_space<hbm>>
      %dma_wait3A_50 = tpu.memref_squeeze %dma_wait3A_49 : memref<1x40x128xi32, #tpu.memory_space<hbm>> -> memref<40x128xi32, #tpu.memory_space<hbm>>
      tpu.wait_dma2 semaphore(%run_scoped3A : memref<!tpu.dma_semaphore, #tpu.memory_space<semaphore_mem>>) src(%dma_wait3A_50 : memref<40x128xi32, #tpu.memory_space<hbm>>) dst(%arg8 : memref<40x128xi32, #tpu.memory_space<vmem>>)
      tpu.yield
    }) : () -> ()
    %dma_start3A_17 = arith.constant 0 : i32
    %dma_start3A_18 = arith.constant 0 : i32
    %dma_start3A_19 = tpu.memref_slice %arg7[%dma_start3A_17, %dma_start3A_18] : memref<40x128xi32, #tpu.memory_space<vmem>> -> memref<1x128xi32, #tpu.memory_space<vmem>>
    %dma_start3A_20 = tpu.memref_squeeze %dma_start3A_19 : memref<1x128xi32, #tpu.memory_space<vmem>> -> memref<128xi32, #tpu.memory_space<vmem>>
    %dma_start3A_21 = arith.constant 0 : i32
    %dma_start3A_22 = arith.constant 0 : i32
    %dma_start3A_23 = tpu.memref_slice %arg2[%dma_start3A_21, %dma_start3A_22] : memref<10240x128xf32, #tpu.memory_space<hbm>> -> memref<10240x128xf32, #tpu.memory_space<hbm>>
    tpu.enqueue_indirect_dma source(%dma_start3A_23 : memref<10240x128xf32, #tpu.memory_space<hbm>>) target(%arg9 : memref<128x128xf32, #tpu.memory_space<vmem>>) offsets(%dma_start3A_20 : memref<128xi32, #tpu.memory_space<vmem>>) semaphore(%arg12 : memref<!tpu.dma_semaphore, #tpu.memory_space<semaphore_mem>>)
    %scan3A_24 = arith.constant 0 : i32
    %scan3A_25 = arith.constant 0 : i32
    %scan3A_26 = arith.constant 20 : i32
    %scan3A_27 = arith.addi %scan3A_25, %scan3A_26 : i32
    %scan3A_28 = arith.constant 1 : i32
    %scan3A_29 = scf.for %scan3A_36 = %scan3A_25 to %scan3A_27 step %scan3A_28 iter_args(%scan3A_37 = %scan3A_24) -> (i32)  : i32 {
      %mul3A_38 = arith.constant 2 : i32
      %mul3A_39 = arith.muli %mul3A_38, %scan3A_36 : i32
      %add3A_40 = arith.constant 1 : i32
      %add3A_41 = arith.addi %mul3A_39, %add3A_40 : i32
      %dma_start3A_42 = arith.constant 0 : i32
      %dma_start3A_43 = tpu.memref_slice %arg7[%add3A_41, %dma_start3A_42] : memref<40x128xi32, #tpu.memory_space<vmem>> -> memref<1x128xi32, #tpu.memory_space<vmem>>
      %dma_start3A_44 = tpu.memref_squeeze %dma_start3A_43 : memref<1x128xi32, #tpu.memory_space<vmem>> -> memref<128xi32, #tpu.memory_space<vmem>>
      %dma_start3A_45 = arith.constant 0 : i32
      %dma_start3A_46 = arith.constant 0 : i32
      %dma_start3A_47 = tpu.memref_slice %arg2[%dma_start3A_45, %dma_start3A_46] : memref<10240x128xf32, #tpu.memory_space<hbm>> -> memref<10240x128xf32, #tpu.memory_space<hbm>>
      tpu.enqueue_indirect_dma source(%dma_start3A_47 : memref<10240x128xf32, #tpu.memory_space<hbm>>) target(%arg10 : memref<128x128xf32, #tpu.memory_space<vmem>>) offsets(%dma_start3A_44 : memref<128xi32, #tpu.memory_space<vmem>>) semaphore(%arg13 : memref<!tpu.dma_semaphore, #tpu.memory_space<semaphore_mem>>)
      %dma_wait3A = arith.constant 0 : i32
      %dma_wait3A_48 = tpu.memref_slice %arg7[%mul3A_39, %dma_wait3A] : memref<40x128xi32, #tpu.memory_space<vmem>> -> memref<1x128xi32, #tpu.memory_space<vmem>>
      %dma_wait3A_49 = tpu.memref_squeeze %dma_wait3A_48 : memref<1x128xi32, #tpu.memory_space<vmem>> -> memref<128xi32, #tpu.memory_space<vmem>>
      %dma_wait3A_50 = arith.constant 0 : i32
      %dma_wait3A_51 = arith.constant 0 : i32
      %dma_wait3A_52 = tpu.memref_slice %arg2[%dma_wait3A_50, %dma_wait3A_51] : memref<10240x128xf32, #tpu.memory_space<hbm>> -> memref<10240x128xf32, #tpu.memory_space<hbm>>
      tpu.wait_indirect_dma semaphore(%arg12 : memref<!tpu.dma_semaphore, #tpu.memory_space<semaphore_mem>>) src(%dma_wait3A_52 : memref<10240x128xf32, #tpu.memory_space<hbm>>) dst(%arg9 : memref<128x128xf32, #tpu.memory_space<vmem>>)
      "tpu.region"() ({
        %run_scoped3A = tpu.sem_alloc : memref<!tpu.dma_semaphore, #tpu.memory_space<semaphore_mem>>
        %dma_start3A_62 = arith.constant 0 : i32
        %dma_start3A_63 = tpu.memref_slice %arg8[%mul3A_39, %dma_start3A_62] : memref<40x128xi32, #tpu.memory_space<vmem>> -> memref<1x128xi32, #tpu.memory_space<vmem>>
        %dma_start3A_64 = tpu.memref_squeeze %dma_start3A_63 : memref<1x128xi32, #tpu.memory_space<vmem>> -> memref<128xi32, #tpu.memory_space<vmem>>
        %dma_start3A_65 = arith.constant 0 : i32
        %dma_start3A_66 = arith.constant 0 : i32
        %dma_start3A_67 = tpu.memref_slice %arg11[%dma_start3A_65, %dma_start3A_66] : memref<10240x128xf32, #tpu.memory_space<vmem_shared>> -> memref<10240x128xf32, #tpu.memory_space<vmem_shared>>
        tpu.enqueue_indirect_dma source(%arg9 : memref<128x128xf32, #tpu.memory_space<vmem>>) target(%dma_start3A_67 : memref<10240x128xf32, #tpu.memory_space<vmem_shared>>) offsets(%dma_start3A_64 : memref<128xi32, #tpu.memory_space<vmem>>) semaphore(%run_scoped3A : memref<!tpu.dma_semaphore, #tpu.memory_space<semaphore_mem>>) {add = true}
        %dma_wait3A_68 = arith.constant 0 : i32
        %dma_wait3A_69 = tpu.memref_slice %arg8[%mul3A_39, %dma_wait3A_68] : memref<40x128xi32, #tpu.memory_space<vmem>> -> memref<1x128xi32, #tpu.memory_space<vmem>>
        %dma_wait3A_70 = tpu.memref_squeeze %dma_wait3A_69 : memref<1x128xi32, #tpu.memory_space<vmem>> -> memref<128xi32, #tpu.memory_space<vmem>>
        %dma_wait3A_71 = arith.constant 0 : i32
        %dma_wait3A_72 = arith.constant 0 : i32
        %dma_wait3A_73 = tpu.memref_slice %arg11[%dma_wait3A_71, %dma_wait3A_72] : memref<10240x128xf32, #tpu.memory_space<vmem_shared>> -> memref<10240x128xf32, #tpu.memory_space<vmem_shared>>
        tpu.wait_indirect_dma semaphore(%run_scoped3A : memref<!tpu.dma_semaphore, #tpu.memory_space<semaphore_mem>>) src(%arg9 : memref<128x128xf32, #tpu.memory_space<vmem>>) dst(%dma_wait3A_73 : memref<10240x128xf32, #tpu.memory_space<vmem_shared>>)
        tpu.yield
      }) : () -> ()
      %lt3A = arith.constant 19 : i32
      %lt3A_53 = arith.cmpi slt, %scan3A_36, %lt3A : i32
      %convert_element_type3A = arith.extui %lt3A_53 : i1 to i32
      %cond3A = arith.constant 0 : i32
      %cond3A_54 = arith.cmpi ne, %convert_element_type3A, %cond3A : i32
      scf.if %cond3A_54 {
        %add3A_62 = arith.constant 2 : i32
        %add3A_63 = arith.addi %mul3A_39, %add3A_62 : i32
        %dma_start3A_64 = arith.constant 0 : i32
        %dma_start3A_65 = tpu.memref_slice %arg7[%add3A_63, %dma_start3A_64] : memref<40x128xi32, #tpu.memory_space<vmem>> -> memref<1x128xi32, #tpu.memory_space<vmem>>
        %dma_start3A_66 = tpu.memref_squeeze %dma_start3A_65 : memref<1x128xi32, #tpu.memory_space<vmem>> -> memref<128xi32, #tpu.memory_space<vmem>>
        %dma_start3A_67 = arith.constant 0 : i32
        %dma_start3A_68 = arith.constant 0 : i32
        %dma_start3A_69 = tpu.memref_slice %arg2[%dma_start3A_67, %dma_start3A_68] : memref<10240x128xf32, #tpu.memory_space<hbm>> -> memref<10240x128xf32, #tpu.memory_space<hbm>>
        tpu.enqueue_indirect_dma source(%dma_start3A_69 : memref<10240x128xf32, #tpu.memory_space<hbm>>) target(%arg9 : memref<128x128xf32, #tpu.memory_space<vmem>>) offsets(%dma_start3A_66 : memref<128xi32, #tpu.memory_space<vmem>>) semaphore(%arg12 : memref<!tpu.dma_semaphore, #tpu.memory_space<semaphore_mem>>)
      } else {
      }
      %dma_wait3A_55 = arith.constant 0 : i32
      %dma_wait3A_56 = tpu.memref_slice %arg7[%add3A_41, %dma_wait3A_55] : memref<40x128xi32, #tpu.memory_space<vmem>> -> memref<1x128xi32, #tpu.memory_space<vmem>>
      %dma_wait3A_57 = tpu.memref_squeeze %dma_wait3A_56 : memref<1x128xi32, #tpu.memory_space<vmem>> -> memref<128xi32, #tpu.memory_space<vmem>>
      %dma_wait3A_58 = arith.constant 0 : i32
      %dma_wait3A_59 = arith.constant 0 : i32
      %dma_wait3A_60 = tpu.memref_slice %arg2[%dma_wait3A_58, %dma_wait3A_59] : memref<10240x128xf32, #tpu.memory_space<hbm>> -> memref<10240x128xf32, #tpu.memory_space<hbm>>
      tpu.wait_indirect_dma semaphore(%arg13 : memref<!tpu.dma_semaphore, #tpu.memory_space<semaphore_mem>>) src(%dma_wait3A_60 : memref<10240x128xf32, #tpu.memory_space<hbm>>) dst(%arg10 : memref<128x128xf32, #tpu.memory_space<vmem>>)
      "tpu.region"() ({
        %run_scoped3A = tpu.sem_alloc : memref<!tpu.dma_semaphore, #tpu.memory_space<semaphore_mem>>
        %dma_start3A_62 = arith.constant 0 : i32
        %dma_start3A_63 = tpu.memref_slice %arg8[%add3A_41, %dma_start3A_62] : memref<40x128xi32, #tpu.memory_space<vmem>> -> memref<1x128xi32, #tpu.memory_space<vmem>>
        %dma_start3A_64 = tpu.memref_squeeze %dma_start3A_63 : memref<1x128xi32, #tpu.memory_space<vmem>> -> memref<128xi32, #tpu.memory_space<vmem>>
        %dma_start3A_65 = arith.constant 0 : i32
        %dma_start3A_66 = arith.constant 0 : i32
        %dma_start3A_67 = tpu.memref_slice %arg11[%dma_start3A_65, %dma_start3A_66] : memref<10240x128xf32, #tpu.memory_space<vmem_shared>> -> memref<10240x128xf32, #tpu.memory_space<vmem_shared>>
        tpu.enqueue_indirect_dma source(%arg10 : memref<128x128xf32, #tpu.memory_space<vmem>>) target(%dma_start3A_67 : memref<10240x128xf32, #tpu.memory_space<vmem_shared>>) offsets(%dma_start3A_64 : memref<128xi32, #tpu.memory_space<vmem>>) semaphore(%run_scoped3A : memref<!tpu.dma_semaphore, #tpu.memory_space<semaphore_mem>>) {add = true}
        %dma_wait3A_68 = arith.constant 0 : i32
        %dma_wait3A_69 = tpu.memref_slice %arg8[%add3A_41, %dma_wait3A_68] : memref<40x128xi32, #tpu.memory_space<vmem>> -> memref<1x128xi32, #tpu.memory_space<vmem>>
        %dma_wait3A_70 = tpu.memref_squeeze %dma_wait3A_69 : memref<1x128xi32, #tpu.memory_space<vmem>> -> memref<128xi32, #tpu.memory_space<vmem>>
        %dma_wait3A_71 = arith.constant 0 : i32
        %dma_wait3A_72 = arith.constant 0 : i32
        %dma_wait3A_73 = tpu.memref_slice %arg11[%dma_wait3A_71, %dma_wait3A_72] : memref<10240x128xf32, #tpu.memory_space<vmem_shared>> -> memref<10240x128xf32, #tpu.memory_space<vmem_shared>>
        tpu.wait_indirect_dma semaphore(%run_scoped3A : memref<!tpu.dma_semaphore, #tpu.memory_space<semaphore_mem>>) src(%arg10 : memref<128x128xf32, #tpu.memory_space<vmem>>) dst(%dma_wait3A_73 : memref<10240x128xf32, #tpu.memory_space<vmem_shared>>)
        tpu.yield
      }) : () -> ()
      %scan3A_61 = arith.constant 0 : i32
      scf.yield %scan3A_61 : i32
    }
    %scan3A_30 = arith.constant 20 : i32
    %barrier3A_31 = arith.constant 0 : index
    tpu.barrier barrier_id(%barrier3A_31)
    %mul3A_32 = arith.constant 640 : i32
    %mul3A_33 = arith.muli %arg1, %mul3A_32 : i32
    %mul3A_34 = arith.constant 640 : i32
    %mul3A_35 = arith.muli %arg1, %mul3A_34 : i32
    "tpu.region"() ({
      %run_scoped3A = tpu.sem_alloc : memref<!tpu.dma_semaphore, #tpu.memory_space<semaphore_mem>>
      %dma_start3A_36 = arith.constant 0 : i32
      %dma_start3A_37 = tpu.memref_slice %arg6[%arg0, %mul3A_35, %dma_start3A_36] : memref<2x10240x128xf32, #tpu.memory_space<hbm>> -> memref<1x640x128xf32, #tpu.memory_space<hbm>>
      %dma_start3A_38 = tpu.memref_squeeze %dma_start3A_37 : memref<1x640x128xf32, #tpu.memory_space<hbm>> -> memref<640x128xf32, #tpu.memory_space<hbm>>
      %dma_start3A_39 = arith.constant 0 : i32
      %dma_start3A_40 = tpu.memref_slice %arg11[%mul3A_33, %dma_start3A_39] : memref<10240x128xf32, #tpu.memory_space<vmem_shared>> -> memref<640x128xf32, #tpu.memory_space<vmem_shared>>
      tpu.enqueue_dma source(%dma_start3A_40 : memref<640x128xf32, #tpu.memory_space<vmem_shared>>) target(%dma_start3A_38 : memref<640x128xf32, #tpu.memory_space<hbm>>) target_semaphore(%run_scoped3A : memref<!tpu.dma_semaphore, #tpu.memory_space<semaphore_mem>>)
      %dma_wait3A = arith.constant 0 : i32
      %dma_wait3A_41 = tpu.memref_slice %arg6[%arg0, %mul3A_35, %dma_wait3A] : memref<2x10240x128xf32, #tpu.memory_space<hbm>> -> memref<1x640x128xf32, #tpu.memory_space<hbm>>
      %dma_wait3A_42 = tpu.memref_squeeze %dma_wait3A_41 : memref<1x640x128xf32, #tpu.memory_space<hbm>> -> memref<640x128xf32, #tpu.memory_space<hbm>>
      %dma_wait3A_43 = arith.constant 0 : i32
      %dma_wait3A_44 = tpu.memref_slice %arg11[%mul3A_33, %dma_wait3A_43] : memref<10240x128xf32, #tpu.memory_space<vmem_shared>> -> memref<640x128xf32, #tpu.memory_space<vmem_shared>>
      tpu.wait_dma2 semaphore(%run_scoped3A : memref<!tpu.dma_semaphore, #tpu.memory_space<semaphore_mem>>) src(%dma_wait3A_44 : memref<640x128xf32, #tpu.memory_space<vmem_shared>>) dst(%dma_wait3A_42 : memref<640x128xf32, #tpu.memory_space<hbm>>)
      tpu.yield
    }) : () -> ()
    return
  }
}

#map = affine_map<(d0, d1) -> (0, 0)>
#map1 = affine_map<(d0, d1) -> (0, 0, 0)>
module attributes {stable_mosaic.version = 14 : i64} {
  func.func @_segsum_kernel(%arg0: i32, %arg1: i32, %arg2: memref<10240x128xf32, #tpu.memory_space<hbm>>, %arg3: memref<32x80x128xi32, #tpu.memory_space<hbm>>, %arg4: memref<32x80x128xi32, #tpu.memory_space<hbm>>, %arg5: memref<10240x128xf32, #tpu.memory_space<hbm>>, %arg6: memref<2x10240x128xf32, #tpu.memory_space<hbm>>, %arg7: memref<40x128xi32, #tpu.memory_space<vmem>>, %arg8: memref<40x128xi32, #tpu.memory_space<vmem>>, %arg9: memref<128x128xf32, #tpu.memory_space<vmem>>, %arg10: memref<128x128xf32, #tpu.memory_space<vmem>>, %arg11: memref<10240x128xf32, #tpu.memory_space<vmem_shared>>, %arg12: memref<!tpu.dma_semaphore, #tpu.memory_space<semaphore_mem>>, %arg13: memref<!tpu.dma_semaphore, #tpu.memory_space<semaphore_mem>>) attributes {dimension_semantics = [#tpu.dimension_semantics<core_parallel>, #tpu.dimension_semantics<subcore_parallel>], iteration_bounds = array<i64: 2, 16>, scalar_prefetch = 0 : i64, scratch_operands = 7 : i64, tpu.core_type = #tpu.core_type<sc_vector_subcore>, window_params = [{transform_indices = #map}, {transform_indices = #map1}, {transform_indices = #map1}, {transform_indices = #map}, {transform_indices = #map1}]} {
    %mul3A = arith.constant 2 : i32
    %mul3A_0 = arith.muli %arg1, %mul3A : i32
    %add3A = arith.addi %mul3A_0, %arg0 : i32
    %mul3A_1 = arith.constant 640 : i32
    %mul3A_2 = arith.muli %arg1, %mul3A_1 : i32
    %mul3A_3 = arith.constant 640 : i32
    %mul3A_4 = arith.muli %arg1, %mul3A_3 : i32
    "tpu.region"() ({
      %run_scoped3A = tpu.sem_alloc : memref<!tpu.dma_semaphore, #tpu.memory_space<semaphore_mem>>
      %dma_start3A_36 = arith.constant 0 : i32
      %dma_start3A_37 = tpu.memref_slice %arg11[%mul3A_4, %dma_start3A_36] : memref<10240x128xf32, #tpu.memory_space<vmem_shared>> -> memref<640x128xf32, #tpu.memory_space<vmem_shared>>
      %dma_start3A_38 = arith.constant 0 : i32
      %dma_start3A_39 = tpu.memref_slice %arg5[%mul3A_2, %dma_start3A_38] : memref<10240x128xf32, #tpu.memory_space<hbm>> -> memref<640x128xf32, #tpu.memory_space<hbm>>
      tpu.enqueue_dma source(%dma_start3A_39 : memref<640x128xf32, #tpu.memory_space<hbm>>) target(%dma_start3A_37 : memref<640x128xf32, #tpu.memory_space<vmem_shared>>) target_semaphore(%run_scoped3A : memref<!tpu.dma_semaphore, #tpu.memory_space<semaphore_mem>>)
      %dma_wait3A = arith.constant 0 : i32
      %dma_wait3A_40 = tpu.memref_slice %arg11[%mul3A_4, %dma_wait3A] : memref<10240x128xf32, #tpu.memory_space<vmem_shared>> -> memref<640x128xf32, #tpu.memory_space<vmem_shared>>
      %dma_wait3A_41 = arith.constant 0 : i32
      %dma_wait3A_42 = tpu.memref_slice %arg5[%mul3A_2, %dma_wait3A_41] : memref<10240x128xf32, #tpu.memory_space<hbm>> -> memref<640x128xf32, #tpu.memory_space<hbm>>
      tpu.wait_dma2 semaphore(%run_scoped3A : memref<!tpu.dma_semaphore, #tpu.memory_space<semaphore_mem>>) src(%dma_wait3A_42 : memref<640x128xf32, #tpu.memory_space<hbm>>) dst(%dma_wait3A_40 : memref<640x128xf32, #tpu.memory_space<vmem_shared>>)
      tpu.yield
    }) : () -> ()
    %barrier3A = arith.constant 0 : index
    tpu.barrier barrier_id(%barrier3A)
    "tpu.region"() ({
      %run_scoped3A = tpu.sem_alloc : memref<!tpu.dma_semaphore, #tpu.memory_space<semaphore_mem>>
      %dma_start3A_36 = arith.constant 0 : i32
      %dma_start3A_37 = arith.constant 0 : i32
      %dma_start3A_38 = tpu.memref_slice %arg3[%add3A, %dma_start3A_36, %dma_start3A_37] : memref<32x80x128xi32, #tpu.memory_space<hbm>> -> memref<1x40x128xi32, #tpu.memory_space<hbm>>
      %dma_start3A_39 = tpu.memref_squeeze %dma_start3A_38 : memref<1x40x128xi32, #tpu.memory_space<hbm>> -> memref<40x128xi32, #tpu.memory_space<hbm>>
      %dma_start3A_40 = arith.constant 0 : i32
      %dma_start3A_41 = arith.constant 0 : i32
      %dma_start3A_42 = tpu.memref_slice %arg3[%add3A, %dma_start3A_40, %dma_start3A_41] : memref<32x80x128xi32, #tpu.memory_space<hbm>> -> memref<1x40x128xi32, #tpu.memory_space<hbm>>
      %dma_start3A_43 = tpu.memref_squeeze %dma_start3A_42 : memref<1x40x128xi32, #tpu.memory_space<hbm>> -> memref<40x128xi32, #tpu.memory_space<hbm>>
      tpu.enqueue_dma source(%dma_start3A_43 : memref<40x128xi32, #tpu.memory_space<hbm>>) target(%arg7 : memref<40x128xi32, #tpu.memory_space<vmem>>) target_semaphore(%run_scoped3A : memref<!tpu.dma_semaphore, #tpu.memory_space<semaphore_mem>>)
      %dma_wait3A = arith.constant 0 : i32
      %dma_wait3A_44 = arith.constant 0 : i32
      %dma_wait3A_45 = tpu.memref_slice %arg3[%add3A, %dma_wait3A, %dma_wait3A_44] : memref<32x80x128xi32, #tpu.memory_space<hbm>> -> memref<1x40x128xi32, #tpu.memory_space<hbm>>
      %dma_wait3A_46 = tpu.memref_squeeze %dma_wait3A_45 : memref<1x40x128xi32, #tpu.memory_space<hbm>> -> memref<40x128xi32, #tpu.memory_space<hbm>>
      %dma_wait3A_47 = arith.constant 0 : i32
      %dma_wait3A_48 = arith.constant 0 : i32
      %dma_wait3A_49 = tpu.memref_slice %arg3[%add3A, %dma_wait3A_47, %dma_wait3A_48] : memref<32x80x128xi32, #tpu.memory_space<hbm>> -> memref<1x40x128xi32, #tpu.memory_space<hbm>>
      %dma_wait3A_50 = tpu.memref_squeeze %dma_wait3A_49 : memref<1x40x128xi32, #tpu.memory_space<hbm>> -> memref<40x128xi32, #tpu.memory_space<hbm>>
      tpu.wait_dma2 semaphore(%run_scoped3A : memref<!tpu.dma_semaphore, #tpu.memory_space<semaphore_mem>>) src(%dma_wait3A_50 : memref<40x128xi32, #tpu.memory_space<hbm>>) dst(%arg7 : memref<40x128xi32, #tpu.memory_space<vmem>>)
      tpu.yield
    }) : () -> ()
    "tpu.region"() ({
      %run_scoped3A = tpu.sem_alloc : memref<!tpu.dma_semaphore, #tpu.memory_space<semaphore_mem>>
      %dma_start3A_36 = arith.constant 0 : i32
      %dma_start3A_37 = arith.constant 0 : i32
      %dma_start3A_38 = tpu.memref_slice %arg4[%add3A, %dma_start3A_36, %dma_start3A_37] : memref<32x80x128xi32, #tpu.memory_space<hbm>> -> memref<1x40x128xi32, #tpu.memory_space<hbm>>
      %dma_start3A_39 = tpu.memref_squeeze %dma_start3A_38 : memref<1x40x128xi32, #tpu.memory_space<hbm>> -> memref<40x128xi32, #tpu.memory_space<hbm>>
      %dma_start3A_40 = arith.constant 0 : i32
      %dma_start3A_41 = arith.constant 0 : i32
      %dma_start3A_42 = tpu.memref_slice %arg4[%add3A, %dma_start3A_40, %dma_start3A_41] : memref<32x80x128xi32, #tpu.memory_space<hbm>> -> memref<1x40x128xi32, #tpu.memory_space<hbm>>
      %dma_start3A_43 = tpu.memref_squeeze %dma_start3A_42 : memref<1x40x128xi32, #tpu.memory_space<hbm>> -> memref<40x128xi32, #tpu.memory_space<hbm>>
      tpu.enqueue_dma source(%dma_start3A_43 : memref<40x128xi32, #tpu.memory_space<hbm>>) target(%arg8 : memref<40x128xi32, #tpu.memory_space<vmem>>) target_semaphore(%run_scoped3A : memref<!tpu.dma_semaphore, #tpu.memory_space<semaphore_mem>>)
      %dma_wait3A = arith.constant 0 : i32
      %dma_wait3A_44 = arith.constant 0 : i32
      %dma_wait3A_45 = tpu.memref_slice %arg4[%add3A, %dma_wait3A, %dma_wait3A_44] : memref<32x80x128xi32, #tpu.memory_space<hbm>> -> memref<1x40x128xi32, #tpu.memory_space<hbm>>
      %dma_wait3A_46 = tpu.memref_squeeze %dma_wait3A_45 : memref<1x40x128xi32, #tpu.memory_space<hbm>> -> memref<40x128xi32, #tpu.memory_space<hbm>>
      %dma_wait3A_47 = arith.constant 0 : i32
      %dma_wait3A_48 = arith.constant 0 : i32
      %dma_wait3A_49 = tpu.memref_slice %arg4[%add3A, %dma_wait3A_47, %dma_wait3A_48] : memref<32x80x128xi32, #tpu.memory_space<hbm>> -> memref<1x40x128xi32, #tpu.memory_space<hbm>>
      %dma_wait3A_50 = tpu.memref_squeeze %dma_wait3A_49 : memref<1x40x128xi32, #tpu.memory_space<hbm>> -> memref<40x128xi32, #tpu.memory_space<hbm>>
      tpu.wait_dma2 semaphore(%run_scoped3A : memref<!tpu.dma_semaphore, #tpu.memory_space<semaphore_mem>>) src(%dma_wait3A_50 : memref<40x128xi32, #tpu.memory_space<hbm>>) dst(%arg8 : memref<40x128xi32, #tpu.memory_space<vmem>>)
      tpu.yield
    }) : () -> ()
    %dma_start3A = arith.constant 0 : i32
    %dma_start3A_5 = arith.constant 0 : i32
    %dma_start3A_6 = tpu.memref_slice %arg7[%dma_start3A, %dma_start3A_5] : memref<40x128xi32, #tpu.memory_space<vmem>> -> memref<1x128xi32, #tpu.memory_space<vmem>>
    %dma_start3A_7 = tpu.memref_squeeze %dma_start3A_6 : memref<1x128xi32, #tpu.memory_space<vmem>> -> memref<128xi32, #tpu.memory_space<vmem>>
    %dma_start3A_8 = arith.constant 0 : i32
    %dma_start3A_9 = arith.constant 0 : i32
    %dma_start3A_10 = tpu.memref_slice %arg2[%dma_start3A_8, %dma_start3A_9] : memref<10240x128xf32, #tpu.memory_space<hbm>> -> memref<10240x128xf32, #tpu.memory_space<hbm>>
    tpu.enqueue_indirect_dma source(%dma_start3A_10 : memref<10240x128xf32, #tpu.memory_space<hbm>>) target(%arg9 : memref<128x128xf32, #tpu.memory_space<vmem>>) offsets(%dma_start3A_7 : memref<128xi32, #tpu.memory_space<vmem>>) semaphore(%arg12 : memref<!tpu.dma_semaphore, #tpu.memory_space<semaphore_mem>>)
    %scan3A = arith.constant 0 : i32
    %scan3A_11 = arith.constant 0 : i32
    %scan3A_12 = arith.constant 20 : i32
    %scan3A_13 = arith.addi %scan3A_11, %scan3A_12 : i32
    %scan3A_14 = arith.constant 1 : i32
    %scan3A_15 = scf.for %scan3A_36 = %scan3A_11 to %scan3A_13 step %scan3A_14 iter_args(%scan3A_37 = %scan3A) -> (i32)  : i32 {
      %mul3A_38 = arith.constant 2 : i32
      %mul3A_39 = arith.muli %mul3A_38, %scan3A_36 : i32
      %add3A_40 = arith.constant 1 : i32
      %add3A_41 = arith.addi %mul3A_39, %add3A_40 : i32
      %dma_start3A_42 = arith.constant 0 : i32
      %dma_start3A_43 = tpu.memref_slice %arg7[%add3A_41, %dma_start3A_42] : memref<40x128xi32, #tpu.memory_space<vmem>> -> memref<1x128xi32, #tpu.memory_space<vmem>>
      %dma_start3A_44 = tpu.memref_squeeze %dma_start3A_43 : memref<1x128xi32, #tpu.memory_space<vmem>> -> memref<128xi32, #tpu.memory_space<vmem>>
      %dma_start3A_45 = arith.constant 0 : i32
      %dma_start3A_46 = arith.constant 0 : i32
      %dma_start3A_47 = tpu.memref_slice %arg2[%dma_start3A_45, %dma_start3A_46] : memref<10240x128xf32, #tpu.memory_space<hbm>> -> memref<10240x128xf32, #tpu.memory_space<hbm>>
      tpu.enqueue_indirect_dma source(%dma_start3A_47 : memref<10240x128xf32, #tpu.memory_space<hbm>>) target(%arg10 : memref<128x128xf32, #tpu.memory_space<vmem>>) offsets(%dma_start3A_44 : memref<128xi32, #tpu.memory_space<vmem>>) semaphore(%arg13 : memref<!tpu.dma_semaphore, #tpu.memory_space<semaphore_mem>>)
      %dma_wait3A = arith.constant 0 : i32
      %dma_wait3A_48 = tpu.memref_slice %arg7[%mul3A_39, %dma_wait3A] : memref<40x128xi32, #tpu.memory_space<vmem>> -> memref<1x128xi32, #tpu.memory_space<vmem>>
      %dma_wait3A_49 = tpu.memref_squeeze %dma_wait3A_48 : memref<1x128xi32, #tpu.memory_space<vmem>> -> memref<128xi32, #tpu.memory_space<vmem>>
      %dma_wait3A_50 = arith.constant 0 : i32
      %dma_wait3A_51 = arith.constant 0 : i32
      %dma_wait3A_52 = tpu.memref_slice %arg2[%dma_wait3A_50, %dma_wait3A_51] : memref<10240x128xf32, #tpu.memory_space<hbm>> -> memref<10240x128xf32, #tpu.memory_space<hbm>>
      tpu.wait_indirect_dma semaphore(%arg12 : memref<!tpu.dma_semaphore, #tpu.memory_space<semaphore_mem>>) src(%dma_wait3A_52 : memref<10240x128xf32, #tpu.memory_space<hbm>>) dst(%arg9 : memref<128x128xf32, #tpu.memory_space<vmem>>)
      "tpu.region"() ({
        %run_scoped3A = tpu.sem_alloc : memref<!tpu.dma_semaphore, #tpu.memory_space<semaphore_mem>>
        %dma_start3A_62 = arith.constant 0 : i32
        %dma_start3A_63 = tpu.memref_slice %arg8[%mul3A_39, %dma_start3A_62] : memref<40x128xi32, #tpu.memory_space<vmem>> -> memref<1x128xi32, #tpu.memory_space<vmem>>
        %dma_start3A_64 = tpu.memref_squeeze %dma_start3A_63 : memref<1x128xi32, #tpu.memory_space<vmem>> -> memref<128xi32, #tpu.memory_space<vmem>>
        %dma_start3A_65 = arith.constant 0 : i32
        %dma_start3A_66 = arith.constant 0 : i32
        %dma_start3A_67 = tpu.memref_slice %arg11[%dma_start3A_65, %dma_start3A_66] : memref<10240x128xf32, #tpu.memory_space<vmem_shared>> -> memref<10240x128xf32, #tpu.memory_space<vmem_shared>>
        tpu.enqueue_indirect_dma source(%arg9 : memref<128x128xf32, #tpu.memory_space<vmem>>) target(%dma_start3A_67 : memref<10240x128xf32, #tpu.memory_space<vmem_shared>>) offsets(%dma_start3A_64 : memref<128xi32, #tpu.memory_space<vmem>>) semaphore(%run_scoped3A : memref<!tpu.dma_semaphore, #tpu.memory_space<semaphore_mem>>) {add = true}
        %dma_wait3A_68 = arith.constant 0 : i32
        %dma_wait3A_69 = tpu.memref_slice %arg8[%mul3A_39, %dma_wait3A_68] : memref<40x128xi32, #tpu.memory_space<vmem>> -> memref<1x128xi32, #tpu.memory_space<vmem>>
        %dma_wait3A_70 = tpu.memref_squeeze %dma_wait3A_69 : memref<1x128xi32, #tpu.memory_space<vmem>> -> memref<128xi32, #tpu.memory_space<vmem>>
        %dma_wait3A_71 = arith.constant 0 : i32
        %dma_wait3A_72 = arith.constant 0 : i32
        %dma_wait3A_73 = tpu.memref_slice %arg11[%dma_wait3A_71, %dma_wait3A_72] : memref<10240x128xf32, #tpu.memory_space<vmem_shared>> -> memref<10240x128xf32, #tpu.memory_space<vmem_shared>>
        tpu.wait_indirect_dma semaphore(%run_scoped3A : memref<!tpu.dma_semaphore, #tpu.memory_space<semaphore_mem>>) src(%arg9 : memref<128x128xf32, #tpu.memory_space<vmem>>) dst(%dma_wait3A_73 : memref<10240x128xf32, #tpu.memory_space<vmem_shared>>)
        tpu.yield
      }) : () -> ()
      %lt3A = arith.constant 19 : i32
      %lt3A_53 = arith.cmpi slt, %scan3A_36, %lt3A : i32
      %convert_element_type3A = arith.extui %lt3A_53 : i1 to i32
      %cond3A = arith.constant 0 : i32
      %cond3A_54 = arith.cmpi ne, %convert_element_type3A, %cond3A : i32
      scf.if %cond3A_54 {
        %add3A_62 = arith.constant 2 : i32
        %add3A_63 = arith.addi %mul3A_39, %add3A_62 : i32
        %dma_start3A_64 = arith.constant 0 : i32
        %dma_start3A_65 = tpu.memref_slice %arg7[%add3A_63, %dma_start3A_64] : memref<40x128xi32, #tpu.memory_space<vmem>> -> memref<1x128xi32, #tpu.memory_space<vmem>>
        %dma_start3A_66 = tpu.memref_squeeze %dma_start3A_65 : memref<1x128xi32, #tpu.memory_space<vmem>> -> memref<128xi32, #tpu.memory_space<vmem>>
        %dma_start3A_67 = arith.constant 0 : i32
        %dma_start3A_68 = arith.constant 0 : i32
        %dma_start3A_69 = tpu.memref_slice %arg2[%dma_start3A_67, %dma_start3A_68] : memref<10240x128xf32, #tpu.memory_space<hbm>> -> memref<10240x128xf32, #tpu.memory_space<hbm>>
        tpu.enqueue_indirect_dma source(%dma_start3A_69 : memref<10240x128xf32, #tpu.memory_space<hbm>>) target(%arg9 : memref<128x128xf32, #tpu.memory_space<vmem>>) offsets(%dma_start3A_66 : memref<128xi32, #tpu.memory_space<vmem>>) semaphore(%arg12 : memref<!tpu.dma_semaphore, #tpu.memory_space<semaphore_mem>>)
      } else {
      }
      %dma_wait3A_55 = arith.constant 0 : i32
      %dma_wait3A_56 = tpu.memref_slice %arg7[%add3A_41, %dma_wait3A_55] : memref<40x128xi32, #tpu.memory_space<vmem>> -> memref<1x128xi32, #tpu.memory_space<vmem>>
      %dma_wait3A_57 = tpu.memref_squeeze %dma_wait3A_56 : memref<1x128xi32, #tpu.memory_space<vmem>> -> memref<128xi32, #tpu.memory_space<vmem>>
      %dma_wait3A_58 = arith.constant 0 : i32
      %dma_wait3A_59 = arith.constant 0 : i32
      %dma_wait3A_60 = tpu.memref_slice %arg2[%dma_wait3A_58, %dma_wait3A_59] : memref<10240x128xf32, #tpu.memory_space<hbm>> -> memref<10240x128xf32, #tpu.memory_space<hbm>>
      tpu.wait_indirect_dma semaphore(%arg13 : memref<!tpu.dma_semaphore, #tpu.memory_space<semaphore_mem>>) src(%dma_wait3A_60 : memref<10240x128xf32, #tpu.memory_space<hbm>>) dst(%arg10 : memref<128x128xf32, #tpu.memory_space<vmem>>)
      "tpu.region"() ({
        %run_scoped3A = tpu.sem_alloc : memref<!tpu.dma_semaphore, #tpu.memory_space<semaphore_mem>>
        %dma_start3A_62 = arith.constant 0 : i32
        %dma_start3A_63 = tpu.memref_slice %arg8[%add3A_41, %dma_start3A_62] : memref<40x128xi32, #tpu.memory_space<vmem>> -> memref<1x128xi32, #tpu.memory_space<vmem>>
        %dma_start3A_64 = tpu.memref_squeeze %dma_start3A_63 : memref<1x128xi32, #tpu.memory_space<vmem>> -> memref<128xi32, #tpu.memory_space<vmem>>
        %dma_start3A_65 = arith.constant 0 : i32
        %dma_start3A_66 = arith.constant 0 : i32
        %dma_start3A_67 = tpu.memref_slice %arg11[%dma_start3A_65, %dma_start3A_66] : memref<10240x128xf32, #tpu.memory_space<vmem_shared>> -> memref<10240x128xf32, #tpu.memory_space<vmem_shared>>
        tpu.enqueue_indirect_dma source(%arg10 : memref<128x128xf32, #tpu.memory_space<vmem>>) target(%dma_start3A_67 : memref<10240x128xf32, #tpu.memory_space<vmem_shared>>) offsets(%dma_start3A_64 : memref<128xi32, #tpu.memory_space<vmem>>) semaphore(%run_scoped3A : memref<!tpu.dma_semaphore, #tpu.memory_space<semaphore_mem>>) {add = true}
        %dma_wait3A_68 = arith.constant 0 : i32
        %dma_wait3A_69 = tpu.memref_slice %arg8[%add3A_41, %dma_wait3A_68] : memref<40x128xi32, #tpu.memory_space<vmem>> -> memref<1x128xi32, #tpu.memory_space<vmem>>
        %dma_wait3A_70 = tpu.memref_squeeze %dma_wait3A_69 : memref<1x128xi32, #tpu.memory_space<vmem>> -> memref<128xi32, #tpu.memory_space<vmem>>
        %dma_wait3A_71 = arith.constant 0 : i32
        %dma_wait3A_72 = arith.constant 0 : i32
        %dma_wait3A_73 = tpu.memref_slice %arg11[%dma_wait3A_71, %dma_wait3A_72] : memref<10240x128xf32, #tpu.memory_space<vmem_shared>> -> memref<10240x128xf32, #tpu.memory_space<vmem_shared>>
        tpu.wait_indirect_dma semaphore(%run_scoped3A : memref<!tpu.dma_semaphore, #tpu.memory_space<semaphore_mem>>) src(%arg10 : memref<128x128xf32, #tpu.memory_space<vmem>>) dst(%dma_wait3A_73 : memref<10240x128xf32, #tpu.memory_space<vmem_shared>>)
        tpu.yield
      }) : () -> ()
      %scan3A_61 = arith.constant 0 : i32
      scf.yield %scan3A_61 : i32
    }
    %scan3A_16 = arith.constant 20 : i32
    "tpu.region"() ({
      %run_scoped3A = tpu.sem_alloc : memref<!tpu.dma_semaphore, #tpu.memory_space<semaphore_mem>>
      %dma_start3A_36 = arith.constant 40 : i32
      %dma_start3A_37 = arith.constant 0 : i32
      %dma_start3A_38 = tpu.memref_slice %arg3[%add3A, %dma_start3A_36, %dma_start3A_37] : memref<32x80x128xi32, #tpu.memory_space<hbm>> -> memref<1x40x128xi32, #tpu.memory_space<hbm>>
      %dma_start3A_39 = tpu.memref_squeeze %dma_start3A_38 : memref<1x40x128xi32, #tpu.memory_space<hbm>> -> memref<40x128xi32, #tpu.memory_space<hbm>>
      %dma_start3A_40 = arith.constant 40 : i32
      %dma_start3A_41 = arith.constant 0 : i32
      %dma_start3A_42 = tpu.memref_slice %arg3[%add3A, %dma_start3A_40, %dma_start3A_41] : memref<32x80x128xi32, #tpu.memory_space<hbm>> -> memref<1x40x128xi32, #tpu.memory_space<hbm>>
      %dma_start3A_43 = tpu.memref_squeeze %dma_start3A_42 : memref<1x40x128xi32, #tpu.memory_space<hbm>> -> memref<40x128xi32, #tpu.memory_space<hbm>>
      tpu.enqueue_dma source(%dma_start3A_43 : memref<40x128xi32, #tpu.memory_space<hbm>>) target(%arg7 : memref<40x128xi32, #tpu.memory_space<vmem>>) target_semaphore(%run_scoped3A : memref<!tpu.dma_semaphore, #tpu.memory_space<semaphore_mem>>)
      %dma_wait3A = arith.constant 40 : i32
      %dma_wait3A_44 = arith.constant 0 : i32
      %dma_wait3A_45 = tpu.memref_slice %arg3[%add3A, %dma_wait3A, %dma_wait3A_44] : memref<32x80x128xi32, #tpu.memory_space<hbm>> -> memref<1x40x128xi32, #tpu.memory_space<hbm>>
      %dma_wait3A_46 = tpu.memref_squeeze %dma_wait3A_45 : memref<1x40x128xi32, #tpu.memory_space<hbm>> -> memref<40x128xi32, #tpu.memory_space<hbm>>
      %dma_wait3A_47 = arith.constant 40 : i32
      %dma_wait3A_48 = arith.constant 0 : i32
      %dma_wait3A_49 = tpu.memref_slice %arg3[%add3A, %dma_wait3A_47, %dma_wait3A_48] : memref<32x80x128xi32, #tpu.memory_space<hbm>> -> memref<1x40x128xi32, #tpu.memory_space<hbm>>
      %dma_wait3A_50 = tpu.memref_squeeze %dma_wait3A_49 : memref<1x40x128xi32, #tpu.memory_space<hbm>> -> memref<40x128xi32, #tpu.memory_space<hbm>>
      tpu.wait_dma2 semaphore(%run_scoped3A : memref<!tpu.dma_semaphore, #tpu.memory_space<semaphore_mem>>) src(%dma_wait3A_50 : memref<40x128xi32, #tpu.memory_space<hbm>>) dst(%arg7 : memref<40x128xi32, #tpu.memory_space<vmem>>)
      tpu.yield
    }) : () -> ()
    "tpu.region"() ({
      %run_scoped3A = tpu.sem_alloc : memref<!tpu.dma_semaphore, #tpu.memory_space<semaphore_mem>>
      %dma_start3A_36 = arith.constant 40 : i32
      %dma_start3A_37 = arith.constant 0 : i32
      %dma_start3A_38 = tpu.memref_slice %arg4[%add3A, %dma_start3A_36, %dma_start3A_37] : memref<32x80x128xi32, #tpu.memory_space<hbm>> -> memref<1x40x128xi32, #tpu.memory_space<hbm>>
      %dma_start3A_39 = tpu.memref_squeeze %dma_start3A_38 : memref<1x40x128xi32, #tpu.memory_space<hbm>> -> memref<40x128xi32, #tpu.memory_space<hbm>>
      %dma_start3A_40 = arith.constant 40 : i32
      %dma_start3A_41 = arith.constant 0 : i32
      %dma_start3A_42 = tpu.memref_slice %arg4[%add3A, %dma_start3A_40, %dma_start3A_41] : memref<32x80x128xi32, #tpu.memory_space<hbm>> -> memref<1x40x128xi32, #tpu.memory_space<hbm>>
      %dma_start3A_43 = tpu.memref_squeeze %dma_start3A_42 : memref<1x40x128xi32, #tpu.memory_space<hbm>> -> memref<40x128xi32, #tpu.memory_space<hbm>>
      tpu.enqueue_dma source(%dma_start3A_43 : memref<40x128xi32, #tpu.memory_space<hbm>>) target(%arg8 : memref<40x128xi32, #tpu.memory_space<vmem>>) target_semaphore(%run_scoped3A : memref<!tpu.dma_semaphore, #tpu.memory_space<semaphore_mem>>)
      %dma_wait3A = arith.constant 40 : i32
      %dma_wait3A_44 = arith.constant 0 : i32
      %dma_wait3A_45 = tpu.memref_slice %arg4[%add3A, %dma_wait3A, %dma_wait3A_44] : memref<32x80x128xi32, #tpu.memory_space<hbm>> -> memref<1x40x128xi32, #tpu.memory_space<hbm>>
      %dma_wait3A_46 = tpu.memref_squeeze %dma_wait3A_45 : memref<1x40x128xi32, #tpu.memory_space<hbm>> -> memref<40x128xi32, #tpu.memory_space<hbm>>
      %dma_wait3A_47 = arith.constant 40 : i32
      %dma_wait3A_48 = arith.constant 0 : i32
      %dma_wait3A_49 = tpu.memref_slice %arg4[%add3A, %dma_wait3A_47, %dma_wait3A_48] : memref<32x80x128xi32, #tpu.memory_space<hbm>> -> memref<1x40x128xi32, #tpu.memory_space<hbm>>
      %dma_wait3A_50 = tpu.memref_squeeze %dma_wait3A_49 : memref<1x40x128xi32, #tpu.memory_space<hbm>> -> memref<40x128xi32, #tpu.memory_space<hbm>>
      tpu.wait_dma2 semaphore(%run_scoped3A : memref<!tpu.dma_semaphore, #tpu.memory_space<semaphore_mem>>) src(%dma_wait3A_50 : memref<40x128xi32, #tpu.memory_space<hbm>>) dst(%arg8 : memref<40x128xi32, #tpu.memory_space<vmem>>)
      tpu.yield
    }) : () -> ()
    %dma_start3A_17 = arith.constant 0 : i32
    %dma_start3A_18 = arith.constant 0 : i32
    %dma_start3A_19 = tpu.memref_slice %arg7[%dma_start3A_17, %dma_start3A_18] : memref<40x128xi32, #tpu.memory_space<vmem>> -> memref<1x128xi32, #tpu.memory_space<vmem>>
    %dma_start3A_20 = tpu.memref_squeeze %dma_start3A_19 : memref<1x128xi32, #tpu.memory_space<vmem>> -> memref<128xi32, #tpu.memory_space<vmem>>
    %dma_start3A_21 = arith.constant 0 : i32
    %dma_start3A_22 = arith.constant 0 : i32
    %dma_start3A_23 = tpu.memref_slice %arg2[%dma_start3A_21, %dma_start3A_22] : memref<10240x128xf32, #tpu.memory_space<hbm>> -> memref<10240x128xf32, #tpu.memory_space<hbm>>
    tpu.enqueue_indirect_dma source(%dma_start3A_23 : memref<10240x128xf32, #tpu.memory_space<hbm>>) target(%arg9 : memref<128x128xf32, #tpu.memory_space<vmem>>) offsets(%dma_start3A_20 : memref<128xi32, #tpu.memory_space<vmem>>) semaphore(%arg12 : memref<!tpu.dma_semaphore, #tpu.memory_space<semaphore_mem>>)
    %scan3A_24 = arith.constant 0 : i32
    %scan3A_25 = arith.constant 0 : i32
    %scan3A_26 = arith.constant 20 : i32
    %scan3A_27 = arith.addi %scan3A_25, %scan3A_26 : i32
    %scan3A_28 = arith.constant 1 : i32
    %scan3A_29 = scf.for %scan3A_36 = %scan3A_25 to %scan3A_27 step %scan3A_28 iter_args(%scan3A_37 = %scan3A_24) -> (i32)  : i32 {
      %mul3A_38 = arith.constant 2 : i32
      %mul3A_39 = arith.muli %mul3A_38, %scan3A_36 : i32
      %add3A_40 = arith.constant 1 : i32
      %add3A_41 = arith.addi %mul3A_39, %add3A_40 : i32
      %dma_start3A_42 = arith.constant 0 : i32
      %dma_start3A_43 = tpu.memref_slice %arg7[%add3A_41, %dma_start3A_42] : memref<40x128xi32, #tpu.memory_space<vmem>> -> memref<1x128xi32, #tpu.memory_space<vmem>>
      %dma_start3A_44 = tpu.memref_squeeze %dma_start3A_43 : memref<1x128xi32, #tpu.memory_space<vmem>> -> memref<128xi32, #tpu.memory_space<vmem>>
      %dma_start3A_45 = arith.constant 0 : i32
      %dma_start3A_46 = arith.constant 0 : i32
      %dma_start3A_47 = tpu.memref_slice %arg2[%dma_start3A_45, %dma_start3A_46] : memref<10240x128xf32, #tpu.memory_space<hbm>> -> memref<10240x128xf32, #tpu.memory_space<hbm>>
      tpu.enqueue_indirect_dma source(%dma_start3A_47 : memref<10240x128xf32, #tpu.memory_space<hbm>>) target(%arg10 : memref<128x128xf32, #tpu.memory_space<vmem>>) offsets(%dma_start3A_44 : memref<128xi32, #tpu.memory_space<vmem>>) semaphore(%arg13 : memref<!tpu.dma_semaphore, #tpu.memory_space<semaphore_mem>>)
      %dma_wait3A = arith.constant 0 : i32
      %dma_wait3A_48 = tpu.memref_slice %arg7[%mul3A_39, %dma_wait3A] : memref<40x128xi32, #tpu.memory_space<vmem>> -> memref<1x128xi32, #tpu.memory_space<vmem>>
      %dma_wait3A_49 = tpu.memref_squeeze %dma_wait3A_48 : memref<1x128xi32, #tpu.memory_space<vmem>> -> memref<128xi32, #tpu.memory_space<vmem>>
      %dma_wait3A_50 = arith.constant 0 : i32
      %dma_wait3A_51 = arith.constant 0 : i32
      %dma_wait3A_52 = tpu.memref_slice %arg2[%dma_wait3A_50, %dma_wait3A_51] : memref<10240x128xf32, #tpu.memory_space<hbm>> -> memref<10240x128xf32, #tpu.memory_space<hbm>>
      tpu.wait_indirect_dma semaphore(%arg12 : memref<!tpu.dma_semaphore, #tpu.memory_space<semaphore_mem>>) src(%dma_wait3A_52 : memref<10240x128xf32, #tpu.memory_space<hbm>>) dst(%arg9 : memref<128x128xf32, #tpu.memory_space<vmem>>)
      "tpu.region"() ({
        %run_scoped3A = tpu.sem_alloc : memref<!tpu.dma_semaphore, #tpu.memory_space<semaphore_mem>>
        %dma_start3A_62 = arith.constant 0 : i32
        %dma_start3A_63 = tpu.memref_slice %arg8[%mul3A_39, %dma_start3A_62] : memref<40x128xi32, #tpu.memory_space<vmem>> -> memref<1x128xi32, #tpu.memory_space<vmem>>
        %dma_start3A_64 = tpu.memref_squeeze %dma_start3A_63 : memref<1x128xi32, #tpu.memory_space<vmem>> -> memref<128xi32, #tpu.memory_space<vmem>>
        %dma_start3A_65 = arith.constant 0 : i32
        %dma_start3A_66 = arith.constant 0 : i32
        %dma_start3A_67 = tpu.memref_slice %arg11[%dma_start3A_65, %dma_start3A_66] : memref<10240x128xf32, #tpu.memory_space<vmem_shared>> -> memref<10240x128xf32, #tpu.memory_space<vmem_shared>>
        tpu.enqueue_indirect_dma source(%arg9 : memref<128x128xf32, #tpu.memory_space<vmem>>) target(%dma_start3A_67 : memref<10240x128xf32, #tpu.memory_space<vmem_shared>>) offsets(%dma_start3A_64 : memref<128xi32, #tpu.memory_space<vmem>>) semaphore(%run_scoped3A : memref<!tpu.dma_semaphore, #tpu.memory_space<semaphore_mem>>) {add = true}
        %dma_wait3A_68 = arith.constant 0 : i32
        %dma_wait3A_69 = tpu.memref_slice %arg8[%mul3A_39, %dma_wait3A_68] : memref<40x128xi32, #tpu.memory_space<vmem>> -> memref<1x128xi32, #tpu.memory_space<vmem>>
        %dma_wait3A_70 = tpu.memref_squeeze %dma_wait3A_69 : memref<1x128xi32, #tpu.memory_space<vmem>> -> memref<128xi32, #tpu.memory_space<vmem>>
        %dma_wait3A_71 = arith.constant 0 : i32
        %dma_wait3A_72 = arith.constant 0 : i32
        %dma_wait3A_73 = tpu.memref_slice %arg11[%dma_wait3A_71, %dma_wait3A_72] : memref<10240x128xf32, #tpu.memory_space<vmem_shared>> -> memref<10240x128xf32, #tpu.memory_space<vmem_shared>>
        tpu.wait_indirect_dma semaphore(%run_scoped3A : memref<!tpu.dma_semaphore, #tpu.memory_space<semaphore_mem>>) src(%arg9 : memref<128x128xf32, #tpu.memory_space<vmem>>) dst(%dma_wait3A_73 : memref<10240x128xf32, #tpu.memory_space<vmem_shared>>)
        tpu.yield
      }) : () -> ()
      %lt3A = arith.constant 19 : i32
      %lt3A_53 = arith.cmpi slt, %scan3A_36, %lt3A : i32
      %convert_element_type3A = arith.extui %lt3A_53 : i1 to i32
      %cond3A = arith.constant 0 : i32
      %cond3A_54 = arith.cmpi ne, %convert_element_type3A, %cond3A : i32
      scf.if %cond3A_54 {
        %add3A_62 = arith.constant 2 : i32
        %add3A_63 = arith.addi %mul3A_39, %add3A_62 : i32
        %dma_start3A_64 = arith.constant 0 : i32
        %dma_start3A_65 = tpu.memref_slice %arg7[%add3A_63, %dma_start3A_64] : memref<40x128xi32, #tpu.memory_space<vmem>> -> memref<1x128xi32, #tpu.memory_space<vmem>>
        %dma_start3A_66 = tpu.memref_squeeze %dma_start3A_65 : memref<1x128xi32, #tpu.memory_space<vmem>> -> memref<128xi32, #tpu.memory_space<vmem>>
        %dma_start3A_67 = arith.constant 0 : i32
        %dma_start3A_68 = arith.constant 0 : i32
        %dma_start3A_69 = tpu.memref_slice %arg2[%dma_start3A_67, %dma_start3A_68] : memref<10240x128xf32, #tpu.memory_space<hbm>> -> memref<10240x128xf32, #tpu.memory_space<hbm>>
        tpu.enqueue_indirect_dma source(%dma_start3A_69 : memref<10240x128xf32, #tpu.memory_space<hbm>>) target(%arg9 : memref<128x128xf32, #tpu.memory_space<vmem>>) offsets(%dma_start3A_66 : memref<128xi32, #tpu.memory_space<vmem>>) semaphore(%arg12 : memref<!tpu.dma_semaphore, #tpu.memory_space<semaphore_mem>>)
      } else {
      }
      %dma_wait3A_55 = arith.constant 0 : i32
      %dma_wait3A_56 = tpu.memref_slice %arg7[%add3A_41, %dma_wait3A_55] : memref<40x128xi32, #tpu.memory_space<vmem>> -> memref<1x128xi32, #tpu.memory_space<vmem>>
      %dma_wait3A_57 = tpu.memref_squeeze %dma_wait3A_56 : memref<1x128xi32, #tpu.memory_space<vmem>> -> memref<128xi32, #tpu.memory_space<vmem>>
      %dma_wait3A_58 = arith.constant 0 : i32
      %dma_wait3A_59 = arith.constant 0 : i32
      %dma_wait3A_60 = tpu.memref_slice %arg2[%dma_wait3A_58, %dma_wait3A_59] : memref<10240x128xf32, #tpu.memory_space<hbm>> -> memref<10240x128xf32, #tpu.memory_space<hbm>>
      tpu.wait_indirect_dma semaphore(%arg13 : memref<!tpu.dma_semaphore, #tpu.memory_space<semaphore_mem>>) src(%dma_wait3A_60 : memref<10240x128xf32, #tpu.memory_space<hbm>>) dst(%arg10 : memref<128x128xf32, #tpu.memory_space<vmem>>)
      "tpu.region"() ({
        %run_scoped3A = tpu.sem_alloc : memref<!tpu.dma_semaphore, #tpu.memory_space<semaphore_mem>>
        %dma_start3A_62 = arith.constant 0 : i32
        %dma_start3A_63 = tpu.memref_slice %arg8[%add3A_41, %dma_start3A_62] : memref<40x128xi32, #tpu.memory_space<vmem>> -> memref<1x128xi32, #tpu.memory_space<vmem>>
        %dma_start3A_64 = tpu.memref_squeeze %dma_start3A_63 : memref<1x128xi32, #tpu.memory_space<vmem>> -> memref<128xi32, #tpu.memory_space<vmem>>
        %dma_start3A_65 = arith.constant 0 : i32
        %dma_start3A_66 = arith.constant 0 : i32
        %dma_start3A_67 = tpu.memref_slice %arg11[%dma_start3A_65, %dma_start3A_66] : memref<10240x128xf32, #tpu.memory_space<vmem_shared>> -> memref<10240x128xf32, #tpu.memory_space<vmem_shared>>
        tpu.enqueue_indirect_dma source(%arg10 : memref<128x128xf32, #tpu.memory_space<vmem>>) target(%dma_start3A_67 : memref<10240x128xf32, #tpu.memory_space<vmem_shared>>) offsets(%dma_start3A_64 : memref<128xi32, #tpu.memory_space<vmem>>) semaphore(%run_scoped3A : memref<!tpu.dma_semaphore, #tpu.memory_space<semaphore_mem>>) {add = true}
        %dma_wait3A_68 = arith.constant 0 : i32
        %dma_wait3A_69 = tpu.memref_slice %arg8[%add3A_41, %dma_wait3A_68] : memref<40x128xi32, #tpu.memory_space<vmem>> -> memref<1x128xi32, #tpu.memory_space<vmem>>
        %dma_wait3A_70 = tpu.memref_squeeze %dma_wait3A_69 : memref<1x128xi32, #tpu.memory_space<vmem>> -> memref<128xi32, #tpu.memory_space<vmem>>
        %dma_wait3A_71 = arith.constant 0 : i32
        %dma_wait3A_72 = arith.constant 0 : i32
        %dma_wait3A_73 = tpu.memref_slice %arg11[%dma_wait3A_71, %dma_wait3A_72] : memref<10240x128xf32, #tpu.memory_space<vmem_shared>> -> memref<10240x128xf32, #tpu.memory_space<vmem_shared>>
        tpu.wait_indirect_dma semaphore(%run_scoped3A : memref<!tpu.dma_semaphore, #tpu.memory_space<semaphore_mem>>) src(%arg10 : memref<128x128xf32, #tpu.memory_space<vmem>>) dst(%dma_wait3A_73 : memref<10240x128xf32, #tpu.memory_space<vmem_shared>>)
        tpu.yield
      }) : () -> ()
      %scan3A_61 = arith.constant 0 : i32
      scf.yield %scan3A_61 : i32
    }
    %scan3A_30 = arith.constant 20 : i32
    %barrier3A_31 = arith.constant 0 : index
    tpu.barrier barrier_id(%barrier3A_31)
    %mul3A_32 = arith.constant 640 : i32
    %mul3A_33 = arith.muli %arg1, %mul3A_32 : i32
    %mul3A_34 = arith.constant 640 : i32
    %mul3A_35 = arith.muli %arg1, %mul3A_34 : i32
    "tpu.region"() ({
      %run_scoped3A = tpu.sem_alloc : memref<!tpu.dma_semaphore, #tpu.memory_space<semaphore_mem>>
      %dma_start3A_36 = arith.constant 0 : i32
      %dma_start3A_37 = tpu.memref_slice %arg6[%arg0, %mul3A_35, %dma_start3A_36] : memref<2x10240x128xf32, #tpu.memory_space<hbm>> -> memref<1x640x128xf32, #tpu.memory_space<hbm>>
      %dma_start3A_38 = tpu.memref_squeeze %dma_start3A_37 : memref<1x640x128xf32, #tpu.memory_space<hbm>> -> memref<640x128xf32, #tpu.memory_space<hbm>>
      %dma_start3A_39 = arith.constant 0 : i32
      %dma_start3A_40 = tpu.memref_slice %arg11[%mul3A_33, %dma_start3A_39] : memref<10240x128xf32, #tpu.memory_space<vmem_shared>> -> memref<640x128xf32, #tpu.memory_space<vmem_shared>>
      tpu.enqueue_dma source(%dma_start3A_40 : memref<640x128xf32, #tpu.memory_space<vmem_shared>>) target(%dma_start3A_38 : memref<640x128xf32, #tpu.memory_space<hbm>>) target_semaphore(%run_scoped3A : memref<!tpu.dma_semaphore, #tpu.memory_space<semaphore_mem>>)
      %dma_wait3A = arith.constant 0 : i32
      %dma_wait3A_41 = tpu.memref_slice %arg6[%arg0, %mul3A_35, %dma_wait3A] : memref<2x10240x128xf32, #tpu.memory_space<hbm>> -> memref<1x640x128xf32, #tpu.memory_space<hbm>>
      %dma_wait3A_42 = tpu.memref_squeeze %dma_wait3A_41 : memref<1x640x128xf32, #tpu.memory_space<hbm>> -> memref<640x128xf32, #tpu.memory_space<hbm>>
      %dma_wait3A_43 = arith.constant 0 : i32
      %dma_wait3A_44 = tpu.memref_slice %arg11[%mul3A_33, %dma_wait3A_43] : memref<10240x128xf32, #tpu.memory_space<vmem_shared>> -> memref<640x128xf32, #tpu.memory_space<vmem_shared>>
      tpu.wait_dma2 semaphore(%run_scoped3A : memref<!tpu.dma_semaphore, #tpu.memory_space<semaphore_mem>>) src(%dma_wait3A_44 : memref<640x128xf32, #tpu.memory_space<vmem_shared>>) dst(%dma_wait3A_42 : memref<640x128xf32, #tpu.memory_space<hbm>>)
      tpu.yield
    }) : () -> ()
    return
  }
}

#map = affine_map<(d0, d1) -> (0, 0, 0)>
#map1 = affine_map<(d0, d1) -> (0, 0)>
module attributes {stable_mosaic.version = 14 : i64} {
  func.func @_deg_kernel(%arg0: i32, %arg1: i32, %arg2: memref<32x80x128xi32, #tpu.memory_space<hbm>>, %arg3: memref<10240x128xf32, #tpu.memory_space<hbm>>, %arg4: memref<128x128xf32, #tpu.memory_space<hbm>>, %arg5: memref<2x10240x128xf32, #tpu.memory_space<hbm>>, %arg6: memref<80x128xi32, #tpu.memory_space<vmem>>, %arg7: memref<128x128xf32, #tpu.memory_space<vmem>>, %arg8: memref<10240x128xf32, #tpu.memory_space<vmem_shared>>, %arg9: memref<!tpu.dma_semaphore, #tpu.memory_space<semaphore_mem>>, %arg10: memref<!tpu.dma_semaphore, #tpu.memory_space<semaphore_mem>>) attributes {dimension_semantics = [#tpu.dimension_semantics<core_parallel>, #tpu.dimension_semantics<subcore_parallel>], iteration_bounds = array<i64: 2, 16>, scalar_prefetch = 0 : i64, scratch_operands = 5 : i64, tpu.core_type = #tpu.core_type<sc_vector_subcore>, window_params = [{transform_indices = #map}, {transform_indices = #map1}, {transform_indices = #map1}, {transform_indices = #map}]} {
    %mul3A = arith.constant 2 : i32
    %mul3A_0 = arith.muli %arg1, %mul3A : i32
    %add3A = arith.addi %mul3A_0, %arg0 : i32
    "tpu.region"() ({
      %run_scoped3A = tpu.sem_alloc : memref<!tpu.dma_semaphore, #tpu.memory_space<semaphore_mem>>
      tpu.enqueue_dma source(%arg4 : memref<128x128xf32, #tpu.memory_space<hbm>>) target(%arg7 : memref<128x128xf32, #tpu.memory_space<vmem>>) target_semaphore(%run_scoped3A : memref<!tpu.dma_semaphore, #tpu.memory_space<semaphore_mem>>)
      tpu.wait_dma2 semaphore(%run_scoped3A : memref<!tpu.dma_semaphore, #tpu.memory_space<semaphore_mem>>) src(%arg4 : memref<128x128xf32, #tpu.memory_space<hbm>>) dst(%arg7 : memref<128x128xf32, #tpu.memory_space<vmem>>)
      tpu.yield
    }) : () -> ()
    %mul3A_1 = arith.constant 640 : i32
    %mul3A_2 = arith.muli %arg1, %mul3A_1 : i32
    %mul3A_3 = arith.constant 640 : i32
    %mul3A_4 = arith.muli %arg1, %mul3A_3 : i32
    "tpu.region"() ({
      %run_scoped3A = tpu.sem_alloc : memref<!tpu.dma_semaphore, #tpu.memory_space<semaphore_mem>>
      %dma_start3A_29 = arith.constant 0 : i32
      %dma_start3A_30 = tpu.memref_slice %arg8[%mul3A_4, %dma_start3A_29] : memref<10240x128xf32, #tpu.memory_space<vmem_shared>> -> memref<640x128xf32, #tpu.memory_space<vmem_shared>>
      %dma_start3A_31 = arith.constant 0 : i32
      %dma_start3A_32 = tpu.memref_slice %arg3[%mul3A_2, %dma_start3A_31] : memref<10240x128xf32, #tpu.memory_space<hbm>> -> memref<640x128xf32, #tpu.memory_space<hbm>>
      tpu.enqueue_dma source(%dma_start3A_32 : memref<640x128xf32, #tpu.memory_space<hbm>>) target(%dma_start3A_30 : memref<640x128xf32, #tpu.memory_space<vmem_shared>>) target_semaphore(%run_scoped3A : memref<!tpu.dma_semaphore, #tpu.memory_space<semaphore_mem>>)
      %dma_wait3A = arith.constant 0 : i32
      %dma_wait3A_33 = tpu.memref_slice %arg8[%mul3A_4, %dma_wait3A] : memref<10240x128xf32, #tpu.memory_space<vmem_shared>> -> memref<640x128xf32, #tpu.memory_space<vmem_shared>>
      %dma_wait3A_34 = arith.constant 0 : i32
      %dma_wait3A_35 = tpu.memref_slice %arg3[%mul3A_2, %dma_wait3A_34] : memref<10240x128xf32, #tpu.memory_space<hbm>> -> memref<640x128xf32, #tpu.memory_space<hbm>>
      tpu.wait_dma2 semaphore(%run_scoped3A : memref<!tpu.dma_semaphore, #tpu.memory_space<semaphore_mem>>) src(%dma_wait3A_35 : memref<640x128xf32, #tpu.memory_space<hbm>>) dst(%dma_wait3A_33 : memref<640x128xf32, #tpu.memory_space<vmem_shared>>)
      tpu.yield
    }) : () -> ()
    %barrier3A = arith.constant 0 : index
    tpu.barrier barrier_id(%barrier3A)
    "tpu.region"() ({
      %run_scoped3A = tpu.sem_alloc : memref<!tpu.dma_semaphore, #tpu.memory_space<semaphore_mem>>
      %dma_start3A_29 = arith.constant 0 : i32
      %dma_start3A_30 = arith.constant 0 : i32
      %dma_start3A_31 = tpu.memref_slice %arg2[%add3A, %dma_start3A_29, %dma_start3A_30] : memref<32x80x128xi32, #tpu.memory_space<hbm>> -> memref<1x80x128xi32, #tpu.memory_space<hbm>>
      %dma_start3A_32 = tpu.memref_squeeze %dma_start3A_31 : memref<1x80x128xi32, #tpu.memory_space<hbm>> -> memref<80x128xi32, #tpu.memory_space<hbm>>
      %dma_start3A_33 = arith.constant 0 : i32
      %dma_start3A_34 = arith.constant 0 : i32
      %dma_start3A_35 = tpu.memref_slice %arg2[%add3A, %dma_start3A_33, %dma_start3A_34] : memref<32x80x128xi32, #tpu.memory_space<hbm>> -> memref<1x80x128xi32, #tpu.memory_space<hbm>>
      %dma_start3A_36 = tpu.memref_squeeze %dma_start3A_35 : memref<1x80x128xi32, #tpu.memory_space<hbm>> -> memref<80x128xi32, #tpu.memory_space<hbm>>
      tpu.enqueue_dma source(%dma_start3A_36 : memref<80x128xi32, #tpu.memory_space<hbm>>) target(%arg6 : memref<80x128xi32, #tpu.memory_space<vmem>>) target_semaphore(%run_scoped3A : memref<!tpu.dma_semaphore, #tpu.memory_space<semaphore_mem>>)
      %dma_wait3A = arith.constant 0 : i32
      %dma_wait3A_37 = arith.constant 0 : i32
      %dma_wait3A_38 = tpu.memref_slice %arg2[%add3A, %dma_wait3A, %dma_wait3A_37] : memref<32x80x128xi32, #tpu.memory_space<hbm>> -> memref<1x80x128xi32, #tpu.memory_space<hbm>>
      %dma_wait3A_39 = tpu.memref_squeeze %dma_wait3A_38 : memref<1x80x128xi32, #tpu.memory_space<hbm>> -> memref<80x128xi32, #tpu.memory_space<hbm>>
      %dma_wait3A_40 = arith.constant 0 : i32
      %dma_wait3A_41 = arith.constant 0 : i32
      %dma_wait3A_42 = tpu.memref_slice %arg2[%add3A, %dma_wait3A_40, %dma_wait3A_41] : memref<32x80x128xi32, #tpu.memory_space<hbm>> -> memref<1x80x128xi32, #tpu.memory_space<hbm>>
      %dma_wait3A_43 = tpu.memref_squeeze %dma_wait3A_42 : memref<1x80x128xi32, #tpu.memory_space<hbm>> -> memref<80x128xi32, #tpu.memory_space<hbm>>
      tpu.wait_dma2 semaphore(%run_scoped3A : memref<!tpu.dma_semaphore, #tpu.memory_space<semaphore_mem>>) src(%dma_wait3A_43 : memref<80x128xi32, #tpu.memory_space<hbm>>) dst(%arg6 : memref<80x128xi32, #tpu.memory_space<vmem>>)
      tpu.yield
    }) : () -> ()
    %dma_start3A = arith.constant 0 : i32
    %dma_start3A_5 = arith.constant 0 : i32
    %dma_start3A_6 = tpu.memref_slice %arg6[%dma_start3A, %dma_start3A_5] : memref<80x128xi32, #tpu.memory_space<vmem>> -> memref<1x128xi32, #tpu.memory_space<vmem>>
    %dma_start3A_7 = tpu.memref_squeeze %dma_start3A_6 : memref<1x128xi32, #tpu.memory_space<vmem>> -> memref<128xi32, #tpu.memory_space<vmem>>
    %dma_start3A_8 = arith.constant 0 : i32
    %dma_start3A_9 = arith.constant 0 : i32
    %dma_start3A_10 = tpu.memref_slice %arg8[%dma_start3A_8, %dma_start3A_9] : memref<10240x128xf32, #tpu.memory_space<vmem_shared>> -> memref<10240x128xf32, #tpu.memory_space<vmem_shared>>
    tpu.enqueue_indirect_dma source(%arg7 : memref<128x128xf32, #tpu.memory_space<vmem>>) target(%dma_start3A_10 : memref<10240x128xf32, #tpu.memory_space<vmem_shared>>) offsets(%dma_start3A_7 : memref<128xi32, #tpu.memory_space<vmem>>) semaphore(%arg9 : memref<!tpu.dma_semaphore, #tpu.memory_space<semaphore_mem>>) {add = true}
    %dma_start3A_11 = arith.constant 1 : i32
    %dma_start3A_12 = arith.constant 0 : i32
    %dma_start3A_13 = tpu.memref_slice %arg6[%dma_start3A_11, %dma_start3A_12] : memref<80x128xi32, #tpu.memory_space<vmem>> -> memref<1x128xi32, #tpu.memory_space<vmem>>
    %dma_start3A_14 = tpu.memref_squeeze %dma_start3A_13 : memref<1x128xi32, #tpu.memory_space<vmem>> -> memref<128xi32, #tpu.memory_space<vmem>>
    %dma_start3A_15 = arith.constant 0 : i32
    %dma_start3A_16 = arith.constant 0 : i32
    %dma_start3A_17 = tpu.memref_slice %arg8[%dma_start3A_15, %dma_start3A_16] : memref<10240x128xf32, #tpu.memory_space<vmem_shared>> -> memref<10240x128xf32, #tpu.memory_space<vmem_shared>>
    tpu.enqueue_indirect_dma source(%arg7 : memref<128x128xf32, #tpu.memory_space<vmem>>) target(%dma_start3A_17 : memref<10240x128xf32, #tpu.memory_space<vmem_shared>>) offsets(%dma_start3A_14 : memref<128xi32, #tpu.memory_space<vmem>>) semaphore(%arg10 : memref<!tpu.dma_semaphore, #tpu.memory_space<semaphore_mem>>) {add = true}
    %scan3A = arith.constant 0 : i32
    %scan3A_18 = arith.constant 0 : i32
    %scan3A_19 = arith.constant 40 : i32
    %scan3A_20 = arith.addi %scan3A_18, %scan3A_19 : i32
    %scan3A_21 = arith.constant 1 : i32
    %scan3A_22 = scf.for %scan3A_29 = %scan3A_18 to %scan3A_20 step %scan3A_21 iter_args(%scan3A_30 = %scan3A) -> (i32)  : i32 {
      %mul3A_31 = arith.constant 2 : i32
      %mul3A_32 = arith.muli %mul3A_31, %scan3A_29 : i32
      %dma_wait3A = arith.constant 0 : i32
      %dma_wait3A_33 = tpu.memref_slice %arg6[%mul3A_32, %dma_wait3A] : memref<80x128xi32, #tpu.memory_space<vmem>> -> memref<1x128xi32, #tpu.memory_space<vmem>>
      %dma_wait3A_34 = tpu.memref_squeeze %dma_wait3A_33 : memref<1x128xi32, #tpu.memory_space<vmem>> -> memref<128xi32, #tpu.memory_space<vmem>>
      %dma_wait3A_35 = arith.constant 0 : i32
      %dma_wait3A_36 = arith.constant 0 : i32
      %dma_wait3A_37 = tpu.memref_slice %arg8[%dma_wait3A_35, %dma_wait3A_36] : memref<10240x128xf32, #tpu.memory_space<vmem_shared>> -> memref<10240x128xf32, #tpu.memory_space<vmem_shared>>
      tpu.wait_indirect_dma semaphore(%arg9 : memref<!tpu.dma_semaphore, #tpu.memory_space<semaphore_mem>>) src(%arg7 : memref<128x128xf32, #tpu.memory_space<vmem>>) dst(%dma_wait3A_37 : memref<10240x128xf32, #tpu.memory_space<vmem_shared>>)
      %lt3A = arith.constant 39 : i32
      %lt3A_38 = arith.cmpi slt, %scan3A_29, %lt3A : i32
      %convert_element_type3A = arith.extui %lt3A_38 : i1 to i32
      %cond3A = arith.constant 0 : i32
      %cond3A_39 = arith.cmpi ne, %convert_element_type3A, %cond3A : i32
      scf.if %cond3A_39 {
        %add3A_54 = arith.constant 2 : i32
        %add3A_55 = arith.addi %mul3A_32, %add3A_54 : i32
        %dma_start3A_56 = arith.constant 0 : i32
        %dma_start3A_57 = tpu.memref_slice %arg6[%add3A_55, %dma_start3A_56] : memref<80x128xi32, #tpu.memory_space<vmem>> -> memref<1x128xi32, #tpu.memory_space<vmem>>
        %dma_start3A_58 = tpu.memref_squeeze %dma_start3A_57 : memref<1x128xi32, #tpu.memory_space<vmem>> -> memref<128xi32, #tpu.memory_space<vmem>>
        %dma_start3A_59 = arith.constant 0 : i32
        %dma_start3A_60 = arith.constant 0 : i32
        %dma_start3A_61 = tpu.memref_slice %arg8[%dma_start3A_59, %dma_start3A_60] : memref<10240x128xf32, #tpu.memory_space<vmem_shared>> -> memref<10240x128xf32, #tpu.memory_space<vmem_shared>>
        tpu.enqueue_indirect_dma source(%arg7 : memref<128x128xf32, #tpu.memory_space<vmem>>) target(%dma_start3A_61 : memref<10240x128xf32, #tpu.memory_space<vmem_shared>>) offsets(%dma_start3A_58 : memref<128xi32, #tpu.memory_space<vmem>>) semaphore(%arg9 : memref<!tpu.dma_semaphore, #tpu.memory_space<semaphore_mem>>) {add = true}
      } else {
      }
      %add3A_40 = arith.constant 1 : i32
      %add3A_41 = arith.addi %mul3A_32, %add3A_40 : i32
      %dma_wait3A_42 = arith.constant 0 : i32
      %dma_wait3A_43 = tpu.memref_slice %arg6[%add3A_41, %dma_wait3A_42] : memref<80x128xi32, #tpu.memory_space<vmem>> -> memref<1x128xi32, #tpu.memory_space<vmem>>
      %dma_wait3A_44 = tpu.memref_squeeze %dma_wait3A_43 : memref<1x128xi32, #tpu.memory_space<vmem>> -> memref<128xi32, #tpu.memory_space<vmem>>
      %dma_wait3A_45 = arith.constant 0 : i32
      %dma_wait3A_46 = arith.constant 0 : i32
      %dma_wait3A_47 = tpu.memref_slice %arg8[%dma_wait3A_45, %dma_wait3A_46] : memref<10240x128xf32, #tpu.memory_space<vmem_shared>> -> memref<10240x128xf32, #tpu.memory_space<vmem_shared>>
      tpu.wait_indirect_dma semaphore(%arg10 : memref<!tpu.dma_semaphore, #tpu.memory_space<semaphore_mem>>) src(%arg7 : memref<128x128xf32, #tpu.memory_space<vmem>>) dst(%dma_wait3A_47 : memref<10240x128xf32, #tpu.memory_space<vmem_shared>>)
      %lt3A_48 = arith.constant 39 : i32
      %lt3A_49 = arith.cmpi slt, %scan3A_29, %lt3A_48 : i32
      %convert_element_type3A_50 = arith.extui %lt3A_49 : i1 to i32
      %cond3A_51 = arith.constant 0 : i32
      %cond3A_52 = arith.cmpi ne, %convert_element_type3A_50, %cond3A_51 : i32
      scf.if %cond3A_52 {
        %add3A_54 = arith.constant 3 : i32
        %add3A_55 = arith.addi %mul3A_32, %add3A_54 : i32
        %dma_start3A_56 = arith.constant 0 : i32
        %dma_start3A_57 = tpu.memref_slice %arg6[%add3A_55, %dma_start3A_56] : memref<80x128xi32, #tpu.memory_space<vmem>> -> memref<1x128xi32, #tpu.memory_space<vmem>>
        %dma_start3A_58 = tpu.memref_squeeze %dma_start3A_57 : memref<1x128xi32, #tpu.memory_space<vmem>> -> memref<128xi32, #tpu.memory_space<vmem>>
        %dma_start3A_59 = arith.constant 0 : i32
        %dma_start3A_60 = arith.constant 0 : i32
        %dma_start3A_61 = tpu.memref_slice %arg8[%dma_start3A_59, %dma_start3A_60] : memref<10240x128xf32, #tpu.memory_space<vmem_shared>> -> memref<10240x128xf32, #tpu.memory_space<vmem_shared>>
        tpu.enqueue_indirect_dma source(%arg7 : memref<128x128xf32, #tpu.memory_space<vmem>>) target(%dma_start3A_61 : memref<10240x128xf32, #tpu.memory_space<vmem_shared>>) offsets(%dma_start3A_58 : memref<128xi32, #tpu.memory_space<vmem>>) semaphore(%arg10 : memref<!tpu.dma_semaphore, #tpu.memory_space<semaphore_mem>>) {add = true}
      } else {
      }
      %scan3A_53 = arith.constant 0 : i32
      scf.yield %scan3A_53 : i32
    }
    %scan3A_23 = arith.constant 40 : i32
    %barrier3A_24 = arith.constant 0 : index
    tpu.barrier barrier_id(%barrier3A_24)
    %mul3A_25 = arith.constant 640 : i32
    %mul3A_26 = arith.muli %arg1, %mul3A_25 : i32
    %mul3A_27 = arith.constant 640 : i32
    %mul3A_28 = arith.muli %arg1, %mul3A_27 : i32
    "tpu.region"() ({
      %run_scoped3A = tpu.sem_alloc : memref<!tpu.dma_semaphore, #tpu.memory_space<semaphore_mem>>
      %dma_start3A_29 = arith.constant 0 : i32
      %dma_start3A_30 = tpu.memref_slice %arg5[%arg0, %mul3A_28, %dma_start3A_29] : memref<2x10240x128xf32, #tpu.memory_space<hbm>> -> memref<1x640x128xf32, #tpu.memory_space<hbm>>
      %dma_start3A_31 = tpu.memref_squeeze %dma_start3A_30 : memref<1x640x128xf32, #tpu.memory_space<hbm>> -> memref<640x128xf32, #tpu.memory_space<hbm>>
      %dma_start3A_32 = arith.constant 0 : i32
      %dma_start3A_33 = tpu.memref_slice %arg8[%mul3A_26, %dma_start3A_32] : memref<10240x128xf32, #tpu.memory_space<vmem_shared>> -> memref<640x128xf32, #tpu.memory_space<vmem_shared>>
      tpu.enqueue_dma source(%dma_start3A_33 : memref<640x128xf32, #tpu.memory_space<vmem_shared>>) target(%dma_start3A_31 : memref<640x128xf32, #tpu.memory_space<hbm>>) target_semaphore(%run_scoped3A : memref<!tpu.dma_semaphore, #tpu.memory_space<semaphore_mem>>)
      %dma_wait3A = arith.constant 0 : i32
      %dma_wait3A_34 = tpu.memref_slice %arg5[%arg0, %mul3A_28, %dma_wait3A] : memref<2x10240x128xf32, #tpu.memory_space<hbm>> -> memref<1x640x128xf32, #tpu.memory_space<hbm>>
      %dma_wait3A_35 = tpu.memref_squeeze %dma_wait3A_34 : memref<1x640x128xf32, #tpu.memory_space<hbm>> -> memref<640x128xf32, #tpu.memory_space<hbm>>
      %dma_wait3A_36 = arith.constant 0 : i32
      %dma_wait3A_37 = tpu.memref_slice %arg8[%mul3A_26, %dma_wait3A_36] : memref<10240x128xf32, #tpu.memory_space<vmem_shared>> -> memref<640x128xf32, #tpu.memory_space<vmem_shared>>
      tpu.wait_dma2 semaphore(%run_scoped3A : memref<!tpu.dma_semaphore, #tpu.memory_space<semaphore_mem>>) src(%dma_wait3A_37 : memref<640x128xf32, #tpu.memory_space<vmem_shared>>) dst(%dma_wait3A_35 : memref<640x128xf32, #tpu.memory_space<hbm>>)
      tpu.yield
    }) : () -> ()
    return
  }
}

#map = affine_map<(d0, d1) -> (0)>
#map1 = affine_map<(d0, d1) -> (0, 0, 0)>
#map2 = affine_map<(d0, d1) -> (0, 0)>
module attributes {stable_mosaic.version = 14 : i64} {
  func.func @_scores_kernel(%arg0: i32, %arg1: i32, %arg2: memref<10240xf32, #tpu.memory_space<hbm>>, %arg3: memref<2x32x640xi32, #tpu.memory_space<hbm>>, %arg4: memref<32x640xf32, #tpu.memory_space<hbm>>, %arg5: memref<640xi32, #tpu.memory_space<vmem>>, %arg6: memref<640xi32, #tpu.memory_space<vmem>>, %arg7: memref<640xf32, #tpu.memory_space<vmem>>, %arg8: memref<640xf32, #tpu.memory_space<vmem>>, %arg9: memref<640xf32, #tpu.memory_space<vmem>>, %arg10: memref<!tpu.dma_semaphore, #tpu.memory_space<semaphore_mem>>, %arg11: memref<!tpu.dma_semaphore, #tpu.memory_space<semaphore_mem>>) attributes {dimension_semantics = [#tpu.dimension_semantics<core_parallel>, #tpu.dimension_semantics<subcore_parallel>], iteration_bounds = array<i64: 2, 16>, scalar_prefetch = 0 : i64, scratch_operands = 7 : i64, tpu.core_type = #tpu.core_type<sc_vector_subcore>, window_params = [{transform_indices = #map}, {transform_indices = #map1}, {transform_indices = #map2}]} {
    %mul3A = arith.constant 2 : i32
    %mul3A_0 = arith.muli %arg1, %mul3A : i32
    %add3A = arith.addi %mul3A_0, %arg0 : i32
    %run_scoped3A = arith.constant 0 : i32
    "tpu.region"() ({
      %run_scoped3A_14 = tpu.sem_alloc : memref<!tpu.dma_semaphore, #tpu.memory_space<semaphore_mem>>
      %dma_start3A_15 = arith.constant 0 : i32
      %dma_start3A_16 = tpu.memref_slice %arg3[%run_scoped3A, %add3A, %dma_start3A_15] : memref<2x32x640xi32, #tpu.memory_space<hbm>> -> memref<1x1x640xi32, #tpu.memory_space<hbm>>
      %dma_start3A_17 = tpu.memref_squeeze %dma_start3A_16 : memref<1x1x640xi32, #tpu.memory_space<hbm>> -> memref<640xi32, #tpu.memory_space<hbm>>
      %dma_start3A_18 = arith.constant 0 : i32
      %dma_start3A_19 = tpu.memref_slice %arg3[%run_scoped3A, %add3A, %dma_start3A_18] : memref<2x32x640xi32, #tpu.memory_space<hbm>> -> memref<1x1x640xi32, #tpu.memory_space<hbm>>
      %dma_start3A_20 = tpu.memref_squeeze %dma_start3A_19 : memref<1x1x640xi32, #tpu.memory_space<hbm>> -> memref<640xi32, #tpu.memory_space<hbm>>
      tpu.enqueue_dma source(%dma_start3A_20 : memref<640xi32, #tpu.memory_space<hbm>>) target(%arg5 : memref<640xi32, #tpu.memory_space<vmem>>) target_semaphore(%run_scoped3A_14 : memref<!tpu.dma_semaphore, #tpu.memory_space<semaphore_mem>>)
      %dma_wait3A_21 = arith.constant 0 : i32
      %dma_wait3A_22 = tpu.memref_slice %arg3[%run_scoped3A, %add3A, %dma_wait3A_21] : memref<2x32x640xi32, #tpu.memory_space<hbm>> -> memref<1x1x640xi32, #tpu.memory_space<hbm>>
      %dma_wait3A_23 = tpu.memref_squeeze %dma_wait3A_22 : memref<1x1x640xi32, #tpu.memory_space<hbm>> -> memref<640xi32, #tpu.memory_space<hbm>>
      %dma_wait3A_24 = arith.constant 0 : i32
      %dma_wait3A_25 = tpu.memref_slice %arg3[%run_scoped3A, %add3A, %dma_wait3A_24] : memref<2x32x640xi32, #tpu.memory_space<hbm>> -> memref<1x1x640xi32, #tpu.memory_space<hbm>>
      %dma_wait3A_26 = tpu.memref_squeeze %dma_wait3A_25 : memref<1x1x640xi32, #tpu.memory_space<hbm>> -> memref<640xi32, #tpu.memory_space<hbm>>
      tpu.wait_dma2 semaphore(%run_scoped3A_14 : memref<!tpu.dma_semaphore, #tpu.memory_space<semaphore_mem>>) src(%dma_wait3A_26 : memref<640xi32, #tpu.memory_space<hbm>>) dst(%arg5 : memref<640xi32, #tpu.memory_space<vmem>>)
      tpu.yield
    }) : () -> ()
    %run_scoped3A_1 = arith.constant 1 : i32
    "tpu.region"() ({
      %run_scoped3A_14 = tpu.sem_alloc : memref<!tpu.dma_semaphore, #tpu.memory_space<semaphore_mem>>
      %dma_start3A_15 = arith.constant 0 : i32
      %dma_start3A_16 = tpu.memref_slice %arg3[%run_scoped3A_1, %add3A, %dma_start3A_15] : memref<2x32x640xi32, #tpu.memory_space<hbm>> -> memref<1x1x640xi32, #tpu.memory_space<hbm>>
      %dma_start3A_17 = tpu.memref_squeeze %dma_start3A_16 : memref<1x1x640xi32, #tpu.memory_space<hbm>> -> memref<640xi32, #tpu.memory_space<hbm>>
      %dma_start3A_18 = arith.constant 0 : i32
      %dma_start3A_19 = tpu.memref_slice %arg3[%run_scoped3A_1, %add3A, %dma_start3A_18] : memref<2x32x640xi32, #tpu.memory_space<hbm>> -> memref<1x1x640xi32, #tpu.memory_space<hbm>>
      %dma_start3A_20 = tpu.memref_squeeze %dma_start3A_19 : memref<1x1x640xi32, #tpu.memory_space<hbm>> -> memref<640xi32, #tpu.memory_space<hbm>>
      tpu.enqueue_dma source(%dma_start3A_20 : memref<640xi32, #tpu.memory_space<hbm>>) target(%arg6 : memref<640xi32, #tpu.memory_space<vmem>>) target_semaphore(%run_scoped3A_14 : memref<!tpu.dma_semaphore, #tpu.memory_space<semaphore_mem>>)
      %dma_wait3A_21 = arith.constant 0 : i32
      %dma_wait3A_22 = tpu.memref_slice %arg3[%run_scoped3A_1, %add3A, %dma_wait3A_21] : memref<2x32x640xi32, #tpu.memory_space<hbm>> -> memref<1x1x640xi32, #tpu.memory_space<hbm>>
      %dma_wait3A_23 = tpu.memref_squeeze %dma_wait3A_22 : memref<1x1x640xi32, #tpu.memory_space<hbm>> -> memref<640xi32, #tpu.memory_space<hbm>>
      %dma_wait3A_24 = arith.constant 0 : i32
      %dma_wait3A_25 = tpu.memref_slice %arg3[%run_scoped3A_1, %add3A, %dma_wait3A_24] : memref<2x32x640xi32, #tpu.memory_space<hbm>> -> memref<1x1x640xi32, #tpu.memory_space<hbm>>
      %dma_wait3A_26 = tpu.memref_squeeze %dma_wait3A_25 : memref<1x1x640xi32, #tpu.memory_space<hbm>> -> memref<640xi32, #tpu.memory_space<hbm>>
      tpu.wait_dma2 semaphore(%run_scoped3A_14 : memref<!tpu.dma_semaphore, #tpu.memory_space<semaphore_mem>>) src(%dma_wait3A_26 : memref<640xi32, #tpu.memory_space<hbm>>) dst(%arg6 : memref<640xi32, #tpu.memory_space<vmem>>)
      tpu.yield
    }) : () -> ()
    %dma_start3A = arith.constant 0 : i32
    %dma_start3A_2 = tpu.memref_slice %arg2[%dma_start3A] : memref<10240xf32, #tpu.memory_space<hbm>> -> memref<10240xf32, #tpu.memory_space<hbm>>
    tpu.enqueue_indirect_dma source(%dma_start3A_2 : memref<10240xf32, #tpu.memory_space<hbm>>) target(%arg7 : memref<640xf32, #tpu.memory_space<vmem>>) offsets(%arg5 : memref<640xi32, #tpu.memory_space<vmem>>) semaphore(%arg10 : memref<!tpu.dma_semaphore, #tpu.memory_space<semaphore_mem>>)
    %dma_start3A_3 = arith.constant 0 : i32
    %dma_start3A_4 = tpu.memref_slice %arg2[%dma_start3A_3] : memref<10240xf32, #tpu.memory_space<hbm>> -> memref<10240xf32, #tpu.memory_space<hbm>>
    tpu.enqueue_indirect_dma source(%dma_start3A_4 : memref<10240xf32, #tpu.memory_space<hbm>>) target(%arg8 : memref<640xf32, #tpu.memory_space<vmem>>) offsets(%arg6 : memref<640xi32, #tpu.memory_space<vmem>>) semaphore(%arg11 : memref<!tpu.dma_semaphore, #tpu.memory_space<semaphore_mem>>)
    %dma_wait3A = arith.constant 0 : i32
    %dma_wait3A_5 = tpu.memref_slice %arg2[%dma_wait3A] : memref<10240xf32, #tpu.memory_space<hbm>> -> memref<10240xf32, #tpu.memory_space<hbm>>
    tpu.wait_indirect_dma semaphore(%arg10 : memref<!tpu.dma_semaphore, #tpu.memory_space<semaphore_mem>>) src(%dma_wait3A_5 : memref<10240xf32, #tpu.memory_space<hbm>>) dst(%arg7 : memref<640xf32, #tpu.memory_space<vmem>>)
    %dma_wait3A_6 = arith.constant 0 : i32
    %dma_wait3A_7 = tpu.memref_slice %arg2[%dma_wait3A_6] : memref<10240xf32, #tpu.memory_space<hbm>> -> memref<10240xf32, #tpu.memory_space<hbm>>
    tpu.wait_indirect_dma semaphore(%arg11 : memref<!tpu.dma_semaphore, #tpu.memory_space<semaphore_mem>>) src(%dma_wait3A_7 : memref<10240xf32, #tpu.memory_space<hbm>>) dst(%arg8 : memref<640xf32, #tpu.memory_space<vmem>>)
    %scan3A = arith.constant 0 : i32
    %scan3A_8 = arith.constant 0 : i32
    %scan3A_9 = arith.constant 40 : i32
    %scan3A_10 = arith.addi %scan3A_8, %scan3A_9 : i32
    %scan3A_11 = arith.constant 1 : i32
    %scan3A_12 = scf.for %scan3A_14 = %scan3A_8 to %scan3A_10 step %scan3A_11 iter_args(%scan3A_15 = %scan3A) -> (i32)  : i32 {
      %mul3A_16 = arith.constant 16 : i32
      %mul3A_17 = arith.muli %scan3A_14, %mul3A_16 : i32
      %get3A = arith.index_cast %mul3A_17 : i32 to index
      %get3A_18 = tpu.vector_load %arg7[%get3A] {strides = array<i32>} : memref<640xf32, #tpu.memory_space<vmem>>, vector<16xf32>,
      %get3A_19 = vector.shape_cast %get3A_18 : vector<16xf32> to vector<16xf32>
      %mul3A_20 = arith.constant 16 : i32
      %mul3A_21 = arith.muli %scan3A_14, %mul3A_20 : i32
      %get3A_22 = arith.index_cast %mul3A_21 : i32 to index
      %get3A_23 = tpu.vector_load %arg8[%get3A_22] {strides = array<i32>} : memref<640xf32, #tpu.memory_space<vmem>>, vector<16xf32>,
      %get3A_24 = vector.shape_cast %get3A_23 : vector<16xf32> to vector<16xf32>
      %mul3A_25 = arith.mulf %get3A_19, %get3A_24 : vector<16xf32>
      %mul3A_26 = arith.constant 16 : i32
      %mul3A_27 = arith.muli %scan3A_14, %mul3A_26 : i32
      %swap3A = arith.index_cast %mul3A_27 : i32 to index
      %swap3A_28 = tpu.vector_load %arg9[%swap3A] {strides = array<i32>} : memref<640xf32, #tpu.memory_space<vmem>>, vector<16xf32>,
      %swap3A_29 = vector.shape_cast %swap3A_28 : vector<16xf32> to vector<16xf32>
      %swap3A_30 = vector.shape_cast %mul3A_25 : vector<16xf32> to vector<16xf32>
      tpu.vector_store %arg9[%swap3A], %swap3A_30 {strides = array<i32>} : memref<640xf32, #tpu.memory_space<vmem>>, vector<16xf32>,
      %scan3A_31 = arith.constant 0 : i32
      scf.yield %scan3A_31 : i32
    }
    %scan3A_13 = arith.constant 40 : i32
    "tpu.region"() ({
      %run_scoped3A_14 = tpu.sem_alloc : memref<!tpu.dma_semaphore, #tpu.memory_space<semaphore_mem>>
      %dma_start3A_15 = arith.constant 0 : i32
      %dma_start3A_16 = tpu.memref_slice %arg4[%add3A, %dma_start3A_15] : memref<32x640xf32, #tpu.memory_space<hbm>> -> memref<1x640xf32, #tpu.memory_space<hbm>>
      %dma_start3A_17 = tpu.memref_squeeze %dma_start3A_16 : memref<1x640xf32, #tpu.memory_space<hbm>> -> memref<640xf32, #tpu.memory_space<hbm>>
      %dma_start3A_18 = arith.constant 0 : i32
      %dma_start3A_19 = tpu.memref_slice %arg4[%add3A, %dma_start3A_18] : memref<32x640xf32, #tpu.memory_space<hbm>> -> memref<1x640xf32, #tpu.memory_space<hbm>>
      %dma_start3A_20 = tpu.memref_squeeze %dma_start3A_19 : memref<1x640xf32, #tpu.memory_space<hbm>> -> memref<640xf32, #tpu.memory_space<hbm>>
      tpu.enqueue_dma source(%arg9 : memref<640xf32, #tpu.memory_space<vmem>>) target(%dma_start3A_20 : memref<640xf32, #tpu.memory_space<hbm>>) target_semaphore(%run_scoped3A_14 : memref<!tpu.dma_semaphore, #tpu.memory_space<semaphore_mem>>)
      %dma_wait3A_21 = arith.constant 0 : i32
      %dma_wait3A_22 = tpu.memref_slice %arg4[%add3A, %dma_wait3A_21] : memref<32x640xf32, #tpu.memory_space<hbm>> -> memref<1x640xf32, #tpu.memory_space<hbm>>
      %dma_wait3A_23 = tpu.memref_squeeze %dma_wait3A_22 : memref<1x640xf32, #tpu.memory_space<hbm>> -> memref<640xf32, #tpu.memory_space<hbm>>
      %dma_wait3A_24 = arith.constant 0 : i32
      %dma_wait3A_25 = tpu.memref_slice %arg4[%add3A, %dma_wait3A_24] : memref<32x640xf32, #tpu.memory_space<hbm>> -> memref<1x640xf32, #tpu.memory_space<hbm>>
      %dma_wait3A_26 = tpu.memref_squeeze %dma_wait3A_25 : memref<1x640xf32, #tpu.memory_space<hbm>> -> memref<640xf32, #tpu.memory_space<hbm>>
      tpu.wait_dma2 semaphore(%run_scoped3A_14 : memref<!tpu.dma_semaphore, #tpu.memory_space<semaphore_mem>>) src(%arg9 : memref<640xf32, #tpu.memory_space<vmem>>) dst(%dma_wait3A_26 : memref<640xf32, #tpu.memory_space<hbm>>)
      tpu.yield
    }) : () -> ()
    return
  }
}

module attributes {stable_mosaic.version = 14 : i64} {
  func.func @_feat0_body(%arg0: i32, %arg1: memref<512x128xf32, #tpu.memory_space<vmem>>, %arg2: memref<2x512xf32, #tpu.memory_space<vmem>>, %arg3: memref<512x128xf32, #tpu.memory_space<vmem>>) attributes {dimension_semantics = [#tpu.dimension_semantics<arbitrary>], iteration_bounds = array<i64: 20>, scalar_prefetch = 0 : i64, scratch_operands = 0 : i64, tpu.core_type = #tpu.core_type<tc>, window_params = [{transform_indices = @transform_0, window_bounds = array<i64: 512, 128>}, {transform_indices = @transform_1, window_bounds = array<i64: 2, 512>}, {transform_indices = @transform_2, window_bounds = array<i64: 512, 128>}]} {
    %get3A = arith.constant 0 : index
    %get3A_0 = arith.constant 0 : index
    %get3A_1 = vector.load %arg2[%get3A, %get3A_0] : memref<2x512xf32, #tpu.memory_space<vmem>>, vector<2x512xf32>
    %slice3A = vector.extract_strided_slice %get3A_1 {offsets = [0, 0], sizes = [1, 512], strides = [1, 1]} : vector<2x512xf32> to vector<1x512xf32>
    %squeeze3A = vector.shape_cast %slice3A : vector<1x512xf32> to vector<512xf32>
    %slice3A_2 = vector.extract_strided_slice %get3A_1 {offsets = [1, 0], sizes = [1, 512], strides = [1, 1]} : vector<2x512xf32> to vector<1x512xf32>
    %squeeze3A_3 = vector.shape_cast %slice3A_2 : vector<1x512xf32> to vector<512xf32>
    %add3A = arith.addf %squeeze3A, %squeeze3A_3 : vector<512xf32>
    %gt3A = arith.constant 0.000000e+00 : f32
    %gt3A_4 = vector.broadcast %gt3A : f32 to vector<512xf32>
    %gt3A_5 = arith.cmpf ogt, %add3A, %gt3A_4 : vector<512xf32>
    %max3A = arith.constant 9.99999996E-13 : f32
    %max3A_6 = vector.broadcast %max3A : f32 to vector<512xf32>
    %max3A_7 = arith.maximumf %add3A, %max3A_6 : vector<512xf32>
    %sqrt3A = math.sqrt %max3A_7 : vector<512xf32>
    %div3A = arith.constant 1.000000e+00 : f32
    %div3A_8 = vector.broadcast %div3A : f32 to vector<512xf32>
    %div3A_9 = arith.divf %div3A_8, %sqrt3A : vector<512xf32>
    %jit3A = arith.constant 0.000000e+00 : f32
    %broadcast_in_dim3A = vector.broadcast %jit3A : f32 to vector<512xf32>
    %select_n3A = arith.select %gt3A_5, %div3A_9, %broadcast_in_dim3A : vector<512xi1>, vector<512xf32>
    %get3A_10 = arith.constant 0 : index
    %get3A_11 = arith.constant 0 : index
    %get3A_12 = vector.load %arg1[%get3A_10, %get3A_11] : memref<512x128xf32, #tpu.memory_space<vmem>>, vector<512x128xf32>
    %broadcast_in_dim3A_13 = vector.shape_cast %select_n3A : vector<512xf32> to vector<512x1xf32>
    %mul3A = vector.broadcast %broadcast_in_dim3A_13 : vector<512x1xf32> to vector<512x128xf32>
    %mul3A_14 = arith.mulf %get3A_12, %mul3A : vector<512x128xf32>
    %swap3A = arith.constant 0 : index
    %swap3A_15 = arith.constant 0 : index
    %swap3A_16 = vector.load %arg3[%swap3A, %swap3A_15] : memref<512x128xf32, #tpu.memory_space<vmem>>, vector<512x128xf32>
    tpu.vector_store %arg3[%swap3A, %swap3A_15], %mul3A_14 {strides = array<i32>} : memref<512x128xf32, #tpu.memory_space<vmem>>, vector<512x128xf32>,
    return
  }
  func.func @transform_0(%arg0: i32) -> (i32, i32) {
    %c0_i32 = arith.constant 0 : i32
    %c0_i32_0 = arith.constant 0 : i32
    return %arg0, %c0_i32 : i32, i32
  }
  func.func @transform_1(%arg0: i32) -> (i32, i32) {
    %c0_i32 = arith.constant 0 : i32
    %c0_i32_0 = arith.constant 0 : i32
    return %c0_i32, %arg0 : i32, i32
  }
  func.func @transform_2(%arg0: i32) -> (i32, i32) {
    %c0_i32 = arith.constant 0 : i32
    %c0_i32_0 = arith.constant 0 : i32
    return %arg0, %c0_i32 : i32, i32
  }
}

module attributes {stable_mosaic.version = 14 : i64} {
  func.func @_gcn_body(%arg0: i32, %arg1: memref<2x512x128xf32, #tpu.memory_space<vmem>>, %arg2: memref<2x512xf32, #tpu.memory_space<vmem>>, %arg3: memref<512x128xf32, #tpu.memory_space<vmem>>, %arg4: memref<128x128xf32, #tpu.memory_space<vmem>>, %arg5: memref<1x128xf32, #tpu.memory_space<vmem>>, %arg6: memref<128x128xf32, #tpu.memory_space<vmem>>, %arg7: memref<1x128xf32, #tpu.memory_space<vmem>>, %arg8: memref<512x128xf32, #tpu.memory_space<vmem>>, %arg9: memref<512x128xf32, #tpu.memory_space<vmem>>) attributes {dimension_semantics = [#tpu.dimension_semantics<arbitrary>], iteration_bounds = array<i64: 20>, scalar_prefetch = 0 : i64, scratch_operands = 0 : i64, tpu.core_type = #tpu.core_type<tc>, window_params = [{transform_indices = @transform_0, window_bounds = array<i64: 2, 512, 128>}, {transform_indices = @transform_1, window_bounds = array<i64: 2, 512>}, {transform_indices = @transform_2, window_bounds = array<i64: 512, 128>}, {pipeline_mode = #tpu.pipeline_mode<synchronous>, transform_indices = @transform_3, window_bounds = array<i64: 128, 128>}, {pipeline_mode = #tpu.pipeline_mode<synchronous>, transform_indices = @transform_4, window_bounds = array<i64: 1, 128>}, {pipeline_mode = #tpu.pipeline_mode<synchronous>, transform_indices = @transform_5, window_bounds = array<i64: 128, 128>}, {pipeline_mode = #tpu.pipeline_mode<synchronous>, transform_indices = @transform_6, window_bounds = array<i64: 1, 128>}, {transform_indices = @transform_7, window_bounds = array<i64: 512, 128>}, {transform_indices = @transform_8, window_bounds = array<i64: 512, 128>}]} {
    %get3A = arith.constant 0 : index
    %get3A_0 = arith.constant 0 : index
    %get3A_1 = vector.load %arg2[%get3A, %get3A_0] : memref<2x512xf32, #tpu.memory_space<vmem>>, vector<2x512xf32>
    %slice3A = vector.extract_strided_slice %get3A_1 {offsets = [0, 0], sizes = [1, 512], strides = [1, 1]} : vector<2x512xf32> to vector<1x512xf32>
    %squeeze3A = vector.shape_cast %slice3A : vector<1x512xf32> to vector<512xf32>
    %slice3A_2 = vector.extract_strided_slice %get3A_1 {offsets = [1, 0], sizes = [1, 512], strides = [1, 1]} : vector<2x512xf32> to vector<1x512xf32>
    %squeeze3A_3 = vector.shape_cast %slice3A_2 : vector<1x512xf32> to vector<512xf32>
    %add3A = arith.addf %squeeze3A, %squeeze3A_3 : vector<512xf32>
    %gt3A = arith.constant 0.000000e+00 : f32
    %gt3A_4 = vector.broadcast %gt3A : f32 to vector<512xf32>
    %gt3A_5 = arith.cmpf ogt, %add3A, %gt3A_4 : vector<512xf32>
    %max3A = arith.constant 9.99999996E-13 : f32
    %max3A_6 = vector.broadcast %max3A : f32 to vector<512xf32>
    %max3A_7 = arith.maximumf %add3A, %max3A_6 : vector<512xf32>
    %sqrt3A = math.sqrt %max3A_7 : vector<512xf32>
    %div3A = arith.constant 1.000000e+00 : f32
    %div3A_8 = vector.broadcast %div3A : f32 to vector<512xf32>
    %div3A_9 = arith.divf %div3A_8, %sqrt3A : vector<512xf32>
    %jit3A = arith.constant 0.000000e+00 : f32
    %broadcast_in_dim3A = vector.broadcast %jit3A : f32 to vector<512xf32>
    %select_n3A = arith.select %gt3A_5, %div3A_9, %broadcast_in_dim3A : vector<512xi1>, vector<512xf32>
    %get3A_10 = arith.constant 0 : index
    %get3A_11 = arith.constant 0 : index
    %get3A_12 = arith.constant 0 : index
    %get3A_13 = vector.load %arg1[%get3A_10, %get3A_11, %get3A_12] : memref<2x512x128xf32, #tpu.memory_space<vmem>>, vector<1x512x128xf32>
    %get3A_14 = vector.shape_cast %get3A_13 : vector<1x512x128xf32> to vector<512x128xf32>
    %get3A_15 = arith.constant 1 : index
    %get3A_16 = arith.constant 0 : index
    %get3A_17 = arith.constant 0 : index
    %get3A_18 = vector.load %arg1[%get3A_15, %get3A_16, %get3A_17] : memref<2x512x128xf32, #tpu.memory_space<vmem>>, vector<1x512x128xf32>
    %get3A_19 = vector.shape_cast %get3A_18 : vector<1x512x128xf32> to vector<512x128xf32>
    %add3A_20 = arith.addf %get3A_14, %get3A_19 : vector<512x128xf32>
    %broadcast_in_dim3A_21 = vector.shape_cast %select_n3A : vector<512xf32> to vector<512x1xf32>
    %mul3A = vector.broadcast %broadcast_in_dim3A_21 : vector<512x1xf32> to vector<512x128xf32>
    %mul3A_22 = arith.mulf %add3A_20, %mul3A : vector<512x128xf32>
    %get3A_23 = arith.constant 0 : index
    %get3A_24 = arith.constant 0 : index
    %get3A_25 = vector.load %arg4[%get3A_23, %get3A_24] : memref<128x128xf32, #tpu.memory_space<vmem>>, vector<128x128xf32>
    %dot_general3A = arith.constant dense<0.000000e+00> : vector<512x128xf32>
    %dot_general3A_26 = tpu.matmul %mul3A_22, %get3A_25, %dot_general3A {dimension_numbers = #tpu.dot_dimension_numbers<[1], [1], [0], [0], [0, 0, 1, 0], [], []>, transpose_lhs_hint = false} : vector<512x128xf32>, vector<128x128xf32>, vector<512x128xf32> -> vector<512x128xf32>
    %get3A_27 = arith.constant 0 : index
    %get3A_28 = arith.constant 0 : index
    %get3A_29 = vector.load %arg5[%get3A_27, %get3A_28] : memref<1x128xf32, #tpu.memory_space<vmem>>, vector<1x128xf32>
    %add3A_30 = vector.broadcast %get3A_29 : vector<1x128xf32> to vector<512x128xf32>
    %add3A_31 = arith.addf %dot_general3A_26, %add3A_30 : vector<512x128xf32>
    %get3A_32 = arith.constant 0 : index
    %get3A_33 = arith.constant 0 : index
    %get3A_34 = vector.load %arg3[%get3A_32, %get3A_33] : memref<512x128xf32, #tpu.memory_space<vmem>>, vector<512x128xf32>
    %get3A_35 = arith.constant 0 : index
    %get3A_36 = arith.constant 0 : index
    %get3A_37 = vector.load %arg6[%get3A_35, %get3A_36] : memref<128x128xf32, #tpu.memory_space<vmem>>, vector<128x128xf32>
    %dot_general3A_38 = arith.constant dense<0.000000e+00> : vector<512x128xf32>
    %dot_general3A_39 = tpu.matmul %get3A_34, %get3A_37, %dot_general3A_38 {dimension_numbers = #tpu.dot_dimension_numbers<[1], [1], [0], [0], [0, 0, 1, 0], [], []>, transpose_lhs_hint = false} : vector<512x128xf32>, vector<128x128xf32>, vector<512x128xf32> -> vector<512x128xf32>
    %add3A_40 = arith.addf %add3A_31, %dot_general3A_39 : vector<512x128xf32>
    %get3A_41 = arith.constant 0 : index
    %get3A_42 = arith.constant 0 : index
    %get3A_43 = vector.load %arg7[%get3A_41, %get3A_42] : memref<1x128xf32, #tpu.memory_space<vmem>>, vector<1x128xf32>
    %add3A_44 = vector.broadcast %get3A_43 : vector<1x128xf32> to vector<512x128xf32>
    %add3A_45 = arith.addf %add3A_40, %add3A_44 : vector<512x128xf32>
    %swap3A = arith.constant 0 : index
    %swap3A_46 = arith.constant 0 : index
    %swap3A_47 = vector.load %arg8[%swap3A, %swap3A_46] : memref<512x128xf32, #tpu.memory_space<vmem>>, vector<512x128xf32>
    tpu.vector_store %arg8[%swap3A, %swap3A_46], %add3A_45 {strides = array<i32>} : memref<512x128xf32, #tpu.memory_space<vmem>>, vector<512x128xf32>,
    %broadcast_in_dim3A_48 = vector.shape_cast %select_n3A : vector<512xf32> to vector<512x1xf32>
    %mul3A_49 = vector.broadcast %broadcast_in_dim3A_48 : vector<512x1xf32> to vector<512x128xf32>
    %mul3A_50 = arith.mulf %add3A_45, %mul3A_49 : vector<512x128xf32>
    %swap3A_51 = arith.constant 0 : index
    %swap3A_52 = arith.constant 0 : index
    %swap3A_53 = vector.load %arg9[%swap3A_51, %swap3A_52] : memref<512x128xf32, #tpu.memory_space<vmem>>, vector<512x128xf32>
    tpu.vector_store %arg9[%swap3A_51, %swap3A_52], %mul3A_50 {strides = array<i32>} : memref<512x128xf32, #tpu.memory_space<vmem>>, vector<512x128xf32>,
    return
  }
  func.func @transform_0(%arg0: i32) -> (i32, i32, i32) {
    %c0_i32 = arith.constant 0 : i32
    %c0_i32_0 = arith.constant 0 : i32
    %c0_i32_1 = arith.constant 0 : i32
    return %c0_i32, %arg0, %c0_i32_0 : i32, i32, i32
  }
  func.func @transform_1(%arg0: i32) -> (i32, i32) {
    %c0_i32 = arith.constant 0 : i32
    %c0_i32_0 = arith.constant 0 : i32
    return %c0_i32, %arg0 : i32, i32
  }
  func.func @transform_2(%arg0: i32) -> (i32, i32) {
    %c0_i32 = arith.constant 0 : i32
    %c0_i32_0 = arith.constant 0 : i32
    return %arg0, %c0_i32 : i32, i32
  }
  func.func @transform_3(%arg0: i32) -> (i32, i32) {
    %c0_i32 = arith.constant 0 : i32
    %c0_i32_0 = arith.constant 0 : i32
    %c0_i32_1 = arith.constant 0 : i32
    return %c0_i32, %c0_i32_0 : i32, i32
  }
  func.func @transform_4(%arg0: i32) -> (i32, i32) {
    %c0_i32 = arith.constant 0 : i32
    %c0_i32_0 = arith.constant 0 : i32
    %c0_i32_1 = arith.constant 0 : i32
    return %c0_i32, %c0_i32_0 : i32, i32
  }
  func.func @transform_5(%arg0: i32) -> (i32, i32) {
    %c0_i32 = arith.constant 0 : i32
    %c0_i32_0 = arith.constant 0 : i32
    %c0_i32_1 = arith.constant 0 : i32
    return %c0_i32, %c0_i32_0 : i32, i32
  }
  func.func @transform_6(%arg0: i32) -> (i32, i32) {
    %c0_i32 = arith.constant 0 : i32
    %c0_i32_0 = arith.constant 0 : i32
    %c0_i32_1 = arith.constant 0 : i32
    return %c0_i32, %c0_i32_0 : i32, i32
  }
  func.func @transform_7(%arg0: i32) -> (i32, i32) {
    %c0_i32 = arith.constant 0 : i32
    %c0_i32_0 = arith.constant 0 : i32
    return %arg0, %c0_i32 : i32, i32
  }
  func.func @transform_8(%arg0: i32) -> (i32, i32) {
    %c0_i32 = arith.constant 0 : i32
    %c0_i32_0 = arith.constant 0 : i32
    return %arg0, %c0_i32 : i32, i32
  }
}

module attributes {stable_mosaic.version = 14 : i64} {
  func.func @_decoder_body(%arg0: i32, %arg1: memref<2x512x128xf32, #tpu.memory_space<vmem>>, %arg2: memref<2x512xf32, #tpu.memory_space<vmem>>, %arg3: memref<512x128xf32, #tpu.memory_space<vmem>>, %arg4: memref<128x128xf32, #tpu.memory_space<vmem>>, %arg5: memref<1x128xf32, #tpu.memory_space<vmem>>, %arg6: memref<128x128xf32, #tpu.memory_space<vmem>>, %arg7: memref<1x128xf32, #tpu.memory_space<vmem>>, %arg8: memref<512x128xf32, #tpu.memory_space<vmem>>, %arg9: memref<384x128xf32, #tpu.memory_space<vmem>>, %arg10: memref<1x384xf32, #tpu.memory_space<vmem>>, %arg11: memref<128x128xf32, #tpu.memory_space<vmem>>, %arg12: memref<1x128xf32, #tpu.memory_space<vmem>>, %arg13: memref<1x128xf32, #tpu.memory_space<vmem>>, %arg14: memref<1x128xf32, #tpu.memory_space<vmem>>, %arg15: memref<128x128xf32, #tpu.memory_space<vmem>>, %arg16: memref<1x128xf32, #tpu.memory_space<vmem>>, %arg17: memref<512x128xf32, #tpu.memory_space<vmem>>, %arg18: memref<512x1xf32, #tpu.memory_space<vmem>>, %arg19: memref<512x128xf32, #tpu.memory_space<vmem>>, %arg20: memref<512x128xf32, #tpu.memory_space<vmem>>) attributes {dimension_semantics = [#tpu.dimension_semantics<arbitrary>], iteration_bounds = array<i64: 20>, scalar_prefetch = 0 : i64, scratch_operands = 2 : i64, tpu.core_type = #tpu.core_type<tc>, window_params = [{transform_indices = @transform_0, window_bounds = array<i64: 2, 512, 128>}, {transform_indices = @transform_1, window_bounds = array<i64: 2, 512>}, {transform_indices = @transform_2, window_bounds = array<i64: 512, 128>}, {pipeline_mode = #tpu.pipeline_mode<synchronous>, transform_indices = @transform_3, window_bounds = array<i64: 128, 128>}, {pipeline_mode = #tpu.pipeline_mode<synchronous>, transform_indices = @transform_4, window_bounds = array<i64: 1, 128>}, {pipeline_mode = #tpu.pipeline_mode<synchronous>, transform_indices = @transform_5, window_bounds = array<i64: 128, 128>}, {pipeline_mode = #tpu.pipeline_mode<synchronous>, transform_indices = @transform_6, window_bounds = array<i64: 1, 128>}, {pipeline_mode = #tpu.pipeline_mode<synchronous>, transform_indices = @transform_7, window_bounds = array<i64: 512, 128>}, {pipeline_mode = #tpu.pipeline_mode<synchronous>, transform_indices = @transform_8, window_bounds = array<i64: 384, 128>}, {pipeline_mode = #tpu.pipeline_mode<synchronous>, transform_indices = @transform_9, window_bounds = array<i64: 1, 384>}, {pipeline_mode = #tpu.pipeline_mode<synchronous>, transform_indices = @transform_10, window_bounds = array<i64: 128, 128>}, {pipeline_mode = #tpu.pipeline_mode<synchronous>, transform_indices = @transform_11, window_bounds = array<i64: 1, 128>}, {pipeline_mode = #tpu.pipeline_mode<synchronous>, transform_indices = @transform_12, window_bounds = array<i64: 1, 128>}, {pipeline_mode = #tpu.pipeline_mode<synchronous>, transform_indices = @transform_13, window_bounds = array<i64: 1, 128>}, {pipeline_mode = #tpu.pipeline_mode<synchronous>, transform_indices = @transform_14, window_bounds = array<i64: 128, 128>}, {pipeline_mode = #tpu.pipeline_mode<synchronous>, transform_indices = @transform_15, window_bounds = array<i64: 1, 128>}, {transform_indices = @transform_16, window_bounds = array<i64: 512, 128>}, {transform_indices = @transform_17, window_bounds = array<i64: 512, 1>}]} {
    %eq3A = arith.constant 0 : i32
    %eq3A_0 = arith.cmpi eq, %arg0, %eq3A : i32
    %convert_element_type3A = arith.extui %eq3A_0 : i1 to i32
    %cond3A = arith.constant 0 : i32
    %cond3A_1 = arith.cmpi ne, %convert_element_type3A, %cond3A : i32
    scf.if %cond3A_1 {
      %get3A_235 = arith.constant 0 : index
      %get3A_236 = arith.constant 0 : index
      %get3A_237 = vector.load %arg8[%get3A_235, %get3A_236] : memref<512x128xf32, #tpu.memory_space<vmem>>, vector<512x128xf32>
      %get3A_238 = arith.constant 128 : index
      %get3A_239 = arith.constant 0 : index
      %get3A_240 = vector.load %arg9[%get3A_238, %get3A_239] : memref<384x128xf32, #tpu.memory_space<vmem>>, vector<128x128xf32>
      %dot_general3A_241 = arith.constant dense<0.000000e+00> : vector<512x128xf32>
      %dot_general3A_242 = tpu.matmul %get3A_237, %get3A_240, %dot_general3A_241 {dimension_numbers = #tpu.dot_dimension_numbers<[1], [1], [0], [0], [0, 0, 1, 0], [], []>, transpose_lhs_hint = false} : vector<512x128xf32>, vector<128x128xf32>, vector<512x128xf32> -> vector<512x128xf32>
      %get3A_243 = arith.constant 0 : index
      %get3A_244 = arith.constant 128 : index
      %get3A_245 = vector.load %arg10[%get3A_243, %get3A_244] : memref<1x384xf32, #tpu.memory_space<vmem>>, vector<1x128xf32>
      %get3A_246 = vector.shape_cast %get3A_245 : vector<1x128xf32> to vector<128xf32>
      %broadcast_in_dim3A_247 = vector.shape_cast %get3A_246 : vector<128xf32> to vector<1x128xf32>
      %add3A_248 = vector.broadcast %broadcast_in_dim3A_247 : vector<1x128xf32> to vector<512x128xf32>
      %add3A_249 = arith.addf %dot_general3A_242, %add3A_248 : vector<512x128xf32>
      %swap3A_250 = arith.constant 0 : index
      %swap3A_251 = arith.constant 0 : index
      %swap3A_252 = vector.load %arg19[%swap3A_250, %swap3A_251] : memref<512x128xf32, #tpu.memory_space<vmem>>, vector<512x128xf32>
      tpu.vector_store %arg19[%swap3A_250, %swap3A_251], %add3A_249 {strides = array<i32>} : memref<512x128xf32, #tpu.memory_space<vmem>>, vector<512x128xf32>,
      %get3A_253 = arith.constant 256 : index
      %get3A_254 = arith.constant 0 : index
      %get3A_255 = vector.load %arg9[%get3A_253, %get3A_254] : memref<384x128xf32, #tpu.memory_space<vmem>>, vector<128x128xf32>
      %dot_general3A_256 = arith.constant dense<0.000000e+00> : vector<512x128xf32>
      %dot_general3A_257 = tpu.matmul %get3A_237, %get3A_255, %dot_general3A_256 {dimension_numbers = #tpu.dot_dimension_numbers<[1], [1], [0], [0], [0, 0, 1, 0], [], []>, transpose_lhs_hint = false} : vector<512x128xf32>, vector<128x128xf32>, vector<512x128xf32> -> vector<512x128xf32>
      %get3A_258 = arith.constant 0 : index
      %get3A_259 = arith.constant 256 : index
      %get3A_260 = vector.load %arg10[%get3A_258, %get3A_259] : memref<1x384xf32, #tpu.memory_space<vmem>>, vector<1x128xf32>
      %get3A_261 = vector.shape_cast %get3A_260 : vector<1x128xf32> to vector<128xf32>
      %broadcast_in_dim3A_262 = vector.shape_cast %get3A_261 : vector<128xf32> to vector<1x128xf32>
      %add3A_263 = vector.broadcast %broadcast_in_dim3A_262 : vector<1x128xf32> to vector<512x128xf32>
      %add3A_264 = arith.addf %dot_general3A_257, %add3A_263 : vector<512x128xf32>
      %swap3A_265 = arith.constant 0 : index
      %swap3A_266 = arith.constant 0 : index
      %swap3A_267 = vector.load %arg20[%swap3A_265, %swap3A_266] : memref<512x128xf32, #tpu.memory_space<vmem>>, vector<512x128xf32>
      tpu.vector_store %arg20[%swap3A_265, %swap3A_266], %add3A_264 {strides = array<i32>} : memref<512x128xf32, #tpu.memory_space<vmem>>, vector<512x128xf32>,
    } else {
    }
    %get3A = arith.constant 0 : index
    %get3A_2 = arith.constant 0 : index
    %get3A_3 = vector.load %arg2[%get3A, %get3A_2] : memref<2x512xf32, #tpu.memory_space<vmem>>, vector<2x512xf32>
    %slice3A = vector.extract_strided_slice %get3A_3 {offsets = [0, 0], sizes = [1, 512], strides = [1, 1]} : vector<2x512xf32> to vector<1x512xf32>
    %squeeze3A = vector.shape_cast %slice3A : vector<1x512xf32> to vector<512xf32>
    %slice3A_4 = vector.extract_strided_slice %get3A_3 {offsets = [1, 0], sizes = [1, 512], strides = [1, 1]} : vector<2x512xf32> to vector<1x512xf32>
    %squeeze3A_5 = vector.shape_cast %slice3A_4 : vector<1x512xf32> to vector<512xf32>
    %add3A = arith.addf %squeeze3A, %squeeze3A_5 : vector<512xf32>
    %gt3A = arith.constant 0.000000e+00 : f32
    %gt3A_6 = vector.broadcast %gt3A : f32 to vector<512xf32>
    %gt3A_7 = arith.cmpf ogt, %add3A, %gt3A_6 : vector<512xf32>
    %max3A = arith.constant 9.99999996E-13 : f32
    %max3A_8 = vector.broadcast %max3A : f32 to vector<512xf32>
    %max3A_9 = arith.maximumf %add3A, %max3A_8 : vector<512xf32>
    %sqrt3A = math.sqrt %max3A_9 : vector<512xf32>
    %div3A = arith.constant 1.000000e+00 : f32
    %div3A_10 = vector.broadcast %div3A : f32 to vector<512xf32>
    %div3A_11 = arith.divf %div3A_10, %sqrt3A : vector<512xf32>
    %jit3A = arith.constant 0.000000e+00 : f32
    %broadcast_in_dim3A = vector.broadcast %jit3A : f32 to vector<512xf32>
    %select_n3A = arith.select %gt3A_7, %div3A_11, %broadcast_in_dim3A : vector<512xi1>, vector<512xf32>
    %get3A_12 = arith.constant 0 : index
    %get3A_13 = arith.constant 0 : index
    %get3A_14 = arith.constant 0 : index
    %get3A_15 = vector.load %arg1[%get3A_12, %get3A_13, %get3A_14] : memref<2x512x128xf32, #tpu.memory_space<vmem>>, vector<1x512x128xf32>
    %get3A_16 = vector.shape_cast %get3A_15 : vector<1x512x128xf32> to vector<512x128xf32>
    %get3A_17 = arith.constant 1 : index
    %get3A_18 = arith.constant 0 : index
    %get3A_19 = arith.constant 0 : index
    %get3A_20 = vector.load %arg1[%get3A_17, %get3A_18, %get3A_19] : memref<2x512x128xf32, #tpu.memory_space<vmem>>, vector<1x512x128xf32>
    %get3A_21 = vector.shape_cast %get3A_20 : vector<1x512x128xf32> to vector<512x128xf32>
    %add3A_22 = arith.addf %get3A_16, %get3A_21 : vector<512x128xf32>
    %broadcast_in_dim3A_23 = vector.shape_cast %select_n3A : vector<512xf32> to vector<512x1xf32>
    %mul3A = vector.broadcast %broadcast_in_dim3A_23 : vector<512x1xf32> to vector<512x128xf32>
    %mul3A_24 = arith.mulf %add3A_22, %mul3A : vector<512x128xf32>
    %get3A_25 = arith.constant 0 : index
    %get3A_26 = arith.constant 0 : index
    %get3A_27 = vector.load %arg4[%get3A_25, %get3A_26] : memref<128x128xf32, #tpu.memory_space<vmem>>, vector<128x128xf32>
    %dot_general3A = arith.constant dense<0.000000e+00> : vector<512x128xf32>
    %dot_general3A_28 = tpu.matmul %mul3A_24, %get3A_27, %dot_general3A {dimension_numbers = #tpu.dot_dimension_numbers<[1], [1], [0], [0], [0, 0, 1, 0], [], []>, transpose_lhs_hint = false} : vector<512x128xf32>, vector<128x128xf32>, vector<512x128xf32> -> vector<512x128xf32>
    %get3A_29 = arith.constant 0 : index
    %get3A_30 = arith.constant 0 : index
    %get3A_31 = vector.load %arg5[%get3A_29, %get3A_30] : memref<1x128xf32, #tpu.memory_space<vmem>>, vector<1x128xf32>
    %add3A_32 = vector.broadcast %get3A_31 : vector<1x128xf32> to vector<512x128xf32>
    %add3A_33 = arith.addf %dot_general3A_28, %add3A_32 : vector<512x128xf32>
    %get3A_34 = arith.constant 0 : index
    %get3A_35 = arith.constant 0 : index
    %get3A_36 = vector.load %arg3[%get3A_34, %get3A_35] : memref<512x128xf32, #tpu.memory_space<vmem>>, vector<512x128xf32>
    %get3A_37 = arith.constant 0 : index
    %get3A_38 = arith.constant 0 : index
    %get3A_39 = vector.load %arg6[%get3A_37, %get3A_38] : memref<128x128xf32, #tpu.memory_space<vmem>>, vector<128x128xf32>
    %dot_general3A_40 = arith.constant dense<0.000000e+00> : vector<512x128xf32>
    %dot_general3A_41 = tpu.matmul %get3A_36, %get3A_39, %dot_general3A_40 {dimension_numbers = #tpu.dot_dimension_numbers<[1], [1], [0], [0], [0, 0, 1, 0], [], []>, transpose_lhs_hint = false} : vector<512x128xf32>, vector<128x128xf32>, vector<512x128xf32> -> vector<512x128xf32>
    %add3A_42 = arith.addf %add3A_33, %dot_general3A_41 : vector<512x128xf32>
    %get3A_43 = arith.constant 0 : index
    %get3A_44 = arith.constant 0 : index
    %get3A_45 = vector.load %arg7[%get3A_43, %get3A_44] : memref<1x128xf32, #tpu.memory_space<vmem>>, vector<1x128xf32>
    %add3A_46 = vector.broadcast %get3A_45 : vector<1x128xf32> to vector<512x128xf32>
    %add3A_47 = arith.addf %add3A_42, %add3A_46 : vector<512x128xf32>
    %get3A_48 = arith.constant 0 : index
    %get3A_49 = arith.constant 0 : index
    %get3A_50 = vector.load %arg9[%get3A_48, %get3A_49] : memref<384x128xf32, #tpu.memory_space<vmem>>, vector<128x128xf32>
    %dot_general3A_51 = arith.constant dense<0.000000e+00> : vector<512x128xf32>
    %dot_general3A_52 = tpu.matmul %add3A_47, %get3A_50, %dot_general3A_51 {dimension_numbers = #tpu.dot_dimension_numbers<[1], [1], [0], [0], [0, 0, 1, 0], [], []>, transpose_lhs_hint = false} : vector<512x128xf32>, vector<128x128xf32>, vector<512x128xf32> -> vector<512x128xf32>
    %get3A_53 = arith.constant 0 : index
    %get3A_54 = arith.constant 0 : index
    %get3A_55 = vector.load %arg10[%get3A_53, %get3A_54] : memref<1x384xf32, #tpu.memory_space<vmem>>, vector<1x128xf32>
    %get3A_56 = vector.shape_cast %get3A_55 : vector<1x128xf32> to vector<128xf32>
    %broadcast_in_dim3A_57 = vector.shape_cast %get3A_56 : vector<128xf32> to vector<1x128xf32>
    %add3A_58 = vector.broadcast %broadcast_in_dim3A_57 : vector<1x128xf32> to vector<512x128xf32>
    %add3A_59 = arith.addf %dot_general3A_52, %add3A_58 : vector<512x128xf32>
    %get3A_60 = arith.constant 0 : index
    %get3A_61 = arith.constant 0 : index
    %get3A_62 = vector.load %arg19[%get3A_60, %get3A_61] : memref<512x128xf32, #tpu.memory_space<vmem>>, vector<512x128xf32>
    %get3A_63 = arith.constant 0 : index
    %get3A_64 = arith.constant 0 : index
    %get3A_65 = vector.load %arg20[%get3A_63, %get3A_64] : memref<512x128xf32, #tpu.memory_space<vmem>>, vector<512x128xf32>
    %sqrt3A_66 = arith.constant 3.200000e+01 : f32
    %sqrt3A_67 = math.sqrt %sqrt3A_66 : f32
    %div3A_68 = arith.constant 1.000000e+00 : f32
    %div3A_69 = arith.divf %div3A_68, %sqrt3A_67 : f32
    %slice3A_70 = vector.extract_strided_slice %add3A_59 {offsets = [0, 0], sizes = [512, 32], strides = [1, 1]} : vector<512x128xf32> to vector<512x32xf32>
    %slice3A_71 = vector.extract_strided_slice %get3A_62 {offsets = [0, 0], sizes = [512, 32], strides = [1, 1]} : vector<512x128xf32> to vector<512x32xf32>
    %slice3A_72 = vector.extract_strided_slice %get3A_65 {offsets = [0, 0], sizes = [512, 32], strides = [1, 1]} : vector<512x128xf32> to vector<512x32xf32>
    %dot_general3A_73 = arith.constant dense<0.000000e+00> : vector<512x512xf32>
    %dot_general3A_74 = tpu.matmul %slice3A_70, %slice3A_71, %dot_general3A_73 {dimension_numbers = #tpu.dot_dimension_numbers<[1], [1], [0], [0], [0, 0, 1, 0], [], []>, transpose_lhs_hint = false} : vector<512x32xf32>, vector<512x32xf32>, vector<512x512xf32> -> vector<512x512xf32>
    %mul3A_75 = vector.broadcast %div3A_69 : f32 to vector<512x512xf32>
    %mul3A_76 = arith.mulf %dot_general3A_74, %mul3A_75 : vector<512x512xf32>
    %reduce_max3A = arith.constant dense<0xFF800000> : vector<512xf32>
    %reduce_max3A_77 = vector.multi_reduction <maximumf>, %mul3A_76, %reduce_max3A [1] : vector<512x512xf32> to vector<512xf32>
    %broadcast_in_dim3A_78 = vector.shape_cast %reduce_max3A_77 : vector<512xf32> to vector<512x1xf32>
    %sub3A = vector.broadcast %broadcast_in_dim3A_78 : vector<512x1xf32> to vector<512x512xf32>
    %sub3A_79 = arith.subf %mul3A_76, %sub3A : vector<512x512xf32>
    %exp3A = math.exp %sub3A_79 : vector<512x512xf32>
    %reduce_sum3A = arith.constant dense<0.000000e+00> : vector<512xf32>
    %reduce_sum3A_80 = vector.multi_reduction <add>, %exp3A, %reduce_sum3A [1] : vector<512x512xf32> to vector<512xf32>
    %broadcast_in_dim3A_81 = vector.shape_cast %reduce_sum3A_80 : vector<512xf32> to vector<512x1xf32>
    %div3A_82 = vector.broadcast %broadcast_in_dim3A_81 : vector<512x1xf32> to vector<512x512xf32>
    %div3A_83 = arith.divf %exp3A, %div3A_82 : vector<512x512xf32>
    %dot_general3A_84 = arith.constant dense<0.000000e+00> : vector<512x32xf32>
    %dot_general3A_85 = tpu.matmul %div3A_83, %slice3A_72, %dot_general3A_84 {dimension_numbers = #tpu.dot_dimension_numbers<[1], [0], [0], [1], [0, 0, 1, 1], [], []>, transpose_lhs_hint = false} : vector<512x512xf32>, vector<512x32xf32>, vector<512x32xf32> -> vector<512x32xf32>
    %slice3A_86 = vector.extract_strided_slice %add3A_59 {offsets = [0, 32], sizes = [512, 32], strides = [1, 1]} : vector<512x128xf32> to vector<512x32xf32>
    %slice3A_87 = vector.extract_strided_slice %get3A_62 {offsets = [0, 32], sizes = [512, 32], strides = [1, 1]} : vector<512x128xf32> to vector<512x32xf32>
    %slice3A_88 = vector.extract_strided_slice %get3A_65 {offsets = [0, 32], sizes = [512, 32], strides = [1, 1]} : vector<512x128xf32> to vector<512x32xf32>
    %dot_general3A_89 = arith.constant dense<0.000000e+00> : vector<512x512xf32>
    %dot_general3A_90 = tpu.matmul %slice3A_86, %slice3A_87, %dot_general3A_89 {dimension_numbers = #tpu.dot_dimension_numbers<[1], [1], [0], [0], [0, 0, 1, 0], [], []>, transpose_lhs_hint = false} : vector<512x32xf32>, vector<512x32xf32>, vector<512x512xf32> -> vector<512x512xf32>
    %mul3A_91 = vector.broadcast %div3A_69 : f32 to vector<512x512xf32>
    %mul3A_92 = arith.mulf %dot_general3A_90, %mul3A_91 : vector<512x512xf32>
    %reduce_max3A_93 = arith.constant dense<0xFF800000> : vector<512xf32>
    %reduce_max3A_94 = vector.multi_reduction <maximumf>, %mul3A_92, %reduce_max3A_93 [1] : vector<512x512xf32> to vector<512xf32>
    %broadcast_in_dim3A_95 = vector.shape_cast %reduce_max3A_94 : vector<512xf32> to vector<512x1xf32>
    %sub3A_96 = vector.broadcast %broadcast_in_dim3A_95 : vector<512x1xf32> to vector<512x512xf32>
    %sub3A_97 = arith.subf %mul3A_92, %sub3A_96 : vector<512x512xf32>
    %exp3A_98 = math.exp %sub3A_97 : vector<512x512xf32>
    %reduce_sum3A_99 = arith.constant dense<0.000000e+00> : vector<512xf32>
    %reduce_sum3A_100 = vector.multi_reduction <add>, %exp3A_98, %reduce_sum3A_99 [1] : vector<512x512xf32> to vector<512xf32>
    %broadcast_in_dim3A_101 = vector.shape_cast %reduce_sum3A_100 : vector<512xf32> to vector<512x1xf32>
    %div3A_102 = vector.broadcast %broadcast_in_dim3A_101 : vector<512x1xf32> to vector<512x512xf32>
    %div3A_103 = arith.divf %exp3A_98, %div3A_102 : vector<512x512xf32>
    %dot_general3A_104 = arith.constant dense<0.000000e+00> : vector<512x32xf32>
    %dot_general3A_105 = tpu.matmul %div3A_103, %slice3A_88, %dot_general3A_104 {dimension_numbers = #tpu.dot_dimension_numbers<[1], [0], [0], [1], [0, 0, 1, 1], [], []>, transpose_lhs_hint = false} : vector<512x512xf32>, vector<512x32xf32>, vector<512x32xf32> -> vector<512x32xf32>
    %slice3A_106 = vector.extract_strided_slice %add3A_59 {offsets = [0, 64], sizes = [512, 32], strides = [1, 1]} : vector<512x128xf32> to vector<512x32xf32>
    %slice3A_107 = vector.extract_strided_slice %get3A_62 {offsets = [0, 64], sizes = [512, 32], strides = [1, 1]} : vector<512x128xf32> to vector<512x32xf32>
    %slice3A_108 = vector.extract_strided_slice %get3A_65 {offsets = [0, 64], sizes = [512, 32], strides = [1, 1]} : vector<512x128xf32> to vector<512x32xf32>
    %dot_general3A_109 = arith.constant dense<0.000000e+00> : vector<512x512xf32>
    %dot_general3A_110 = tpu.matmul %slice3A_106, %slice3A_107, %dot_general3A_109 {dimension_numbers = #tpu.dot_dimension_numbers<[1], [1], [0], [0], [0, 0, 1, 0], [], []>, transpose_lhs_hint = false} : vector<512x32xf32>, vector<512x32xf32>, vector<512x512xf32> -> vector<512x512xf32>
    %mul3A_111 = vector.broadcast %div3A_69 : f32 to vector<512x512xf32>
    %mul3A_112 = arith.mulf %dot_general3A_110, %mul3A_111 : vector<512x512xf32>
    %reduce_max3A_113 = arith.constant dense<0xFF800000> : vector<512xf32>
    %reduce_max3A_114 = vector.multi_reduction <maximumf>, %mul3A_112, %reduce_max3A_113 [1] : vector<512x512xf32> to vector<512xf32>
    %broadcast_in_dim3A_115 = vector.shape_cast %reduce_max3A_114 : vector<512xf32> to vector<512x1xf32>
    %sub3A_116 = vector.broadcast %broadcast_in_dim3A_115 : vector<512x1xf32> to vector<512x512xf32>
    %sub3A_117 = arith.subf %mul3A_112, %sub3A_116 : vector<512x512xf32>
    %exp3A_118 = math.exp %sub3A_117 : vector<512x512xf32>
    %reduce_sum3A_119 = arith.constant dense<0.000000e+00> : vector<512xf32>
    %reduce_sum3A_120 = vector.multi_reduction <add>, %exp3A_118, %reduce_sum3A_119 [1] : vector<512x512xf32> to vector<512xf32>
    %broadcast_in_dim3A_121 = vector.shape_cast %reduce_sum3A_120 : vector<512xf32> to vector<512x1xf32>
    %div3A_122 = vector.broadcast %broadcast_in_dim3A_121 : vector<512x1xf32> to vector<512x512xf32>
    %div3A_123 = arith.divf %exp3A_118, %div3A_122 : vector<512x512xf32>
    %dot_general3A_124 = arith.constant dense<0.000000e+00> : vector<512x32xf32>
    %dot_general3A_125 = tpu.matmul %div3A_123, %slice3A_108, %dot_general3A_124 {dimension_numbers = #tpu.dot_dimension_numbers<[1], [0], [0], [1], [0, 0, 1, 1], [], []>, transpose_lhs_hint = false} : vector<512x512xf32>, vector<512x32xf32>, vector<512x32xf32> -> vector<512x32xf32>
    %slice3A_126 = vector.extract_strided_slice %add3A_59 {offsets = [0, 96], sizes = [512, 32], strides = [1, 1]} : vector<512x128xf32> to vector<512x32xf32>
    %slice3A_127 = vector.extract_strided_slice %get3A_62 {offsets = [0, 96], sizes = [512, 32], strides = [1, 1]} : vector<512x128xf32> to vector<512x32xf32>
    %slice3A_128 = vector.extract_strided_slice %get3A_65 {offsets = [0, 96], sizes = [512, 32], strides = [1, 1]} : vector<512x128xf32> to vector<512x32xf32>
    %dot_general3A_129 = arith.constant dense<0.000000e+00> : vector<512x512xf32>
    %dot_general3A_130 = tpu.matmul %slice3A_126, %slice3A_127, %dot_general3A_129 {dimension_numbers = #tpu.dot_dimension_numbers<[1], [1], [0], [0], [0, 0, 1, 0], [], []>, transpose_lhs_hint = false} : vector<512x32xf32>, vector<512x32xf32>, vector<512x512xf32> -> vector<512x512xf32>
    %mul3A_131 = vector.broadcast %div3A_69 : f32 to vector<512x512xf32>
    %mul3A_132 = arith.mulf %dot_general3A_130, %mul3A_131 : vector<512x512xf32>
    %reduce_max3A_133 = arith.constant dense<0xFF800000> : vector<512xf32>
    %reduce_max3A_134 = vector.multi_reduction <maximumf>, %mul3A_132, %reduce_max3A_133 [1] : vector<512x512xf32> to vector<512xf32>
    %broadcast_in_dim3A_135 = vector.shape_cast %reduce_max3A_134 : vector<512xf32> to vector<512x1xf32>
    %sub3A_136 = vector.broadcast %broadcast_in_dim3A_135 : vector<512x1xf32> to vector<512x512xf32>
    %sub3A_137 = arith.subf %mul3A_132, %sub3A_136 : vector<512x512xf32>
    %exp3A_138 = math.exp %sub3A_137 : vector<512x512xf32>
    %reduce_sum3A_139 = arith.constant dense<0.000000e+00> : vector<512xf32>
    %reduce_sum3A_140 = vector.multi_reduction <add>, %exp3A_138, %reduce_sum3A_139 [1] : vector<512x512xf32> to vector<512xf32>
    %broadcast_in_dim3A_141 = vector.shape_cast %reduce_sum3A_140 : vector<512xf32> to vector<512x1xf32>
    %div3A_142 = vector.broadcast %broadcast_in_dim3A_141 : vector<512x1xf32> to vector<512x512xf32>
    %div3A_143 = arith.divf %exp3A_138, %div3A_142 : vector<512x512xf32>
    %dot_general3A_144 = arith.constant dense<0.000000e+00> : vector<512x32xf32>
    %dot_general3A_145 = tpu.matmul %div3A_143, %slice3A_128, %dot_general3A_144 {dimension_numbers = #tpu.dot_dimension_numbers<[1], [0], [0], [1], [0, 0, 1, 1], [], []>, transpose_lhs_hint = false} : vector<512x512xf32>, vector<512x32xf32>, vector<512x32xf32> -> vector<512x32xf32>
    %concatenate3A = tpu.concatenate %dot_general3A_85, %dot_general3A_105, %dot_general3A_125, %dot_general3A_145 in 1 : vector<512x32xf32>, vector<512x32xf32>, vector<512x32xf32>, vector<512x32xf32> -> vector<512x128xf32>
    %get3A_146 = arith.constant 0 : index
    %get3A_147 = arith.constant 0 : index
    %get3A_148 = vector.load %arg11[%get3A_146, %get3A_147] : memref<128x128xf32, #tpu.memory_space<vmem>>, vector<128x128xf32>
    %dot_general3A_149 = arith.constant dense<0.000000e+00> : vector<512x128xf32>
    %dot_general3A_150 = tpu.matmul %concatenate3A, %get3A_148, %dot_general3A_149 {dimension_numbers = #tpu.dot_dimension_numbers<[1], [1], [0], [0], [0, 0, 1, 0], [], []>, transpose_lhs_hint = false} : vector<512x128xf32>, vector<128x128xf32>, vector<512x128xf32> -> vector<512x128xf32>
    %get3A_151 = arith.constant 0 : index
    %get3A_152 = arith.constant 0 : index
    %get3A_153 = vector.load %arg12[%get3A_151, %get3A_152] : memref<1x128xf32, #tpu.memory_space<vmem>>, vector<1x128xf32>
    %add3A_154 = vector.broadcast %get3A_153 : vector<1x128xf32> to vector<512x128xf32>
    %add3A_155 = arith.addf %dot_general3A_150, %add3A_154 : vector<512x128xf32>
    %add3A_156 = arith.addf %add3A_155, %add3A_47 : vector<512x128xf32>
    %reduce_sum3A_157 = arith.constant dense<0.000000e+00> : vector<512xf32>
    %reduce_sum3A_158 = vector.multi_reduction <add>, %add3A_156, %reduce_sum3A_157 [1] : vector<512x128xf32> to vector<512xf32>
    %broadcast_in_dim3A_159 = vector.shape_cast %reduce_sum3A_158 : vector<512xf32> to vector<512x1xf32>
    %div3A_160 = arith.constant 1.280000e+02 : f32
    %div3A_161 = vector.broadcast %div3A_160 : f32 to vector<512x1xf32>
    %div3A_162 = arith.divf %broadcast_in_dim3A_159, %div3A_161 : vector<512x1xf32>
    %sub3A_163 = vector.broadcast %div3A_162 : vector<512x1xf32> to vector<512x128xf32>
    %sub3A_164 = arith.subf %add3A_156, %sub3A_163 : vector<512x128xf32>
    %integer_pow3A = arith.mulf %sub3A_164, %sub3A_164 : vector<512x128xf32>
    %reduce_sum3A_165 = arith.constant dense<0.000000e+00> : vector<512xf32>
    %reduce_sum3A_166 = vector.multi_reduction <add>, %integer_pow3A, %reduce_sum3A_165 [1] : vector<512x128xf32> to vector<512xf32>
    %broadcast_in_dim3A_167 = vector.shape_cast %reduce_sum3A_166 : vector<512xf32> to vector<512x1xf32>
    %div3A_168 = arith.constant 1.280000e+02 : f32
    %div3A_169 = vector.broadcast %div3A_168 : f32 to vector<512x1xf32>
    %div3A_170 = arith.divf %broadcast_in_dim3A_167, %div3A_169 : vector<512x1xf32>
    %sub3A_171 = vector.broadcast %div3A_162 : vector<512x1xf32> to vector<512x128xf32>
    %sub3A_172 = arith.subf %add3A_156, %sub3A_171 : vector<512x128xf32>
    %add3A_173 = arith.constant 9.99999974E-6 : f32
    %add3A_174 = vector.broadcast %add3A_173 : f32 to vector<512x1xf32>
    %add3A_175 = arith.addf %div3A_170, %add3A_174 : vector<512x1xf32>
    %sqrt3A_176 = math.sqrt %add3A_175 : vector<512x1xf32>
    %div3A_177 = vector.broadcast %sqrt3A_176 : vector<512x1xf32> to vector<512x128xf32>
    %div3A_178 = arith.divf %sub3A_172, %div3A_177 : vector<512x128xf32>
    %get3A_179 = arith.constant 0 : index
    %get3A_180 = arith.constant 0 : index
    %get3A_181 = vector.load %arg13[%get3A_179, %get3A_180] : memref<1x128xf32, #tpu.memory_space<vmem>>, vector<1x128xf32>
    %mul3A_182 = vector.broadcast %get3A_181 : vector<1x128xf32> to vector<512x128xf32>
    %mul3A_183 = arith.mulf %div3A_178, %mul3A_182 : vector<512x128xf32>
    %get3A_184 = arith.constant 0 : index
    %get3A_185 = arith.constant 0 : index
    %get3A_186 = vector.load %arg14[%get3A_184, %get3A_185] : memref<1x128xf32, #tpu.memory_space<vmem>>, vector<1x128xf32>
    %add3A_187 = vector.broadcast %get3A_186 : vector<1x128xf32> to vector<512x128xf32>
    %add3A_188 = arith.addf %mul3A_183, %add3A_187 : vector<512x128xf32>
    %mul3A_189 = arith.mulf %add3A_188, %add3A_188 : vector<512x128xf32>
    %reduce_sum3A_190 = arith.constant dense<0.000000e+00> : vector<512xf32>
    %reduce_sum3A_191 = vector.multi_reduction <add>, %mul3A_189, %reduce_sum3A_190 [1] : vector<512x128xf32> to vector<512xf32>
    %broadcast_in_dim3A_192 = vector.shape_cast %reduce_sum3A_191 : vector<512xf32> to vector<512x1xf32>
    %sqrt3A_193 = math.sqrt %broadcast_in_dim3A_192 : vector<512x1xf32>
    %max3A_194 = arith.constant 9.99999996E-13 : f32
    %max3A_195 = vector.broadcast %max3A_194 : f32 to vector<512x1xf32>
    %max3A_196 = arith.maximumf %sqrt3A_193, %max3A_195 : vector<512x1xf32>
    %div3A_197 = vector.broadcast %max3A_196 : vector<512x1xf32> to vector<512x128xf32>
    %div3A_198 = arith.divf %add3A_188, %div3A_197 : vector<512x128xf32>
    %swap3A = arith.constant 0 : index
    %swap3A_199 = arith.constant 0 : index
    %swap3A_200 = vector.load %arg17[%swap3A, %swap3A_199] : memref<512x128xf32, #tpu.memory_space<vmem>>, vector<512x128xf32>
    tpu.vector_store %arg17[%swap3A, %swap3A_199], %div3A_198 {strides = array<i32>} : memref<512x128xf32, #tpu.memory_space<vmem>>, vector<512x128xf32>,
    %get3A_201 = arith.constant 0 : index
    %get3A_202 = arith.constant 0 : index
    %get3A_203 = vector.load %arg15[%get3A_201, %get3A_202] : memref<128x128xf32, #tpu.memory_space<vmem>>, vector<128x128xf32>
    %dot_general3A_204 = arith.constant dense<0.000000e+00> : vector<512x128xf32>
    %dot_general3A_205 = tpu.matmul %div3A_198, %get3A_203, %dot_general3A_204 {dimension_numbers = #tpu.dot_dimension_numbers<[1], [1], [0], [0], [0, 0, 1, 0], [], []>, transpose_lhs_hint = false} : vector<512x128xf32>, vector<128x128xf32>, vector<512x128xf32> -> vector<512x128xf32>
    %max3A_206 = arith.constant 0.000000e+00 : f32
    %max3A_207 = vector.broadcast %max3A_206 : f32 to vector<512x128xf32>
    %max3A_208 = arith.maximumf %dot_general3A_205, %max3A_207 : vector<512x128xf32>
    %get3A_209 = arith.constant 0 : index
    %get3A_210 = arith.constant 0 : index
    %get3A_211 = vector.load %arg16[%get3A_209, %get3A_210] : memref<1x128xf32, #tpu.memory_space<vmem>>, vector<1x128xf32>
    %dot_general3A_212 = arith.constant dense<0.000000e+00> : vector<512x1xf32>
    %dot_general3A_213 = tpu.matmul %max3A_208, %get3A_211, %dot_general3A_212 {dimension_numbers = #tpu.dot_dimension_numbers<[1], [1], [0], [0], [0, 0, 1, 0], [], []>, transpose_lhs_hint = false} : vector<512x128xf32>, vector<1x128xf32>, vector<512x1xf32> -> vector<512x1xf32>
    %ge3A = arith.constant 0.000000e+00 : f32
    %ge3A_214 = vector.broadcast %ge3A : f32 to vector<512x1xf32>
    %ge3A_215 = arith.cmpf oge, %dot_general3A_213, %ge3A_214 : vector<512x1xf32>
    %neg3A = arith.constant 0.000000e+00 : f32
    %neg3A_216 = vector.broadcast %neg3A : f32 to vector<512x1xf32>
    %neg3A_217 = arith.subf %neg3A_216, %dot_general3A_213 : vector<512x1xf32>
    %exp3A_218 = math.exp %neg3A_217 : vector<512x1xf32>
    %add3A_219 = arith.constant 1.000000e+00 : f32
    %add3A_220 = vector.broadcast %add3A_219 : f32 to vector<512x1xf32>
    %add3A_221 = arith.addf %add3A_220, %exp3A_218 : vector<512x1xf32>
    %div3A_222 = arith.constant 1.000000e+00 : f32
    %div3A_223 = vector.broadcast %div3A_222 : f32 to vector<512x1xf32>
    %div3A_224 = arith.divf %div3A_223, %add3A_221 : vector<512x1xf32>
    %exp3A_225 = math.exp %dot_general3A_213 : vector<512x1xf32>
    %exp3A_226 = math.exp %dot_general3A_213 : vector<512x1xf32>
    %add3A_227 = arith.constant 1.000000e+00 : f32
    %add3A_228 = vector.broadcast %add3A_227 : f32 to vector<512x1xf32>
    %add3A_229 = arith.addf %add3A_228, %exp3A_226 : vector<512x1xf32>
    %div3A_230 = arith.divf %exp3A_225, %add3A_229 : vector<512x1xf32>
    %select_n3A_231 = arith.select %ge3A_215, %div3A_224, %div3A_230 : vector<512x1xi1>, vector<512x1xf32>
    %swap3A_232 = arith.constant 0 : index
    %swap3A_233 = arith.constant 0 : index
    %swap3A_234 = vector.load %arg18[%swap3A_232, %swap3A_233] : memref<512x1xf32, #tpu.memory_space<vmem>>, vector<512x1xf32>
    tpu.vector_store %arg18[%swap3A_232, %swap3A_233], %select_n3A_231 {strides = array<i32>} : memref<512x1xf32, #tpu.memory_space<vmem>>, vector<512x1xf32>,
    return
  }
  func.func @transform_0(%arg0: i32) -> (i32, i32, i32) {
    %c0_i32 = arith.constant 0 : i32
    %c0_i32_0 = arith.constant 0 : i32
    %c0_i32_1 = arith.constant 0 : i32
    return %c0_i32, %arg0, %c0_i32_0 : i32, i32, i32
  }
  func.func @transform_1(%arg0: i32) -> (i32, i32) {
    %c0_i32 = arith.constant 0 : i32
    %c0_i32_0 = arith.constant 0 : i32
    return %c0_i32, %arg0 : i32, i32
  }
  func.func @transform_2(%arg0: i32) -> (i32, i32) {
    %c0_i32 = arith.constant 0 : i32
    %c0_i32_0 = arith.constant 0 : i32
    return %arg0, %c0_i32 : i32, i32
  }
  func.func @transform_3(%arg0: i32) -> (i32, i32) {
    %c0_i32 = arith.constant 0 : i32
    %c0_i32_0 = arith.constant 0 : i32
    %c0_i32_1 = arith.constant 0 : i32
    return %c0_i32, %c0_i32_0 : i32, i32
  }
  func.func @transform_4(%arg0: i32) -> (i32, i32) {
    %c0_i32 = arith.constant 0 : i32
    %c0_i32_0 = arith.constant 0 : i32
    %c0_i32_1 = arith.constant 0 : i32
    return %c0_i32, %c0_i32_0 : i32, i32
  }
  func.func @transform_5(%arg0: i32) -> (i32, i32) {
    %c0_i32 = arith.constant 0 : i32
    %c0_i32_0 = arith.constant 0 : i32
    %c0_i32_1 = arith.constant 0 : i32
    return %c0_i32, %c0_i32_0 : i32, i32
  }
  func.func @transform_6(%arg0: i32) -> (i32, i32) {
    %c0_i32 = arith.constant 0 : i32
    %c0_i32_0 = arith.constant 0 : i32
    %c0_i32_1 = arith.constant 0 : i32
    return %c0_i32, %c0_i32_0 : i32, i32
  }
  func.func @transform_7(%arg0: i32) -> (i32, i32) {
    %c0_i32 = arith.constant 0 : i32
    %c0_i32_0 = arith.constant 0 : i32
    %c0_i32_1 = arith.constant 0 : i32
    return %c0_i32, %c0_i32_0 : i32, i32
  }
  func.func @transform_8(%arg0: i32) -> (i32, i32) {
    %c0_i32 = arith.constant 0 : i32
    %c0_i32_0 = arith.constant 0 : i32
    %c0_i32_1 = arith.constant 0 : i32
    return %c0_i32, %c0_i32_0 : i32, i32
  }
  func.func @transform_9(%arg0: i32) -> (i32, i32) {
    %c0_i32 = arith.constant 0 : i32
    %c0_i32_0 = arith.constant 0 : i32
    %c0_i32_1 = arith.constant 0 : i32
    return %c0_i32, %c0_i32_0 : i32, i32
  }
  func.func @transform_10(%arg0: i32) -> (i32, i32) {
    %c0_i32 = arith.constant 0 : i32
    %c0_i32_0 = arith.constant 0 : i32
    %c0_i32_1 = arith.constant 0 : i32
    return %c0_i32, %c0_i32_0 : i32, i32
  }
  func.func @transform_11(%arg0: i32) -> (i32, i32) {
    %c0_i32 = arith.constant 0 : i32
    %c0_i32_0 = arith.constant 0 : i32
    %c0_i32_1 = arith.constant 0 : i32
    return %c0_i32, %c0_i32_0 : i32, i32
  }
  func.func @transform_12(%arg0: i32) -> (i32, i32) {
    %c0_i32 = arith.constant 0 : i32
    %c0_i32_0 = arith.constant 0 : i32
    %c0_i32_1 = arith.constant 0 : i32
    return %c0_i32, %c0_i32_0 : i32, i32
  }
  func.func @transform_13(%arg0: i32) -> (i32, i32) {
    %c0_i32 = arith.constant 0 : i32
    %c0_i32_0 = arith.constant 0 : i32
    %c0_i32_1 = arith.constant 0 : i32
    return %c0_i32, %c0_i32_0 : i32, i32
  }
  func.func @transform_14(%arg0: i32) -> (i32, i32) {
    %c0_i32 = arith.constant 0 : i32
    %c0_i32_0 = arith.constant 0 : i32
    %c0_i32_1 = arith.constant 0 : i32
    return %c0_i32, %c0_i32_0 : i32, i32
  }
  func.func @transform_15(%arg0: i32) -> (i32, i32) {
    %c0_i32 = arith.constant 0 : i32
    %c0_i32_0 = arith.constant 0 : i32
    %c0_i32_1 = arith.constant 0 : i32
    return %c0_i32, %c0_i32_0 : i32, i32
  }
  func.func @transform_16(%arg0: i32) -> (i32, i32) {
    %c0_i32 = arith.constant 0 : i32
    %c0_i32_0 = arith.constant 0 : i32
    return %arg0, %c0_i32 : i32, i32
  }
  func.func @transform_17(%arg0: i32) -> (i32, i32) {
    %c0_i32 = arith.constant 0 : i32
    %c0_i32_0 = arith.constant 0 : i32
    return %arg0, %c0_i32 : i32, i32
  }
}

</mosaic_0001>

<sc_bundles>
// kernel: kernel.12.cloned.1.call-start
scs
__scs_entry_jumppad:
0x0: {  	(pc) =	sbr.rel $0x88, $3  }
0x1: {  	(tag) =	ssettag $0x0;
	lr =	simm.s32 $0x1  }
0x2: {  	[smem:$0x3F8D] =	sst lr;
	_ =	strace $0xD0000000  }
0x3: {  	_ = 	snop  }
0x4: {  	_ = 	snop  }
0x5: {  	_ = 	snop  }
0x6: {  	_ = 	snop  }
0x7: {  	_ = 	snop  }
__scs_overlays_trampoline_lowered:
0x8: {  	[smem:$0x3F9C] =	sst s0  }
0x9: {  	[smem:$0x3F9D] =	sst s1  }
0xa: {  	[smem:$0x3F9E] =	sst s2  }
0xb: {  	[smem:$0x3F9F] =	sst s3  }
0xc: {  	[smem:$0x3FA0] =	sst s4  }
0xd: {  	[smem:$0x3FA1] =	sst s5  }
0xe: {  	[smem:$0x3FA2] =	sst s6  }
0xf: {  	[smem:$0x3FA3] =	sst s7  }
0x10: {  	[smem:$0x3FA4] =	sst s8  }
0x11: {  	[smem:$0x3FA5] =	sst s9;
	s0 =	simm.s32 @!p0 $0x0  }
0x12: {  	s1 =	sld [smem:$0x3F8B];
	s0 =	simm.s32 @p0 $0x1  }
0x13: {  	[smem:$0x3FA6] =	sst s0;
	s0 =	simm.s32 @!p1 $0x0  }
0x14: {  	s2 =	sld [smem:$0x3F8A];
	s0 =	simm.s32 @p1 $0x1  }
0x15: {  	[smem:$0x3FA7] =	sst s0;
	s0 =	simm.s32 @!p2 $0x0  }
0x16: {  	s3 =	sld [smem:$0x3FDB];
	s0 =	simm.s32 @p2 $0x1  }
0x17: {  	s4 =	simm.s32 $0x1BF5;
	[smem:$0x3FA9] =	sst s0  }
0x18: {  	s0 =	sld [smem:$0x3F8C];
	_ =	swait.ge [sflag:s4], $0x0  }
0x19: {  	s7 =	sld [smem:$0x3F8D]  }
0x1a: {  	s8 =	sadd.s32 $0xFFFFE003, lr  }
0x1b: {  	s9 =	sadd.s32 $0xFFFFFEF7, lr;
	s5 =	simm.s32 $0xFFFFFFFF;
	p2 =	slt.u32 s8, $0xFFFFF086  }
0x1c: {  	p1 =	slt.u32 s9, $0xF7A;
	s5 =	simm.s32 @!p2 $0x0  }
0x1d: {  	s5 =	simm.s32 @p1 $0x1;
	p0 =	seq.s32 s7, s2  }
0x1e: {  	s7 =	smul.u32 @!p0 $0xF7A, s2;
	p2 =	seq.s32 @!p0 s5, $0x0  }
0x1f: {  	s9 =	smul.u32 $0xF7A, s1;
	s8 =	simm.s32 @!p0 $0x1BF5;
	p2 =	por !p2, p0  }
0x20: {  	[sflag:s8] =	ssyncset.s32 @!p0 $0xFFFFF086;
	s6 =	sadd.s32 @!p0 s3, s7;
	s7 =	simm.s32 @!p0 $0x108  }
0x21: {  	s3 =	sadd.s32 s3, s9;
	s6 =	sadd.s32 @!p0 $0x88, s6;
	s7 =	simm.s32 @p2 $0x1082  }
0x22: {  	[simem:s7], [sflag:s8] =	dma.local @!p0 [hbm:s6], $0xF7A  }
0x23: {  	s9 =	sor.u32 $0xD0000000, s2;
	s6 =	simm.s32 $0x108;
	_ =	swait.ge @!p0 [sflag:s8], $0x0  }
0x24: {  	s3 =	sadd.s32 $0x88, s3;
	s6 =	simm.s32 @!p1 $0x1082;
	[sflag:s4] =	ssyncset.s32 $0xFFFFF086  }
0x25: {  	[simem:s6], [sflag:s4] =	dma.local [hbm:s3], $0xF7A  }
0x26: {  	[smem:$0x3F8D] =	sst s1;
	(tag) =	ssettag s2;
	_ =	strace s9  }
0x27: {  	s1 =	sld [smem:$0x3F9D]  }
0x28: {  	s2 =	sld [smem:$0x3F9E]  }
0x29: {  	s4 =	sld [smem:$0x3FA0]  }
0x2a: {  	p0 =	seq.s32 s5, $0x0;
	s5 =	sld [smem:$0x3FA1]  }
0x2b: {  	s6 =	sld [smem:$0x3FA2]  }
0x2c: {  	s7 =	sld [smem:$0x3FA3]  }
0x2d: {  	s3 =	simm.s32 $0x108;
	s8 =	sld [smem:$0x3FA4]  }
0x2e: {  	s3 =	simm.s32 @!p0 $0x1082;
	s9 =	sld [smem:$0x3FA5]  }
0x2f: {  	lr =	sadd.s32 s0, s3;
	s0 =	sld [smem:$0x3F9C]  }
0x30: {  	s3 =	sld [smem:$0x3F9F]  }
0x31: {  	[smem:$0x3FA8] =	sst s10  }
0x32: {  	s10 =	sld [smem:$0x3FA6];
	_ =	sdelay $0x3  }
0x33: {  	p0 =	seq.s32 s10, $0x1;
	s10 =	sld [smem:$0x3FA8];
	_ =	sdelay $0x3  }
0x34: {  	[smem:$0x3FA8] =	sst s10  }
0x35: {  	s10 =	sld [smem:$0x3FA7];
	_ =	sdelay $0x3  }
0x36: {  	p1 =	seq.s32 s10, $0x1;
	s10 =	sld [smem:$0x3FA8];
	_ =	sdelay $0x3  }
0x37: {  	[smem:$0x3FA8] =	sst s10  }
0x38: {  	s10 =	sld [smem:$0x3FA9]  }
0x39: {  	_ = 	snop;
	(pc) =	sbr.ind lr, $3  }
0x3a: {  	_ = 	snop  }
0x3b: {  	_ = 	snop  }
0x3c: {  	p2 =	seq.s32 s10, $0x1;
	s10 =	sld [smem:$0x3FA8]  }
0x3d: {  	_ =	shalt  }
0x3e: {  	_ =	shalt  }
0x3f: {  	_ =	shalt  }
0x40: {  	_ =	shalt  }
0x41: {  	_ =	shalt  }
0x42: {  	_ =	shalt  }
0x43: {  	_ =	shalt  }
0x44: {  	_ =	shalt  }
0x45: {  	_ =	shalt  }
0x46: {  	_ =	shalt  }
0x47: {  	_ =	shalt  }
0x48: {  	_ =	shalt  }
0x49: {  	_ =	shalt  }
0x4a: {  	_ =	shalt  }
0x4b: {  	_ =	shalt  }
0x4c: {  	_ =	shalt  }
0x4d: {  	_ =	shalt  }
0x4e: {  	_ =	shalt  }
0x4f: {  	_ =	shalt  }
0x50: {  	_ =	shalt  }
0x51: {  	_ =	shalt  }
0x52: {  	_ =	shalt  }
0x53: {  	_ =	shalt  }
0x54: {  	_ =	shalt  }
0x55: {  	_ =	shalt  }
0x56: {  	_ =	shalt  }
0x57: {  	_ =	shalt  }
0x58: {  	_ =	shalt  }
0x59: {  	_ =	shalt  }
0x5a: {  	_ =	shalt  }
0x5b: {  	_ =	shalt  }
0x5c: {  	_ =	shalt  }
0x5d: {  	_ =	shalt  }
0x5e: {  	_ =	shalt  }
0x5f: {  	_ =	shalt  }
0x60: {  	_ =	shalt  }
0x61: {  	_ =	shalt  }
0x62: {  	_ =	shalt  }
0x63: {  	_ =	shalt  }
0x64: {  	_ =	shalt  }
0x65: {  	_ =	shalt  }
0x66: {  	_ =	shalt  }
0x67: {  	_ =	shalt  }
0x68: {  	_ =	shalt  }
0x69: {  	_ =	shalt  }
0x6a: {  	_ =	shalt  }
0x6b: {  	_ =	shalt  }
0x6c: {  	_ =	shalt  }
0x6d: {  	_ =	shalt  }
0x6e: {  	_ =	shalt  }
0x6f: {  	_ =	shalt  }
0x70: {  	_ =	shalt  }
0x71: {  	_ =	shalt  }
0x72: {  	_ =	shalt  }
0x73: {  	_ =	shalt  }
0x74: {  	_ =	shalt  }
0x75: {  	_ =	shalt  }
0x76: {  	_ =	shalt  }
0x77: {  	_ =	shalt  }
0x78: {  	_ =	shalt  }
0x79: {  	_ =	shalt  }
0x7a: {  	_ =	shalt  }
0x7b: {  	_ =	shalt  }
0x7c: {  	_ =	shalt  }
0x7d: {  	_ =	shalt  }
0x7e: {  	_ =	shalt  }
0x7f: {  	_ =	shalt  }
0x80: {  	_ =	shalt  }
0x81: {  	_ =	shalt  }
0x82: {  	_ =	shalt  }
0x83: {  	_ =	shalt  }
0x84: {  	_ =	shalt  }
0x85: {  	_ =	shalt  }
0x86: {  	_ =	shalt  }
0x87: {  	_ =	shalt  }
.Lfunc_end0:
.L_simem_size_0:
called_computation.1_lowered:
.L_overlay_start_0:
0x88: {  	s2 =	sld [smem:$0x3FD9]  }
0x89: {  	s3 =	sld [smem:$0x3FFE];
	_ =	sdelay $0x1  }
0x8a: {  	s1 =	srdreg.scid  }
0x8b: {  	s0 =	sand.u32 $0x1, s1  }
0x8c: {  	s14 =	sshll.u32 s0, $0xA;
	s2 =	sadd.s32 s3, s2  }
0x8d: {  	s2 =	sadd.s32 s2, s14  }
0x8e: {  	[smem:$0x3FB4] =	sst s2  }
0x8f: {  	_ = 	snop  }
0x90: {  	s2 =	sld [smem:$0x3FD0];
	_ =	sdelay $0x2  }
0x91: {  	s15 =	simm.s32 $0xA;
	s4 =	simm.s32 $0x10  }
0x92: {  	[smem:s4], [sflag:s15] =	dma.local [hbm:s2], $0x1  }
0x93: {  	_ =	swait.eq [sflag:s15], $0x1  }
0x94: {  	[sflag:s15] =	ssyncset.done $0x0  }
0x95: {  	[sflag:s15] =	ssyncadd.s32 $0xFFFFFFFF  }
0x96: {  	s16 =	sld [smem:$0x11];
	(tm) =	ssettm $0x1  }
0x97: {  	s17 =	sld [smem:$0x3FFB];
	_ =	sdelay $0x3  }
0x98: {  	_ =	strace s17  }
0x99: {  	s3 =	sld [smem:$0x3FFC];
	_ =	sdelay $0x3  }
0x9a: {  	_ =	strace s3  }
0x9b: {  	s3 =	sld [smem:$0x3FFD];
	_ =	sdelay $0x3  }
0x9c: {  	_ =	strace s3  }
0x9d: {  	_ =	strace $0x8FFFFFFF  }
0x9e: {  	s18 =	sld [smem:$0x3FDB];
	_ =	sdelay $0x1  }
0x9f: {  	s19 =	simm.s32 $_scs_section_size  }
0xa0: {  	s5 =	simm.s32 $_size__tile_overlayer_lowered;
	s6 =	simm.s32 $_tile_overlayer_lowered  }
0xa1: {  	s22 =	simm.s32 $0x1BFF;
	s21 =	sshll.u32 s6, $0x1;
	s3 =	sadd.s32 s19, s18  }
0xa2: {  	s7 =	simm.s32 $0x0;
	s20 =	sshll.u32 s5, $0x1;
	s5 =	sadd.s32 s21, s3  }
0xa3: {  	[timem:s7], [sflag:s22] =	dma.local [hbm:s5], s20  }
0xa4: {  	_ =	swait.ge [sflag:s22], s20  }
0xa5: {  	s4 =	ssub.s32 $0x0, s20;
	[sflag:s22] =	ssyncset.done $0x0  }
0xa6: {  	[sflag:s22] =	ssyncadd.s32 s4;
	_ =	sdelay $0x1  }
0xa7: {  	s23 =	simm.s32 $0x1B8B  }
0xa8: {  	_ =	swait.ge [sflag:s23], $0x1  }
0xa9: {  	[sflag:s23] =	ssyncset.done $0x0  }
0xaa: {  	s25 =	simm.s32 $0x1B8E;
	s24 =	sld [smem:$0x3FFE];
	[sflag:s23] =	ssyncadd.s32 $0xFFFFFFFF  }
0xab: {  	s26 =	simm.s32 $execute0_lowered;
	[smem:$0x3FD2] =	sst s25  }
0xac: {  	s5 =	sshll.u32 s26, $0x1;
	_ =	strace $0x80000049;
	[dreg:$0x1] =	wrdreg $0xFFFFFFFF  }
0xad: {  	s28 =	simm.s32 $_size_execute0_lowered;
	s3 =	sadd.s32 s3, s5;
	[dreg:$0x0] =	wrdreg $0x0  }
0xae: {  	s5 =	sshll.u32 s28, $0x1;
	[dreg:$0x2] =	wrdreg s3  }
0xaf: {  	[dreg:$0x3] =	wrdreg s5  }
0xb0: {  	[dreg:$0x4] =	wrdreg $0xC0  }
0xb1: {  	_ =	task [dreg:s7], $0x5FFFF  }
0xb2: {  	[dreg:$0x1] =	wrdreg $0xFFFFFFFF  }
0xb3: {  	[dreg:$0x0] =	wrdreg $0x60  }
0xb4: {  	[dreg:$0x2] =	wrdreg s24  }
0xb5: {  	[dreg:$0x3] =	wrdreg s16  }
0xb6: {  	[dreg:$0x4] =	wrdreg $0xA8000  }
0xb7: {  	[dreg:$0x5] =	wrdreg $0x9  }
0xb8: {  	_ =	task.clear_ibuf [dreg:s7], $0x6FFFF;
	_ =	strace $0x90000049  }
0xb9: {  	s29 =	simm.s32 $0x9;
	_ =	strace $0x8000004B  }
0xba: {  	_ =	swait.ge [sflag:s29], $0x1  }
0xbb: {  	[sflag:s29] =	ssyncadd.s32 $0xFFFFFFFF  }
0xbc: {  	_ =	strace $0x9000004B  }
0xbd: {  	_ =	sfence  }
0xbe: {  	s30 =	sld [smem:$0x0];
	_ =	sdelay $0x2  }
0xbf: {  	s31 =	sshll.u32 s1, $0xD;
	s1 =	sshrl.u32 s1, $0x2  }
0xc0: {  	s3 =	sand.u32 $0x4000, s31;
	s1 =	sadd.s32 s1, s30  }
0xc1: {  	s0 =	sor.u32 s3, s0;
	s1 =	sshll.u32 s1, $0x11  }
0xc2: {  	s0 =	sor.u32 s1, s0  }
0xc3: {  	s0 =	sadd.s32 $0x8F2B, s0  }
0xc4: {  	[sflag:s0] =	ssyncadd.remote.s32 $0x1  }
0xc5: {  	_ =	sfence.sel $0xFFFF  }
0xc6: {  	[dreg:$0x0] =	wrdreg $0xFFFFFFFF;
	(pc) =	sbr.abs _section_cstart, $3  }
0xc7: {  	[dreg:$0x1] =	wrdreg $0xFFFFFFFF  }
0xc8: {  	_ =	task.clear_ibuf [dreg:s7], $0x2FFFF;
	_ =	strace $0x9FFFFFFF  }
0xc9: {  	(tm) =	ssettm $0x7FFFFFFF  }
tec
execute0_lowered:
.L_overlay_start_1:
0x0: {  	(tag) =	ssettag $0x1  }
0x1: {  	s5 =	rddreg [dreg:$0x0]  }
0x2: {  	s10 =	rddreg [dreg:$0x1]  }
0x3: {  	s2 =	rddreg [dreg:$0x2]  }
0x4: {  	s0 =	rddreg [dreg:$0x3];
	s3 =	simm.s32 $0x0;
	s1 =	stileid.u32  }
0x5: {  	s4 =	srdreg.scid;
	s15 =	simm.s32 $0x1400;
	s16 =	simm.s32 $0x80  }
0x6: {  	s17 =	simm.s32 $0x2800;
	s18 =	simm.s32 $0x6800;
	s19 =	simm.s32 $0x1  }
0x7: {  	s20 =	simm.s32 $0x2;
	s21 =	simm.s32 $0x1380;
	s22 =	simm.s32 $0x2700  }
0x8: {  	s23 =	simm.s32 $0x2780;
	s24 =	simm.s32 $0x0;
	[smem:$0x7FF] =	sst s3  }
0x9: {  	s6 =	smul.u32 $0x14000, s1;
	s7 =	sand.u32 $0x1, s4;
	s4 =	sadd.s32 $0x35800, s5  }
0xa: {  	s9 =	sadd.s32 $0x3800, s5;
	s25 =	sshll.u32 s1, $0x1;
	s13 =	smul.u32 $0x50000, s1  }
0xb: {  	s29 =	sshll.u32 s1, $0x6;
	_ =	strace $0x8000004A;
	s8 =	smul.u32 $0x140000, s7  }
0xc: {  	s12 =	ssub.s32 $0x2, s7;
	s7 =	sor.u32 s7, s25;
	s11 =	sshrl.u32 s6, $0x3  }
0xd: {  	s26 =	sshrl.u32 s12, $0x1;
	s7 =	smul.u32 $0x2800, s7;
	s28 =	sshrl.u32 s13, $0x2  }
0xe: {  	s11 =	sadd.s32 s11, s5;
	s6 =	sadd.s32 s6, s8;
	s12 =	ssub.s32 s12, s26  }
0xf: {  	s13 =	sadd.s32 s28, s2;
	s6 =	sshrl.u32 s6, $0x3;
	s30 =	sshrl.u32 s7, $0x3  }
0x10: {  	s12 =	smax.u32 s12, $0x1;
	s13 =	sshrl.u32 s13, $0x3;
	s14 =	sadd.s32 s6, s5  }
0x11: {  	s5 =	sadd.s32 $0xD800, s11;
	s6 =	sor.u32 $0x1C03, s29;
	s31 =	sadd.s32 $0x280, s30  }
0x12: {  	s7 =	sadd.s32 s9, s30;
	s8 =	sadd.s32 s10, s30;
	s9 =	sadd.s32 s9, s31  }
0x13: {  	s10 =	sadd.s32 s10, s31;
	s11 =	sadd.s32 $0x5D800, s14;
	s14 =	simm.s32 $0x3  }
.LBB2_1:
0x14: {  	[spmem:s13], [sflag:s6] =	dma.local [hbm:s5], $0x2800  }
0x15: {  	_ =	swait.ge [sflag:s14], $0x2800  }
0x16: {  	[sflag:s14] =	ssyncset.done $0x0  }
0x17: {  	[sflag:s14] =	ssyncadd.s32 $0xFFFFD800  }
0x18: {  	[bflag:$0x0] =	sbarrier.arrive $0xFFFF  }
0x19: {  	[tilespmem:s3], [sflag:$0x3] =	stream.linear.gather [hbm4b:s7+s3], $0x1400, $0x38;
	[tilespmem:$0x1E800] =	vst v63  }
0x1a: {  	_ =	swait.ge [sflag:s14], $0x1400  }
0x1b: {  	[sflag:s14] =	ssyncset.done $0x0  }
0x1c: {  	[sflag:s14] =	ssyncadd.s32 $0xFFFFEC00  }
0x1d: {  	[tilespmem:s15], [sflag:$0x3] =	stream.linear.gather [hbm4b:s8+s3], $0x1400, $0x38;
	[tilespmem:$0x1E800] =	vst v63  }
0x1e: {  	_ =	swait.ge [sflag:s14], $0x1400  }
0x1f: {  	[sflag:s14] =	ssyncset.done $0x0  }
0x20: {  	[sflag:s14] =	ssyncadd.s32 $0xFFFFEC00  }
0x21: {  	[tilespmem:s17], [sflag:$0x1] =	stream.indirect.gather [hbm4b:s4+s16], $0x80, s3, s16, $0xb8;
	[tilespmem:$0x1E800] =	vst v63  }
0x22: {  	s25 =	simm.s32 $0x80  }
0x23: {  	[tilespmem:s18], [sflag:$0x2] =	stream.indirect.gather [hbm4b:s4+s16], $0x80, s25, s16, $0xb8;
	[tilespmem:$0x1E800] =	vst v63  }
0x24: {  	_ =	swait.ge [sflag:s19], $0x4000  }
0x25: {  	[sflag:s19] =	ssyncset.done $0x0  }
0x26: {  	s29 =	simm.s32 $0x1400;
	[sflag:s19] =	ssyncadd.s32 $0xFFFFC000  }
0x27: {  	[spmem:s2] =	stream.indirect.scatter.add.f32 [tilespmem:s17], [sflag:$0x3], $0x80, s29, s16, $0xb8;
	[tilespmem:$0x1E800] =	vst v63  }
0x28: {  	_ =	swait.ge [sflag:s14], $0x4000  }
0x29: {  	[sflag:s14] =	ssyncset.done $0x0  }
0x2a: {  	s30 =	simm.s32 $0x100;
	[sflag:s14] =	ssyncadd.s32 $0xFFFFC000  }
0x2b: {  	[tilespmem:s17], [sflag:$0x1] =	stream.indirect.gather [hbm4b:s4+s16], $0x80, s30, s16, $0xb8;
	[tilespmem:$0x1E800] =	vst v63  }
0x2c: {  	_ =	swait.ge [sflag:s20], $0x4000  }
0x2d: {  	[sflag:s20] =	ssyncset.done $0x0  }
0x2e: {  	s31 =	simm.s32 $0x1480;
	[sflag:s20] =	ssyncadd.s32 $0xFFFFC000  }
0x2f: {  	[spmem:s2] =	stream.indirect.scatter.add.f32 [tilespmem:s18], [sflag:$0x3], $0x80, s31, s16, $0xb8;
	[tilespmem:$0x1E800] =	vst v63  }
0x30: {  	_ =	swait.ge [sflag:s14], $0x4000  }
0x31: {  	s26 =	simm.s32 $0x800;
	s25 =	simm.s32 $0x100;
	[sflag:s14] =	ssyncset.done $0x0  }
.LBB2_2:
0x32: {  	s28 =	sadd.s32 $0x80, s25  }
0x33: {  	[sflag:s14] =	ssyncadd.s32 $0xFFFFC000;
	s29 =	smov.u32 s26;
	s30 =	sadd.s32 $0x400, s26  }
0x34: {  	[tilespmem:s18], [sflag:$0x2] =	stream.indirect.gather [hbm4b:s4+s16], $0x80, s28, s16, $0xb8;
	[tilespmem:$0x1E800] =	vst v63  }
0x35: {  	p0 =	sne.s32 s26, $0x4800;
	_ =	swait.ge [sflag:s19], $0x4000  }
0x36: {  	[sflag:s19] =	ssyncset.done $0x0  }
0x37: {  	s26 =	sadd.s32 $0x1400, s25;
	[sflag:s19] =	ssyncadd.s32 $0xFFFFC000  }
0x38: {  	[spmem:s2] =	stream.indirect.scatter.add.f32 [tilespmem:s17], [sflag:$0x3], $0x80, s26, s16, $0xb8;
	[tilespmem:$0x1E800] =	vst v63  }
0x39: {  	_ =	swait.ge [sflag:s14], $0x4000  }
0x3a: {  	[sflag:s14] =	ssyncset.done $0x0  }
0x3b: {  	s26 =	sadd.s32 $0x100, s25;
	[sflag:s14] =	ssyncadd.s32 $0xFFFFC000  }
0x3c: {  	[tilespmem:s17], [sflag:$0x1] =	stream.indirect.gather [hbm4b:s4+s16], $0x80, s26, s16, $0xb8;
	[tilespmem:$0x1E800] =	vst v63  }
0x3d: {  	_ =	swait.ge [sflag:s20], $0x4000  }
.Ltmp0:
0x3e: {  	[sflag:s20] =	ssyncset.done $0x0;
	(pc) =	sbr.rel @p0 .LBB2_2-.Ltmp0, $4  }
0x3f: {  	s25 =	sadd.s32 $0x1480, s25;
	[sflag:s20] =	ssyncadd.s32 $0xFFFFC000  }
0x40: {  	[spmem:s2] =	stream.indirect.scatter.add.f32 [tilespmem:s18], [sflag:$0x3], $0x80, s25, s16, $0xb8;
	[tilespmem:$0x1E800] =	vst v63  }
0x41: {  	_ =	swait.ge [sflag:s14], $0x4000  }
0x42: {  	s26 =	smov.u32 s30;
	s25 =	sshra.s32 s29, $0x2;
	[sflag:s14] =	ssyncset.done $0x0  }
0x43: {  	s26 =	sadd.s32 $0x80, s25;
	[sflag:s14] =	ssyncadd.s32 $0xFFFFC000  }
0x44: {  	[tilespmem:s18], [sflag:$0x2] =	stream.indirect.gather [hbm4b:s4+s16], $0x80, s26, s16, $0xb8;
	[tilespmem:$0x1E800] =	vst v63  }
0x45: {  	_ =	swait.ge [sflag:s19], $0x4000  }
0x46: {  	[sflag:s19] =	ssyncset.done $0x0  }
0x47: {  	s29 =	sadd.s32 $0x1400, s25;
	[sflag:s19] =	ssyncadd.s32 $0xFFFFC000  }
0x48: {  	[spmem:s2] =	stream.indirect.scatter.add.f32 [tilespmem:s17], [sflag:$0x3], $0x80, s29, s16, $0xb8;
	[tilespmem:$0x1E800] =	vst v63  }
0x49: {  	_ =	swait.ge [sflag:s14], $0x4000  }
0x4a: {  	[sflag:s14] =	ssyncset.done $0x0  }
0x4b: {  	s30 =	sadd.s32 $0x100, s25;
	[sflag:s14] =	ssyncadd.s32 $0xFFFFC000  }
0x4c: {  	[tilespmem:s17], [sflag:$0x1] =	stream.indirect.gather [hbm4b:s4+s16], $0x80, s30, s16, $0xb8;
	[tilespmem:$0x1E800] =	vst v63  }
0x4d: {  	_ =	swait.ge [sflag:s20], $0x4000  }
0x4e: {  	[sflag:s20] =	ssyncset.done $0x0  }
0x4f: {  	s31 =	sadd.s32 $0x1480, s25;
	[sflag:s20] =	ssyncadd.s32 $0xFFFFC000  }
0x50: {  	[spmem:s2] =	stream.indirect.scatter.add.f32 [tilespmem:s18], [sflag:$0x3], $0x80, s31, s16, $0xb8;
	[tilespmem:$0x1E800] =	vst v63  }
0x51: {  	_ =	swait.ge [sflag:s14], $0x4000  }
0x52: {  	[sflag:s14] =	ssyncset.done $0x0  }
0x53: {  	[sflag:s14] =	ssyncadd.s32 $0xFFFFC000  }
0x54: {  	[tilespmem:s18], [sflag:$0x2] =	stream.indirect.gather [hbm4b:s4+s16], $0x80, s21, s16, $0xb8;
	[tilespmem:$0x1E800] =	vst v63  }
0x55: {  	_ =	swait.ge [sflag:s19], $0x4000  }
0x56: {  	[sflag:s19] =	ssyncset.done $0x0  }
0x57: {  	[sflag:s19] =	ssyncadd.s32 $0xFFFFC000  }
0x58: {  	[spmem:s2] =	stream.indirect.scatter.add.f32 [tilespmem:s17], [sflag:$0x3], $0x80, s22, s16, $0xb8;
	[tilespmem:$0x1E800] =	vst v63  }
0x59: {  	_ =	swait.ge [sflag:s14], $0x4000  }
0x5a: {  	[sflag:s14] =	ssyncset.done $0x0  }
0x5b: {  	[sflag:s14] =	ssyncadd.s32 $0xFFFFC000  }
0x5c: {  	_ =	swait.ge [sflag:s20], $0x4000  }
0x5d: {  	[sflag:s20] =	ssyncset.done $0x0  }
0x5e: {  	[sflag:s20] =	ssyncadd.s32 $0xFFFFC000  }
0x5f: {  	[spmem:s2] =	stream.indirect.scatter.add.f32 [tilespmem:s18], [sflag:$0x3], $0x80, s23, s16, $0xb8;
	[tilespmem:$0x1E800] =	vst v63  }
0x60: {  	_ =	swait.ge [sflag:s14], $0x4000  }
0x61: {  	[sflag:s14] =	ssyncset.done $0x0  }
0x62: {  	s26 =	simm.s32 $0x0;
	[sflag:s14] =	ssyncadd.s32 $0xFFFFC000  }
0x63: {  	[tilespmem:s26], [sflag:$0x3] =	stream.linear.gather [hbm4b:s9+s26], $0x1400, $0x38;
	[tilespmem:$0x1E800] =	vst v63  }
0x64: {  	_ =	swait.ge [sflag:s14], $0x1400  }
0x65: {  	[sflag:s14] =	ssyncset.done $0x0  }
0x66: {  	[sflag:s14] =	ssyncadd.s32 $0xFFFFEC00  }
0x67: {  	[tilespmem:s15], [sflag:$0x3] =	stream.linear.gather [hbm4b:s10+s26], $0x1400, $0x38;
	[tilespmem:$0x1E800] =	vst v63  }
0x68: {  	_ =	swait.ge [sflag:s14], $0x1400  }
0x69: {  	[sflag:s14] =	ssyncset.done $0x0  }
0x6a: {  	[sflag:s14] =	ssyncadd.s32 $0xFFFFEC00  }
0x6b: {  	[tilespmem:s17], [sflag:$0x1] =	stream.indirect.gather [hbm4b:s4+s16], $0x80, s26, s16, $0xb8;
	[tilespmem:$0x1E800] =	vst v63  }
0x6c: {  	s28 =	simm.s32 $0x80  }
0x6d: {  	[tilespmem:s18], [sflag:$0x2] =	stream.indirect.gather [hbm4b:s4+s16], $0x80, s28, s16, $0xb8;
	[tilespmem:$0x1E800] =	vst v63  }
0x6e: {  	_ =	swait.ge [sflag:s19], $0x4000  }
0x6f: {  	[sflag:s19] =	ssyncset.done $0x0  }
0x70: {  	s29 =	simm.s32 $0x1400;
	[sflag:s19] =	ssyncadd.s32 $0xFFFFC000  }
0x71: {  	[spmem:s2] =	stream.indirect.scatter.add.f32 [tilespmem:s17], [sflag:$0x3], $0x80, s29, s16, $0xb8;
	[tilespmem:$0x1E800] =	vst v63  }
0x72: {  	_ =	swait.ge [sflag:s14], $0x4000  }
0x73: {  	[sflag:s14] =	ssyncset.done $0x0  }
0x74: {  	s30 =	simm.s32 $0x100;
	[sflag:s14] =	ssyncadd.s32 $0xFFFFC000  }
0x75: {  	[tilespmem:s17], [sflag:$0x1] =	stream.indirect.gather [hbm4b:s4+s16], $0x80, s30, s16, $0xb8;
	[tilespmem:$0x1E800] =	vst v63  }
0x76: {  	_ =	swait.ge [sflag:s20], $0x4000  }
0x77: {  	[sflag:s20] =	ssyncset.done $0x0  }
0x78: {  	s31 =	simm.s32 $0x1480;
	[sflag:s20] =	ssyncadd.s32 $0xFFFFC000  }
0x79: {  	[spmem:s2] =	stream.indirect.scatter.add.f32 [tilespmem:s18], [sflag:$0x3], $0x80, s31, s16, $0xb8;
	[tilespmem:$0x1E800] =	vst v63  }
0x7a: {  	_ =	swait.ge [sflag:s14], $0x4000  }
0x7b: {  	s25 =	simm.s32 $0x100;
	s26 =	simm.s32 $0x800;
	[sflag:s14] =	ssyncset.done $0x0  }
.LBB2_4:
0x7c: {  	s28 =	sadd.s32 $0x80, s25  }
0x7d: {  	[sflag:s14] =	ssyncadd.s32 $0xFFFFC000;
	s29 =	smov.u32 s26;
	s30 =	sadd.s32 $0x400, s26  }
0x7e: {  	[tilespmem:s18], [sflag:$0x2] =	stream.indirect.gather [hbm4b:s4+s16], $0x80, s28, s16, $0xb8;
	[tilespmem:$0x1E800] =	vst v63  }
0x7f: {  	p0 =	sne.s32 s26, $0x4800;
	_ =	swait.ge [sflag:s19], $0x4000  }
0x80: {  	[sflag:s19] =	ssyncset.done $0x0  }
0x81: {  	s26 =	sadd.s32 $0x1400, s25;
	[sflag:s19] =	ssyncadd.s32 $0xFFFFC000  }
0x82: {  	[spmem:s2] =	stream.indirect.scatter.add.f32 [tilespmem:s17], [sflag:$0x3], $0x80, s26, s16, $0xb8;
	[tilespmem:$0x1E800] =	vst v63  }
0x83: {  	_ =	swait.ge [sflag:s14], $0x4000  }
0x84: {  	[sflag:s14] =	ssyncset.done $0x0  }
0x85: {  	s26 =	sadd.s32 $0x100, s25;
	[sflag:s14] =	ssyncadd.s32 $0xFFFFC000  }
0x86: {  	[tilespmem:s17], [sflag:$0x1] =	stream.indirect.gather [hbm4b:s4+s16], $0x80, s26, s16, $0xb8;
	[tilespmem:$0x1E800] =	vst v63  }
0x87: {  	_ =	swait.ge [sflag:s20], $0x4000  }
.Ltmp1:
0x88: {  	[sflag:s20] =	ssyncset.done $0x0;
	(pc) =	sbr.rel @p0 .LBB2_4-.Ltmp1, $4  }
0x89: {  	s25 =	sadd.s32 $0x1480, s25;
	[sflag:s20] =	ssyncadd.s32 $0xFFFFC000  }
0x8a: {  	[spmem:s2] =	stream.indirect.scatter.add.f32 [tilespmem:s18], [sflag:$0x3], $0x80, s25, s16, $0xb8;
	[tilespmem:$0x1E800] =	vst v63  }
0x8b: {  	_ =	swait.ge [sflag:s14], $0x4000  }
0x8c: {  	s26 =	smov.u32 s30;
	s25 =	sshra.s32 s29, $0x2;
	[sflag:s14] =	ssyncset.done $0x0  }
0x8d: {  	s26 =	sadd.s32 $0x80, s25;
	[sflag:s14] =	ssyncadd.s32 $0xFFFFC000  }
0x8e: {  	[tilespmem:s18], [sflag:$0x2] =	stream.indirect.gather [hbm4b:s4+s16], $0x80, s26, s16, $0xb8;
	[tilespmem:$0x1E800] =	vst v63  }
0x8f: {  	_ =	swait.ge [sflag:s19], $0x4000  }
0x90: {  	[sflag:s19] =	ssyncset.done $0x0  }
0x91: {  	s29 =	sadd.s32 $0x1400, s25;
	[sflag:s19] =	ssyncadd.s32 $0xFFFFC000  }
0x92: {  	[spmem:s2] =	stream.indirect.scatter.add.f32 [tilespmem:s17], [sflag:$0x3], $0x80, s29, s16, $0xb8;
	[tilespmem:$0x1E800] =	vst v63  }
0x93: {  	_ =	swait.ge [sflag:s14], $0x4000  }
0x94: {  	[sflag:s14] =	ssyncset.done $0x0  }
0x95: {  	s30 =	sadd.s32 $0x100, s25;
	[sflag:s14] =	ssyncadd.s32 $0xFFFFC000  }
0x96: {  	[tilespmem:s17], [sflag:$0x1] =	stream.indirect.gather [hbm4b:s4+s16], $0x80, s30, s16, $0xb8;
	[tilespmem:$0x1E800] =	vst v63  }
0x97: {  	_ =	swait.ge [sflag:s20], $0x4000  }
0x98: {  	[sflag:s20] =	ssyncset.done $0x0  }
0x99: {  	s31 =	sadd.s32 $0x1480, s25;
	[sflag:s20] =	ssyncadd.s32 $0xFFFFC000  }
0x9a: {  	[spmem:s2] =	stream.indirect.scatter.add.f32 [tilespmem:s18], [sflag:$0x3], $0x80, s31, s16, $0xb8;
	[tilespmem:$0x1E800] =	vst v63  }
0x9b: {  	_ =	swait.ge [sflag:s14], $0x4000  }
0x9c: {  	[sflag:s14] =	ssyncset.done $0x0  }
0x9d: {  	[sflag:s14] =	ssyncadd.s32 $0xFFFFC000  }
0x9e: {  	[tilespmem:s18], [sflag:$0x2] =	stream.indirect.gather [hbm4b:s4+s16], $0x80, s21, s16, $0xb8;
	[tilespmem:$0x1E800] =	vst v63  }
0x9f: {  	_ =	swait.ge [sflag:s19], $0x4000  }
0xa0: {  	[sflag:s19] =	ssyncset.done $0x0  }
0xa1: {  	[sflag:s19] =	ssyncadd.s32 $0xFFFFC000  }
0xa2: {  	[spmem:s2] =	stream.indirect.scatter.add.f32 [tilespmem:s17], [sflag:$0x3], $0x80, s22, s16, $0xb8;
	[tilespmem:$0x1E800] =	vst v63  }
0xa3: {  	_ =	swait.ge [sflag:s14], $0x4000  }
0xa4: {  	[sflag:s14] =	ssyncset.done $0x0  }
0xa5: {  	[sflag:s14] =	ssyncadd.s32 $0xFFFFC000  }
0xa6: {  	_ =	swait.ge [sflag:s20], $0x4000  }
0xa7: {  	[sflag:s20] =	ssyncset.done $0x0  }
0xa8: {  	[sflag:s20] =	ssyncadd.s32 $0xFFFFC000  }
0xa9: {  	[spmem:s2] =	stream.indirect.scatter.add.f32 [tilespmem:s18], [sflag:$0x3], $0x80, s23, s16, $0xb8;
	[tilespmem:$0x1E800] =	vst v63  }
0xaa: {  	_ =	swait.ge [sflag:s14], $0x4000  }
0xab: {  	s24 =	sadd.s32 $0x1, s24;
	[sflag:s14] =	ssyncset.done $0x0  }
0xac: {  	p0 =	sne.s32 s24, s12;
	[sflag:s14] =	ssyncadd.s32 $0xFFFFC000  }
.Ltmp2:
0xad: {  	[bflag:$0x0] =	sbarrier.arrive $0xFFFF;
	(pc) =	sbr.rel @p0 .LBB2_1-.Ltmp2, $4  }
0xae: {  	[hbm:s11], [sflag:s6] =	dma.local [spmem:s13], $0x2800  }
0xaf: {  	_ =	swait.ge [sflag:s14], $0x2800  }
0xb0: {  	[sflag:s14] =	ssyncset.done $0x0  }
0xb1: {  	[sflag:s14] =	ssyncadd.s32 $0xFFFFD800  }
0xb2: {  	_ =	sfence.sel $0x180000  }
0xb3: {  	[bflag:$0x0] =	sbarrier.arrive $0xFFFF  }
0xb4: {  	p0 =	sne.s32 s1, $0x0;
	_ =	strace $0x9000004A  }
0xb5: {  	s0 =	sadd.s32 @!p0 $0x100000, s0;
	[bflag:$0x2] =	sbarrier.arrive $0xFFFF  }
0xb6: {  	[sflag:s0] =	ssyncadd.tile.s32 @!p0 $0x1;
	_ =	shalt  }
.Lfunc_end2:
_tile_overlayer_lowered:
.L_overlay_start_2:
0xb7: {  	(tag) =	ssettag $0x2  }
0xb8: {  	s0 =	rddreg [dreg:$0x0];
	s2 =	stileid.u32  }
0xb9: {  	s1 =	rddreg [dreg:$0x1];
	p0 =	sne.s32 s2, $0x0  }
0xba: {  	s3 =	rddreg [dreg:$0x2];
	[bflag:$0x3] =	sbarrier.arrive $0xFFFF;
	s2 =	simm.s32 @!p0 $0x1C03  }
0xbb: {  	[timem:s3], [sflag:s2] =	dma.local @!p0 [hbm:s0], s1  }
0xbc: {  	s0 =	simm.s32 @!p0 $0x3  }
0xbd: {  	_ =	swait.ge @!p0 [sflag:s0], s1  }
0xbe: {  	s1 =	ssub.s32 @!p0 $0x0, s1;
	[sflag:s0] =	ssyncset.done @!p0 $0x0  }
0xbf: {  	[sflag:s0] =	ssyncadd.s32 @!p0 s1  }
0xc0: {  	[bflag:$0x3] =	sbarrier.arrive $0xFFFF  }
0xc1: {  	_ =	shalt  }

// kernel: kernel.15.cloned.1.call-start
scs
__scs_entry_jumppad:
0x0: {  	(pc) =	sbr.rel $0x88, $3  }
0x1: {  	(tag) =	ssettag $0x0;
	lr =	simm.s32 $0x1  }
0x2: {  	[smem:$0x3F8D] =	sst lr;
	_ =	strace $0xD0000000  }
0x3: {  	_ = 	snop  }
0x4: {  	_ = 	snop  }
0x5: {  	_ = 	snop  }
0x6: {  	_ = 	snop  }
0x7: {  	_ = 	snop  }
__scs_overlays_trampoline_lowered:
0x8: {  	[smem:$0x3F9C] =	sst s0  }
0x9: {  	[smem:$0x3F9D] =	sst s1  }
0xa: {  	[smem:$0x3F9E] =	sst s2  }
0xb: {  	[smem:$0x3F9F] =	sst s3  }
0xc: {  	[smem:$0x3FA0] =	sst s4  }
0xd: {  	[smem:$0x3FA1] =	sst s5  }
0xe: {  	[smem:$0x3FA2] =	sst s6  }
0xf: {  	[smem:$0x3FA3] =	sst s7  }
0x10: {  	[smem:$0x3FA4] =	sst s8  }
0x11: {  	[smem:$0x3FA5] =	sst s9;
	s0 =	simm.s32 @!p0 $0x0  }
0x12: {  	s1 =	sld [smem:$0x3F8B];
	s0 =	simm.s32 @p0 $0x1  }
0x13: {  	[smem:$0x3FA6] =	sst s0;
	s0 =	simm.s32 @!p1 $0x0  }
0x14: {  	s2 =	sld [smem:$0x3F8A];
	s0 =	simm.s32 @p1 $0x1  }
0x15: {  	[smem:$0x3FA7] =	sst s0;
	s0 =	simm.s32 @!p2 $0x0  }
0x16: {  	s3 =	sld [smem:$0x3FDB];
	s0 =	simm.s32 @p2 $0x1  }
0x17: {  	s4 =	simm.s32 $0x1BF5;
	[smem:$0x3FA9] =	sst s0  }
0x18: {  	s0 =	sld [smem:$0x3F8C];
	_ =	swait.ge [sflag:s4], $0x0  }
0x19: {  	s7 =	sld [smem:$0x3F8D]  }
0x1a: {  	s8 =	sadd.s32 $0xFFFFE003, lr  }
0x1b: {  	s9 =	sadd.s32 $0xFFFFFEF7, lr;
	s5 =	simm.s32 $0xFFFFFFFF;
	p2 =	slt.u32 s8, $0xFFFFF086  }
0x1c: {  	p1 =	slt.u32 s9, $0xF7A;
	s5 =	simm.s32 @!p2 $0x0  }
0x1d: {  	s5 =	simm.s32 @p1 $0x1;
	p0 =	seq.s32 s7, s2  }
0x1e: {  	s7 =	smul.u32 @!p0 $0xF7A, s2;
	p2 =	seq.s32 @!p0 s5, $0x0  }
0x1f: {  	s9 =	smul.u32 $0xF7A, s1;
	s8 =	simm.s32 @!p0 $0x1BF5;
	p2 =	por !p2, p0  }
0x20: {  	[sflag:s8] =	ssyncset.s32 @!p0 $0xFFFFF086;
	s6 =	sadd.s32 @!p0 s3, s7;
	s7 =	simm.s32 @!p0 $0x108  }
0x21: {  	s3 =	sadd.s32 s3, s9;
	s6 =	sadd.s32 @!p0 $0x88, s6;
	s7 =	simm.s32 @p2 $0x1082  }
0x22: {  	[simem:s7], [sflag:s8] =	dma.local @!p0 [hbm:s6], $0xF7A  }
0x23: {  	s9 =	sor.u32 $0xD0000000, s2;
	s6 =	simm.s32 $0x108;
	_ =	swait.ge @!p0 [sflag:s8], $0x0  }
0x24: {  	s3 =	sadd.s32 $0x88, s3;
	s6 =	simm.s32 @!p1 $0x1082;
	[sflag:s4] =	ssyncset.s32 $0xFFFFF086  }
0x25: {  	[simem:s6], [sflag:s4] =	dma.local [hbm:s3], $0xF7A  }
0x26: {  	[smem:$0x3F8D] =	sst s1;
	(tag) =	ssettag s2;
	_ =	strace s9  }
0x27: {  	s1 =	sld [smem:$0x3F9D]  }
0x28: {  	s2 =	sld [smem:$0x3F9E]  }
0x29: {  	s4 =	sld [smem:$0x3FA0]  }
0x2a: {  	p0 =	seq.s32 s5, $0x0;
	s5 =	sld [smem:$0x3FA1]  }
0x2b: {  	s6 =	sld [smem:$0x3FA2]  }
0x2c: {  	s7 =	sld [smem:$0x3FA3]  }
0x2d: {  	s3 =	simm.s32 $0x108;
	s8 =	sld [smem:$0x3FA4]  }
0x2e: {  	s3 =	simm.s32 @!p0 $0x1082;
	s9 =	sld [smem:$0x3FA5]  }
0x2f: {  	lr =	sadd.s32 s0, s3;
	s0 =	sld [smem:$0x3F9C]  }
0x30: {  	s3 =	sld [smem:$0x3F9F]  }
0x31: {  	[smem:$0x3FA8] =	sst s10  }
0x32: {  	s10 =	sld [smem:$0x3FA6];
	_ =	sdelay $0x3  }
0x33: {  	p0 =	seq.s32 s10, $0x1;
	s10 =	sld [smem:$0x3FA8];
	_ =	sdelay $0x3  }
0x34: {  	[smem:$0x3FA8] =	sst s10  }
0x35: {  	s10 =	sld [smem:$0x3FA7];
	_ =	sdelay $0x3  }
0x36: {  	p1 =	seq.s32 s10, $0x1;
	s10 =	sld [smem:$0x3FA8];
	_ =	sdelay $0x3  }
0x37: {  	[smem:$0x3FA8] =	sst s10  }
0x38: {  	s10 =	sld [smem:$0x3FA9]  }
0x39: {  	_ = 	snop;
	(pc) =	sbr.ind lr, $3  }
0x3a: {  	_ = 	snop  }
0x3b: {  	_ = 	snop  }
0x3c: {  	p2 =	seq.s32 s10, $0x1;
	s10 =	sld [smem:$0x3FA8]  }
0x3d: {  	_ =	shalt  }
0x3e: {  	_ =	shalt  }
0x3f: {  	_ =	shalt  }
0x40: {  	_ =	shalt  }
0x41: {  	_ =	shalt  }
0x42: {  	_ =	shalt  }
0x43: {  	_ =	shalt  }
0x44: {  	_ =	shalt  }
0x45: {  	_ =	shalt  }
0x46: {  	_ =	shalt  }
0x47: {  	_ =	shalt  }
0x48: {  	_ =	shalt  }
0x49: {  	_ =	shalt  }
0x4a: {  	_ =	shalt  }
0x4b: {  	_ =	shalt  }
0x4c: {  	_ =	shalt  }
0x4d: {  	_ =	shalt  }
0x4e: {  	_ =	shalt  }
0x4f: {  	_ =	shalt  }
0x50: {  	_ =	shalt  }
0x51: {  	_ =	shalt  }
0x52: {  	_ =	shalt  }
0x53: {  	_ =	shalt  }
0x54: {  	_ =	shalt  }
0x55: {  	_ =	shalt  }
0x56: {  	_ =	shalt  }
0x57: {  	_ =	shalt  }
0x58: {  	_ =	shalt  }
0x59: {  	_ =	shalt  }
0x5a: {  	_ =	shalt  }
0x5b: {  	_ =	shalt  }
0x5c: {  	_ =	shalt  }
0x5d: {  	_ =	shalt  }
0x5e: {  	_ =	shalt  }
0x5f: {  	_ =	shalt  }
0x60: {  	_ =	shalt  }
0x61: {  	_ =	shalt  }
0x62: {  	_ =	shalt  }
0x63: {  	_ =	shalt  }
0x64: {  	_ =	shalt  }
0x65: {  	_ =	shalt  }
0x66: {  	_ =	shalt  }
0x67: {  	_ =	shalt  }
0x68: {  	_ =	shalt  }
0x69: {  	_ =	shalt  }
0x6a: {  	_ =	shalt  }
0x6b: {  	_ =	shalt  }
0x6c: {  	_ =	shalt  }
0x6d: {  	_ =	shalt  }
0x6e: {  	_ =	shalt  }
0x6f: {  	_ =	shalt  }
0x70: {  	_ =	shalt  }
0x71: {  	_ =	shalt  }
0x72: {  	_ =	shalt  }
0x73: {  	_ =	shalt  }
0x74: {  	_ =	shalt  }
0x75: {  	_ =	shalt  }
0x76: {  	_ =	shalt  }
0x77: {  	_ =	shalt  }
0x78: {  	_ =	shalt  }
0x79: {  	_ =	shalt  }
0x7a: {  	_ =	shalt  }
0x7b: {  	_ =	shalt  }
0x7c: {  	_ =	shalt  }
0x7d: {  	_ =	shalt  }
0x7e: {  	_ =	shalt  }
0x7f: {  	_ =	shalt  }
0x80: {  	_ =	shalt  }
0x81: {  	_ =	shalt  }
0x82: {  	_ =	shalt  }
0x83: {  	_ =	shalt  }
0x84: {  	_ =	shalt  }
0x85: {  	_ =	shalt  }
0x86: {  	_ =	shalt  }
0x87: {  	_ =	shalt  }
.Lfunc_end0:
.L_simem_size_0:
called_computation.2_lowered:
.L_overlay_start_0:
0x88: {  	s2 =	sld [smem:$0x3FD9]  }
0x89: {  	s3 =	sld [smem:$0x3FFE];
	_ =	sdelay $0x1  }
0x8a: {  	s1 =	srdreg.scid  }
0x8b: {  	s0 =	sand.u32 $0x1, s1  }
0x8c: {  	s14 =	sshll.u32 s0, $0xA;
	s2 =	sadd.s32 s3, s2  }
0x8d: {  	s2 =	sadd.s32 s2, s14  }
0x8e: {  	[smem:$0x3FB4] =	sst s2  }
0x8f: {  	_ = 	snop  }
0x90: {  	s2 =	sld [smem:$0x3FD0];
	_ =	sdelay $0x2  }
0x91: {  	s15 =	simm.s32 $0xA;
	s4 =	simm.s32 $0x10  }
0x92: {  	[smem:s4], [sflag:s15] =	dma.local [hbm:s2], $0x1  }
0x93: {  	_ =	swait.eq [sflag:s15], $0x1  }
0x94: {  	[sflag:s15] =	ssyncset.done $0x0  }
0x95: {  	[sflag:s15] =	ssyncadd.s32 $0xFFFFFFFF  }
0x96: {  	s16 =	sld [smem:$0x11];
	(tm) =	ssettm $0x1  }
0x97: {  	s17 =	sld [smem:$0x3FFB];
	_ =	sdelay $0x3  }
0x98: {  	_ =	strace s17  }
0x99: {  	s3 =	sld [smem:$0x3FFC];
	_ =	sdelay $0x3  }
0x9a: {  	_ =	strace s3  }
0x9b: {  	s3 =	sld [smem:$0x3FFD];
	_ =	sdelay $0x3  }
0x9c: {  	_ =	strace s3  }
0x9d: {  	_ =	strace $0x8FFFFFFF  }
0x9e: {  	s18 =	sld [smem:$0x3FDB];
	_ =	sdelay $0x1  }
0x9f: {  	s19 =	simm.s32 $_scs_section_size  }
0xa0: {  	s5 =	simm.s32 $_size__tile_overlayer_lowered;
	s6 =	simm.s32 $_tile_overlayer_lowered  }
0xa1: {  	s22 =	simm.s32 $0x1BFF;
	s21 =	sshll.u32 s6, $0x1;
	s3 =	sadd.s32 s19, s18  }
0xa2: {  	s7 =	simm.s32 $0x0;
	s20 =	sshll.u32 s5, $0x1;
	s5 =	sadd.s32 s21, s3  }
0xa3: {  	[timem:s7], [sflag:s22] =	dma.local [hbm:s5], s20  }
0xa4: {  	_ =	swait.ge [sflag:s22], s20  }
0xa5: {  	s4 =	ssub.s32 $0x0, s20;
	[sflag:s22] =	ssyncset.done $0x0  }
0xa6: {  	[sflag:s22] =	ssyncadd.s32 s4;
	_ =	sdelay $0x1  }
0xa7: {  	s23 =	simm.s32 $0x1B8B  }
0xa8: {  	_ =	swait.ge [sflag:s23], $0x1  }
0xa9: {  	[sflag:s23] =	ssyncset.done $0x0  }
0xaa: {  	s25 =	simm.s32 $0x1B8E;
	s24 =	sld [smem:$0x3FFE];
	[sflag:s23] =	ssyncadd.s32 $0xFFFFFFFF  }
0xab: {  	s26 =	simm.s32 $execute0_lowered;
	[smem:$0x3FD2] =	sst s25  }
0xac: {  	s5 =	sshll.u32 s26, $0x1;
	_ =	strace $0x8000004C;
	[dreg:$0x1] =	wrdreg $0xFFFFFFFF  }
0xad: {  	s28 =	simm.s32 $_size_execute0_lowered;
	s3 =	sadd.s32 s3, s5;
	[dreg:$0x0] =	wrdreg $0x0  }
0xae: {  	s5 =	sshll.u32 s28, $0x1;
	[dreg:$0x2] =	wrdreg s3  }
0xaf: {  	[dreg:$0x3] =	wrdreg s5  }
0xb0: {  	[dreg:$0x4] =	wrdreg $0xC0  }
0xb1: {  	_ =	task [dreg:s7], $0x5FFFF  }
0xb2: {  	[dreg:$0x1] =	wrdreg $0xFFFFFFFF  }
0xb3: {  	[dreg:$0x0] =	wrdreg $0x60  }
0xb4: {  	[dreg:$0x2] =	wrdreg s24  }
0xb5: {  	[dreg:$0x3] =	wrdreg s16  }
0xb6: {  	[dreg:$0x4] =	wrdreg $0xA8000  }
0xb7: {  	[dreg:$0x5] =	wrdreg $0x9  }
0xb8: {  	_ =	task.clear_ibuf [dreg:s7], $0x6FFFF;
	_ =	strace $0x9000004C  }
0xb9: {  	s29 =	simm.s32 $0x9;
	_ =	strace $0x8000004E  }
0xba: {  	_ =	swait.ge [sflag:s29], $0x1  }
0xbb: {  	[sflag:s29] =	ssyncadd.s32 $0xFFFFFFFF  }
0xbc: {  	_ =	strace $0x9000004E  }
0xbd: {  	_ =	sfence  }
0xbe: {  	s30 =	sld [smem:$0x0];
	_ =	sdelay $0x2  }
0xbf: {  	s31 =	sshll.u32 s1, $0xD;
	s1 =	sshrl.u32 s1, $0x2  }
0xc0: {  	s3 =	sand.u32 $0x4000, s31;
	s1 =	sadd.s32 s1, s30  }
0xc1: {  	s0 =	sor.u32 s3, s0;
	s1 =	sshll.u32 s1, $0x11  }
0xc2: {  	s0 =	sor.u32 s1, s0  }
0xc3: {  	s0 =	sadd.s32 $0x8F2B, s0  }
0xc4: {  	[sflag:s0] =	ssyncadd.remote.s32 $0x1  }
0xc5: {  	_ =	sfence.sel $0xFFFF  }
0xc6: {  	[dreg:$0x0] =	wrdreg $0xFFFFFFFF;
	(pc) =	sbr.abs _section_cstart, $3  }
0xc7: {  	[dreg:$0x1] =	wrdreg $0xFFFFFFFF  }
0xc8: {  	_ =	task.clear_ibuf [dreg:s7], $0x2FFFF;
	_ =	strace $0x9FFFFFFF  }
0xc9: {  	(tm) =	ssettm $0x7FFFFFFF  }
tec
execute0_lowered:
.L_overlay_start_1:
0x0: {  	(tag) =	ssettag $0x1  }
0x1: {  	s5 =	rddreg [dreg:$0x0]  }
0x2: {  	s10 =	rddreg [dreg:$0x1]  }
0x3: {  	s2 =	rddreg [dreg:$0x2]  }
0x4: {  	s0 =	rddreg [dreg:$0x3];
	s3 =	simm.s32 $0x0;
	s1 =	stileid.u32  }
0x5: {  	s4 =	srdreg.scid;
	s15 =	simm.s32 $0x1400;
	s16 =	simm.s32 $0x80  }
0x6: {  	s17 =	simm.s32 $0x2800;
	s18 =	simm.s32 $0x6800;
	s19 =	simm.s32 $0x1  }
0x7: {  	s20 =	simm.s32 $0x2;
	s21 =	simm.s32 $0x1380;
	s22 =	simm.s32 $0x2700  }
0x8: {  	s23 =	simm.s32 $0x2780;
	s24 =	simm.s32 $0x0;
	[smem:$0x7FF] =	sst s3  }
0x9: {  	s6 =	smul.u32 $0x14000, s1;
	s7 =	sand.u32 $0x1, s4;
	s4 =	sadd.s32 $0x35800, s5  }
0xa: {  	s9 =	sadd.s32 $0x3800, s5;
	s25 =	sshll.u32 s1, $0x1;
	s13 =	smul.u32 $0x50000, s1  }
0xb: {  	s29 =	sshll.u32 s1, $0x6;
	_ =	strace $0x8000004D;
	s8 =	smul.u32 $0x140000, s7  }
0xc: {  	s12 =	ssub.s32 $0x2, s7;
	s7 =	sor.u32 s7, s25;
	s11 =	sshrl.u32 s6, $0x3  }
0xd: {  	s26 =	sshrl.u32 s12, $0x1;
	s7 =	smul.u32 $0x2800, s7;
	s28 =	sshrl.u32 s13, $0x2  }
0xe: {  	s11 =	sadd.s32 s11, s5;
	s6 =	sadd.s32 s6, s8;
	s12 =	ssub.s32 s12, s26  }
0xf: {  	s13 =	sadd.s32 s28, s2;
	s6 =	sshrl.u32 s6, $0x3;
	s30 =	sshrl.u32 s7, $0x3  }
0x10: {  	s12 =	smax.u32 s12, $0x1;
	s13 =	sshrl.u32 s13, $0x3;
	s14 =	sadd.s32 s6, s5  }
0x11: {  	s5 =	sadd.s32 $0xD800, s11;
	s6 =	sor.u32 $0x1C03, s29;
	s31 =	sadd.s32 $0x280, s30  }
0x12: {  	s7 =	sadd.s32 s9, s30;
	s8 =	sadd.s32 s10, s30;
	s9 =	sadd.s32 s9, s31  }
0x13: {  	s10 =	sadd.s32 s10, s31;
	s11 =	sadd.s32 $0x5D800, s14;
	s14 =	simm.s32 $0x3  }
.LBB2_1:
0x14: {  	[spmem:s13], [sflag:s6] =	dma.local [hbm:s5], $0x2800  }
0x15: {  	_ =	swait.ge [sflag:s14], $0x2800  }
0x16: {  	[sflag:s14] =	ssyncset.done $0x0  }
0x17: {  	[sflag:s14] =	ssyncadd.s32 $0xFFFFD800  }
0x18: {  	[bflag:$0x0] =	sbarrier.arrive $0xFFFF  }
0x19: {  	[tilespmem:s3], [sflag:$0x3] =	stream.linear.gather [hbm4b:s7+s3], $0x1400, $0x38;
	[tilespmem:$0x1E800] =	vst v63  }
0x1a: {  	_ =	swait.ge [sflag:s14], $0x1400  }
0x1b: {  	[sflag:s14] =	ssyncset.done $0x0  }
0x1c: {  	[sflag:s14] =	ssyncadd.s32 $0xFFFFEC00  }
0x1d: {  	[tilespmem:s15], [sflag:$0x3] =	stream.linear.gather [hbm4b:s8+s3], $0x1400, $0x38;
	[tilespmem:$0x1E800] =	vst v63  }
0x1e: {  	_ =	swait.ge [sflag:s14], $0x1400  }
0x1f: {  	[sflag:s14] =	ssyncset.done $0x0  }
0x20: {  	[sflag:s14] =	ssyncadd.s32 $0xFFFFEC00  }
0x21: {  	[tilespmem:s17], [sflag:$0x1] =	stream.indirect.gather [hbm4b:s4+s16], $0x80, s3, s16, $0xb8;
	[tilespmem:$0x1E800] =	vst v63  }
0x22: {  	s25 =	simm.s32 $0x80  }
0x23: {  	[tilespmem:s18], [sflag:$0x2] =	stream.indirect.gather [hbm4b:s4+s16], $0x80, s25, s16, $0xb8;
	[tilespmem:$0x1E800] =	vst v63  }
0x24: {  	_ =	swait.ge [sflag:s19], $0x4000  }
0x25: {  	[sflag:s19] =	ssyncset.done $0x0  }
0x26: {  	s29 =	simm.s32 $0x1400;
	[sflag:s19] =	ssyncadd.s32 $0xFFFFC000  }
0x27: {  	[spmem:s2] =	stream.indirect.scatter.add.f32 [tilespmem:s17], [sflag:$0x3], $0x80, s29, s16, $0xb8;
	[tilespmem:$0x1E800] =	vst v63  }
0x28: {  	_ =	swait.ge [sflag:s14], $0x4000  }
0x29: {  	[sflag:s14] =	ssyncset.done $0x0  }
0x2a: {  	s30 =	simm.s32 $0x100;
	[sflag:s14] =	ssyncadd.s32 $0xFFFFC000  }
0x2b: {  	[tilespmem:s17], [sflag:$0x1] =	stream.indirect.gather [hbm4b:s4+s16], $0x80, s30, s16, $0xb8;
	[tilespmem:$0x1E800] =	vst v63  }
0x2c: {  	_ =	swait.ge [sflag:s20], $0x4000  }
0x2d: {  	[sflag:s20] =	ssyncset.done $0x0  }
0x2e: {  	s31 =	simm.s32 $0x1480;
	[sflag:s20] =	ssyncadd.s32 $0xFFFFC000  }
0x2f: {  	[spmem:s2] =	stream.indirect.scatter.add.f32 [tilespmem:s18], [sflag:$0x3], $0x80, s31, s16, $0xb8;
	[tilespmem:$0x1E800] =	vst v63  }
0x30: {  	_ =	swait.ge [sflag:s14], $0x4000  }
0x31: {  	s26 =	simm.s32 $0x800;
	s25 =	simm.s32 $0x100;
	[sflag:s14] =	ssyncset.done $0x0  }
.LBB2_2:
0x32: {  	s28 =	sadd.s32 $0x80, s25  }
0x33: {  	[sflag:s14] =	ssyncadd.s32 $0xFFFFC000;
	s29 =	smov.u32 s26;
	s30 =	sadd.s32 $0x400, s26  }
0x34: {  	[tilespmem:s18], [sflag:$0x2] =	stream.indirect.gather [hbm4b:s4+s16], $0x80, s28, s16, $0xb8;
	[tilespmem:$0x1E800] =	vst v63  }
0x35: {  	p0 =	sne.s32 s26, $0x4800;
	_ =	swait.ge [sflag:s19], $0x4000  }
0x36: {  	[sflag:s19] =	ssyncset.done $0x0  }
0x37: {  	s26 =	sadd.s32 $0x1400, s25;
	[sflag:s19] =	ssyncadd.s32 $0xFFFFC000  }
0x38: {  	[spmem:s2] =	stream.indirect.scatter.add.f32 [tilespmem:s17], [sflag:$0x3], $0x80, s26, s16, $0xb8;
	[tilespmem:$0x1E800] =	vst v63  }
0x39: {  	_ =	swait.ge [sflag:s14], $0x4000  }
0x3a: {  	[sflag:s14] =	ssyncset.done $0x0  }
0x3b: {  	s26 =	sadd.s32 $0x100, s25;
	[sflag:s14] =	ssyncadd.s32 $0xFFFFC000  }
0x3c: {  	[tilespmem:s17], [sflag:$0x1] =	stream.indirect.gather [hbm4b:s4+s16], $0x80, s26, s16, $0xb8;
	[tilespmem:$0x1E800] =	vst v63  }
0x3d: {  	_ =	swait.ge [sflag:s20], $0x4000  }
.Ltmp0:
0x3e: {  	[sflag:s20] =	ssyncset.done $0x0;
	(pc) =	sbr.rel @p0 .LBB2_2-.Ltmp0, $4  }
0x3f: {  	s25 =	sadd.s32 $0x1480, s25;
	[sflag:s20] =	ssyncadd.s32 $0xFFFFC000  }
0x40: {  	[spmem:s2] =	stream.indirect.scatter.add.f32 [tilespmem:s18], [sflag:$0x3], $0x80, s25, s16, $0xb8;
	[tilespmem:$0x1E800] =	vst v63  }
0x41: {  	_ =	swait.ge [sflag:s14], $0x4000  }
0x42: {  	s26 =	smov.u32 s30;
	s25 =	sshra.s32 s29, $0x2;
	[sflag:s14] =	ssyncset.done $0x0  }
0x43: {  	s26 =	sadd.s32 $0x80, s25;
	[sflag:s14] =	ssyncadd.s32 $0xFFFFC000  }
0x44: {  	[tilespmem:s18], [sflag:$0x2] =	stream.indirect.gather [hbm4b:s4+s16], $0x80, s26, s16, $0xb8;
	[tilespmem:$0x1E800] =	vst v63  }
0x45: {  	_ =	swait.ge [sflag:s19], $0x4000  }
0x46: {  	[sflag:s19] =	ssyncset.done $0x0  }
0x47: {  	s29 =	sadd.s32 $0x1400, s25;
	[sflag:s19] =	ssyncadd.s32 $0xFFFFC000  }
0x48: {  	[spmem:s2] =	stream.indirect.scatter.add.f32 [tilespmem:s17], [sflag:$0x3], $0x80, s29, s16, $0xb8;
	[tilespmem:$0x1E800] =	vst v63  }
0x49: {  	_ =	swait.ge [sflag:s14], $0x4000  }
0x4a: {  	[sflag:s14] =	ssyncset.done $0x0  }
0x4b: {  	s30 =	sadd.s32 $0x100, s25;
	[sflag:s14] =	ssyncadd.s32 $0xFFFFC000  }
0x4c: {  	[tilespmem:s17], [sflag:$0x1] =	stream.indirect.gather [hbm4b:s4+s16], $0x80, s30, s16, $0xb8;
	[tilespmem:$0x1E800] =	vst v63  }
0x4d: {  	_ =	swait.ge [sflag:s20], $0x4000  }
0x4e: {  	[sflag:s20] =	ssyncset.done $0x0  }
0x4f: {  	s31 =	sadd.s32 $0x1480, s25;
	[sflag:s20] =	ssyncadd.s32 $0xFFFFC000  }
0x50: {  	[spmem:s2] =	stream.indirect.scatter.add.f32 [tilespmem:s18], [sflag:$0x3], $0x80, s31, s16, $0xb8;
	[tilespmem:$0x1E800] =	vst v63  }
0x51: {  	_ =	swait.ge [sflag:s14], $0x4000  }
0x52: {  	[sflag:s14] =	ssyncset.done $0x0  }
0x53: {  	[sflag:s14] =	ssyncadd.s32 $0xFFFFC000  }
0x54: {  	[tilespmem:s18], [sflag:$0x2] =	stream.indirect.gather [hbm4b:s4+s16], $0x80, s21, s16, $0xb8;
	[tilespmem:$0x1E800] =	vst v63  }
0x55: {  	_ =	swait.ge [sflag:s19], $0x4000  }
0x56: {  	[sflag:s19] =	ssyncset.done $0x0  }
0x57: {  	[sflag:s19] =	ssyncadd.s32 $0xFFFFC000  }
0x58: {  	[spmem:s2] =	stream.indirect.scatter.add.f32 [tilespmem:s17], [sflag:$0x3], $0x80, s22, s16, $0xb8;
	[tilespmem:$0x1E800] =	vst v63  }
0x59: {  	_ =	swait.ge [sflag:s14], $0x4000  }
0x5a: {  	[sflag:s14] =	ssyncset.done $0x0  }
0x5b: {  	[sflag:s14] =	ssyncadd.s32 $0xFFFFC000  }
0x5c: {  	_ =	swait.ge [sflag:s20], $0x4000  }
0x5d: {  	[sflag:s20] =	ssyncset.done $0x0  }
0x5e: {  	[sflag:s20] =	ssyncadd.s32 $0xFFFFC000  }
0x5f: {  	[spmem:s2] =	stream.indirect.scatter.add.f32 [tilespmem:s18], [sflag:$0x3], $0x80, s23, s16, $0xb8;
	[tilespmem:$0x1E800] =	vst v63  }
0x60: {  	_ =	swait.ge [sflag:s14], $0x4000  }
0x61: {  	[sflag:s14] =	ssyncset.done $0x0  }
0x62: {  	s26 =	simm.s32 $0x0;
	[sflag:s14] =	ssyncadd.s32 $0xFFFFC000  }
0x63: {  	[tilespmem:s26], [sflag:$0x3] =	stream.linear.gather [hbm4b:s9+s26], $0x1400, $0x38;
	[tilespmem:$0x1E800] =	vst v63  }
0x64: {  	_ =	swait.ge [sflag:s14], $0x1400  }
0x65: {  	[sflag:s14] =	ssyncset.done $0x0  }
0x66: {  	[sflag:s14] =	ssyncadd.s32 $0xFFFFEC00  }
0x67: {  	[tilespmem:s15], [sflag:$0x3] =	stream.linear.gather [hbm4b:s10+s26], $0x1400, $0x38;
	[tilespmem:$0x1E800] =	vst v63  }
0x68: {  	_ =	swait.ge [sflag:s14], $0x1400  }
0x69: {  	[sflag:s14] =	ssyncset.done $0x0  }
0x6a: {  	[sflag:s14] =	ssyncadd.s32 $0xFFFFEC00  }
0x6b: {  	[tilespmem:s17], [sflag:$0x1] =	stream.indirect.gather [hbm4b:s4+s16], $0x80, s26, s16, $0xb8;
	[tilespmem:$0x1E800] =	vst v63  }
0x6c: {  	s28 =	simm.s32 $0x80  }
0x6d: {  	[tilespmem:s18], [sflag:$0x2] =	stream.indirect.gather [hbm4b:s4+s16], $0x80, s28, s16, $0xb8;
	[tilespmem:$0x1E800] =	vst v63  }
0x6e: {  	_ =	swait.ge [sflag:s19], $0x4000  }
0x6f: {  	[sflag:s19] =	ssyncset.done $0x0  }
0x70: {  	s29 =	simm.s32 $0x1400;
	[sflag:s19] =	ssyncadd.s32 $0xFFFFC000  }
0x71: {  	[spmem:s2] =	stream.indirect.scatter.add.f32 [tilespmem:s17], [sflag:$0x3], $0x80, s29, s16, $0xb8;
	[tilespmem:$0x1E800] =	vst v63  }
0x72: {  	_ =	swait.ge [sflag:s14], $0x4000  }
0x73: {  	[sflag:s14] =	ssyncset.done $0x0  }
0x74: {  	s30 =	simm.s32 $0x100;
	[sflag:s14] =	ssyncadd.s32 $0xFFFFC000  }
0x75: {  	[tilespmem:s17], [sflag:$0x1] =	stream.indirect.gather [hbm4b:s4+s16], $0x80, s30, s16, $0xb8;
	[tilespmem:$0x1E800] =	vst v63  }
0x76: {  	_ =	swait.ge [sflag:s20], $0x4000  }
0x77: {  	[sflag:s20] =	ssyncset.done $0x0  }
0x78: {  	s31 =	simm.s32 $0x1480;
	[sflag:s20] =	ssyncadd.s32 $0xFFFFC000  }
0x79: {  	[spmem:s2] =	stream.indirect.scatter.add.f32 [tilespmem:s18], [sflag:$0x3], $0x80, s31, s16, $0xb8;
	[tilespmem:$0x1E800] =	vst v63  }
0x7a: {  	_ =	swait.ge [sflag:s14], $0x4000  }
0x7b: {  	s25 =	simm.s32 $0x100;
	s26 =	simm.s32 $0x800;
	[sflag:s14] =	ssyncset.done $0x0  }
.LBB2_4:
0x7c: {  	s28 =	sadd.s32 $0x80, s25  }
0x7d: {  	[sflag:s14] =	ssyncadd.s32 $0xFFFFC000;
	s29 =	smov.u32 s26;
	s30 =	sadd.s32 $0x400, s26  }
0x7e: {  	[tilespmem:s18], [sflag:$0x2] =	stream.indirect.gather [hbm4b:s4+s16], $0x80, s28, s16, $0xb8;
	[tilespmem:$0x1E800] =	vst v63  }
0x7f: {  	p0 =	sne.s32 s26, $0x4800;
	_ =	swait.ge [sflag:s19], $0x4000  }
0x80: {  	[sflag:s19] =	ssyncset.done $0x0  }
0x81: {  	s26 =	sadd.s32 $0x1400, s25;
	[sflag:s19] =	ssyncadd.s32 $0xFFFFC000  }
0x82: {  	[spmem:s2] =	stream.indirect.scatter.add.f32 [tilespmem:s17], [sflag:$0x3], $0x80, s26, s16, $0xb8;
	[tilespmem:$0x1E800] =	vst v63  }
0x83: {  	_ =	swait.ge [sflag:s14], $0x4000  }
0x84: {  	[sflag:s14] =	ssyncset.done $0x0  }
0x85: {  	s26 =	sadd.s32 $0x100, s25;
	[sflag:s14] =	ssyncadd.s32 $0xFFFFC000  }
0x86: {  	[tilespmem:s17], [sflag:$0x1] =	stream.indirect.gather [hbm4b:s4+s16], $0x80, s26, s16, $0xb8;
	[tilespmem:$0x1E800] =	vst v63  }
0x87: {  	_ =	swait.ge [sflag:s20], $0x4000  }
.Ltmp1:
0x88: {  	[sflag:s20] =	ssyncset.done $0x0;
	(pc) =	sbr.rel @p0 .LBB2_4-.Ltmp1, $4  }
0x89: {  	s25 =	sadd.s32 $0x1480, s25;
	[sflag:s20] =	ssyncadd.s32 $0xFFFFC000  }
0x8a: {  	[spmem:s2] =	stream.indirect.scatter.add.f32 [tilespmem:s18], [sflag:$0x3], $0x80, s25, s16, $0xb8;
	[tilespmem:$0x1E800] =	vst v63  }
0x8b: {  	_ =	swait.ge [sflag:s14], $0x4000  }
0x8c: {  	s26 =	smov.u32 s30;
	s25 =	sshra.s32 s29, $0x2;
	[sflag:s14] =	ssyncset.done $0x0  }
0x8d: {  	s26 =	sadd.s32 $0x80, s25;
	[sflag:s14] =	ssyncadd.s32 $0xFFFFC000  }
0x8e: {  	[tilespmem:s18], [sflag:$0x2] =	stream.indirect.gather [hbm4b:s4+s16], $0x80, s26, s16, $0xb8;
	[tilespmem:$0x1E800] =	vst v63  }
0x8f: {  	_ =	swait.ge [sflag:s19], $0x4000  }
0x90: {  	[sflag:s19] =	ssyncset.done $0x0  }
0x91: {  	s29 =	sadd.s32 $0x1400, s25;
	[sflag:s19] =	ssyncadd.s32 $0xFFFFC000  }
0x92: {  	[spmem:s2] =	stream.indirect.scatter.add.f32 [tilespmem:s17], [sflag:$0x3], $0x80, s29, s16, $0xb8;
	[tilespmem:$0x1E800] =	vst v63  }
0x93: {  	_ =	swait.ge [sflag:s14], $0x4000  }
0x94: {  	[sflag:s14] =	ssyncset.done $0x0  }
0x95: {  	s30 =	sadd.s32 $0x100, s25;
	[sflag:s14] =	ssyncadd.s32 $0xFFFFC000  }
0x96: {  	[tilespmem:s17], [sflag:$0x1] =	stream.indirect.gather [hbm4b:s4+s16], $0x80, s30, s16, $0xb8;
	[tilespmem:$0x1E800] =	vst v63  }
0x97: {  	_ =	swait.ge [sflag:s20], $0x4000  }
0x98: {  	[sflag:s20] =	ssyncset.done $0x0  }
0x99: {  	s31 =	sadd.s32 $0x1480, s25;
	[sflag:s20] =	ssyncadd.s32 $0xFFFFC000  }
0x9a: {  	[spmem:s2] =	stream.indirect.scatter.add.f32 [tilespmem:s18], [sflag:$0x3], $0x80, s31, s16, $0xb8;
	[tilespmem:$0x1E800] =	vst v63  }
0x9b: {  	_ =	swait.ge [sflag:s14], $0x4000  }
0x9c: {  	[sflag:s14] =	ssyncset.done $0x0  }
0x9d: {  	[sflag:s14] =	ssyncadd.s32 $0xFFFFC000  }
0x9e: {  	[tilespmem:s18], [sflag:$0x2] =	stream.indirect.gather [hbm4b:s4+s16], $0x80, s21, s16, $0xb8;
	[tilespmem:$0x1E800] =	vst v63  }
0x9f: {  	_ =	swait.ge [sflag:s19], $0x4000  }
0xa0: {  	[sflag:s19] =	ssyncset.done $0x0  }
0xa1: {  	[sflag:s19] =	ssyncadd.s32 $0xFFFFC000  }
0xa2: {  	[spmem:s2] =	stream.indirect.scatter.add.f32 [tilespmem:s17], [sflag:$0x3], $0x80, s22, s16, $0xb8;
	[tilespmem:$0x1E800] =	vst v63  }
0xa3: {  	_ =	swait.ge [sflag:s14], $0x4000  }
0xa4: {  	[sflag:s14] =	ssyncset.done $0x0  }
0xa5: {  	[sflag:s14] =	ssyncadd.s32 $0xFFFFC000  }
0xa6: {  	_ =	swait.ge [sflag:s20], $0x4000  }
0xa7: {  	[sflag:s20] =	ssyncset.done $0x0  }
0xa8: {  	[sflag:s20] =	ssyncadd.s32 $0xFFFFC000  }
0xa9: {  	[spmem:s2] =	stream.indirect.scatter.add.f32 [tilespmem:s18], [sflag:$0x3], $0x80, s23, s16, $0xb8;
	[tilespmem:$0x1E800] =	vst v63  }
0xaa: {  	_ =	swait.ge [sflag:s14], $0x4000  }
0xab: {  	s24 =	sadd.s32 $0x1, s24;
	[sflag:s14] =	ssyncset.done $0x0  }
0xac: {  	p0 =	sne.s32 s24, s12;
	[sflag:s14] =	ssyncadd.s32 $0xFFFFC000  }
.Ltmp2:
0xad: {  	[bflag:$0x0] =	sbarrier.arrive $0xFFFF;
	(pc) =	sbr.rel @p0 .LBB2_1-.Ltmp2, $4  }
0xae: {  	[hbm:s11], [sflag:s6] =	dma.local [spmem:s13], $0x2800  }
0xaf: {  	_ =	swait.ge [sflag:s14], $0x2800  }
0xb0: {  	[sflag:s14] =	ssyncset.done $0x0  }
0xb1: {  	[sflag:s14] =	ssyncadd.s32 $0xFFFFD800  }
0xb2: {  	_ =	sfence.sel $0x180000  }
0xb3: {  	[bflag:$0x0] =	sbarrier.arrive $0xFFFF  }
0xb4: {  	p0 =	sne.s32 s1, $0x0;
	_ =	strace $0x9000004D  }
0xb5: {  	s0 =	sadd.s32 @!p0 $0x100000, s0;
	[bflag:$0x2] =	sbarrier.arrive $0xFFFF  }
0xb6: {  	[sflag:s0] =	ssyncadd.tile.s32 @!p0 $0x1;
	_ =	shalt  }
.Lfunc_end2:
_tile_overlayer_lowered:
.L_overlay_start_2:
0xb7: {  	(tag) =	ssettag $0x2  }
0xb8: {  	s0 =	rddreg [dreg:$0x0];
	s2 =	stileid.u32  }
0xb9: {  	s1 =	rddreg [dreg:$0x1];
	p0 =	sne.s32 s2, $0x0  }
0xba: {  	s3 =	rddreg [dreg:$0x2];
	[bflag:$0x3] =	sbarrier.arrive $0xFFFF;
	s2 =	simm.s32 @!p0 $0x1C03  }
0xbb: {  	[timem:s3], [sflag:s2] =	dma.local @!p0 [hbm:s0], s1  }
0xbc: {  	s0 =	simm.s32 @!p0 $0x3  }
0xbd: {  	_ =	swait.ge @!p0 [sflag:s0], s1  }
0xbe: {  	s1 =	ssub.s32 @!p0 $0x0, s1;
	[sflag:s0] =	ssyncset.done @!p0 $0x0  }
0xbf: {  	[sflag:s0] =	ssyncadd.s32 @!p0 s1  }
0xc0: {  	[bflag:$0x3] =	sbarrier.arrive $0xFFFF  }
0xc1: {  	_ =	shalt  }

// kernel: kernel.18.cloned.1.call-start
scs
__scs_entry_jumppad:
0x0: {  	(pc) =	sbr.rel $0x88, $3  }
0x1: {  	(tag) =	ssettag $0x0;
	lr =	simm.s32 $0x1  }
0x2: {  	[smem:$0x3F8D] =	sst lr;
	_ =	strace $0xD0000000  }
0x3: {  	_ = 	snop  }
0x4: {  	_ = 	snop  }
0x5: {  	_ = 	snop  }
0x6: {  	_ = 	snop  }
0x7: {  	_ = 	snop  }
__scs_overlays_trampoline_lowered:
0x8: {  	[smem:$0x3F9C] =	sst s0  }
0x9: {  	[smem:$0x3F9D] =	sst s1  }
0xa: {  	[smem:$0x3F9E] =	sst s2  }
0xb: {  	[smem:$0x3F9F] =	sst s3  }
0xc: {  	[smem:$0x3FA0] =	sst s4  }
0xd: {  	[smem:$0x3FA1] =	sst s5  }
0xe: {  	[smem:$0x3FA2] =	sst s6  }
0xf: {  	[smem:$0x3FA3] =	sst s7  }
0x10: {  	[smem:$0x3FA4] =	sst s8  }
0x11: {  	[smem:$0x3FA5] =	sst s9;
	s0 =	simm.s32 @!p0 $0x0  }
0x12: {  	s1 =	sld [smem:$0x3F8B];
	s0 =	simm.s32 @p0 $0x1  }
0x13: {  	[smem:$0x3FA6] =	sst s0;
	s0 =	simm.s32 @!p1 $0x0  }
0x14: {  	s2 =	sld [smem:$0x3F8A];
	s0 =	simm.s32 @p1 $0x1  }
0x15: {  	[smem:$0x3FA7] =	sst s0;
	s0 =	simm.s32 @!p2 $0x0  }
0x16: {  	s3 =	sld [smem:$0x3FDB];
	s0 =	simm.s32 @p2 $0x1  }
0x17: {  	s4 =	simm.s32 $0x1BF5;
	[smem:$0x3FA9] =	sst s0  }
0x18: {  	s0 =	sld [smem:$0x3F8C];
	_ =	swait.ge [sflag:s4], $0x0  }
0x19: {  	s7 =	sld [smem:$0x3F8D]  }
0x1a: {  	s8 =	sadd.s32 $0xFFFFE003, lr  }
0x1b: {  	s9 =	sadd.s32 $0xFFFFFEF7, lr;
	s5 =	simm.s32 $0xFFFFFFFF;
	p2 =	slt.u32 s8, $0xFFFFF086  }
0x1c: {  	p1 =	slt.u32 s9, $0xF7A;
	s5 =	simm.s32 @!p2 $0x0  }
0x1d: {  	s5 =	simm.s32 @p1 $0x1;
	p0 =	seq.s32 s7, s2  }
0x1e: {  	s7 =	smul.u32 @!p0 $0xF7A, s2;
	p2 =	seq.s32 @!p0 s5, $0x0  }
0x1f: {  	s9 =	smul.u32 $0xF7A, s1;
	s8 =	simm.s32 @!p0 $0x1BF5;
	p2 =	por !p2, p0  }
0x20: {  	[sflag:s8] =	ssyncset.s32 @!p0 $0xFFFFF086;
	s6 =	sadd.s32 @!p0 s3, s7;
	s7 =	simm.s32 @!p0 $0x108  }
0x21: {  	s3 =	sadd.s32 s3, s9;
	s6 =	sadd.s32 @!p0 $0x88, s6;
	s7 =	simm.s32 @p2 $0x1082  }
0x22: {  	[simem:s7], [sflag:s8] =	dma.local @!p0 [hbm:s6], $0xF7A  }
0x23: {  	s9 =	sor.u32 $0xD0000000, s2;
	s6 =	simm.s32 $0x108;
	_ =	swait.ge @!p0 [sflag:s8], $0x0  }
0x24: {  	s3 =	sadd.s32 $0x88, s3;
	s6 =	simm.s32 @!p1 $0x1082;
	[sflag:s4] =	ssyncset.s32 $0xFFFFF086  }
0x25: {  	[simem:s6], [sflag:s4] =	dma.local [hbm:s3], $0xF7A  }
0x26: {  	[smem:$0x3F8D] =	sst s1;
	(tag) =	ssettag s2;
	_ =	strace s9  }
0x27: {  	s1 =	sld [smem:$0x3F9D]  }
0x28: {  	s2 =	sld [smem:$0x3F9E]  }
0x29: {  	s4 =	sld [smem:$0x3FA0]  }
0x2a: {  	p0 =	seq.s32 s5, $0x0;
	s5 =	sld [smem:$0x3FA1]  }
0x2b: {  	s6 =	sld [smem:$0x3FA2]  }
0x2c: {  	s7 =	sld [smem:$0x3FA3]  }
0x2d: {  	s3 =	simm.s32 $0x108;
	s8 =	sld [smem:$0x3FA4]  }
0x2e: {  	s3 =	simm.s32 @!p0 $0x1082;
	s9 =	sld [smem:$0x3FA5]  }
0x2f: {  	lr =	sadd.s32 s0, s3;
	s0 =	sld [smem:$0x3F9C]  }
0x30: {  	s3 =	sld [smem:$0x3F9F]  }
0x31: {  	[smem:$0x3FA8] =	sst s10  }
0x32: {  	s10 =	sld [smem:$0x3FA6];
	_ =	sdelay $0x3  }
0x33: {  	p0 =	seq.s32 s10, $0x1;
	s10 =	sld [smem:$0x3FA8];
	_ =	sdelay $0x3  }
0x34: {  	[smem:$0x3FA8] =	sst s10  }
0x35: {  	s10 =	sld [smem:$0x3FA7];
	_ =	sdelay $0x3  }
0x36: {  	p1 =	seq.s32 s10, $0x1;
	s10 =	sld [smem:$0x3FA8];
	_ =	sdelay $0x3  }
0x37: {  	[smem:$0x3FA8] =	sst s10  }
0x38: {  	s10 =	sld [smem:$0x3FA9]  }
0x39: {  	_ = 	snop;
	(pc) =	sbr.ind lr, $3  }
0x3a: {  	_ = 	snop  }
0x3b: {  	_ = 	snop  }
0x3c: {  	p2 =	seq.s32 s10, $0x1;
	s10 =	sld [smem:$0x3FA8]  }
0x3d: {  	_ =	shalt  }
0x3e: {  	_ =	shalt  }
0x3f: {  	_ =	shalt  }
0x40: {  	_ =	shalt  }
0x41: {  	_ =	shalt  }
0x42: {  	_ =	shalt  }
0x43: {  	_ =	shalt  }
0x44: {  	_ =	shalt  }
0x45: {  	_ =	shalt  }
0x46: {  	_ =	shalt  }
0x47: {  	_ =	shalt  }
0x48: {  	_ =	shalt  }
0x49: {  	_ =	shalt  }
0x4a: {  	_ =	shalt  }
0x4b: {  	_ =	shalt  }
0x4c: {  	_ =	shalt  }
0x4d: {  	_ =	shalt  }
0x4e: {  	_ =	shalt  }
0x4f: {  	_ =	shalt  }
0x50: {  	_ =	shalt  }
0x51: {  	_ =	shalt  }
0x52: {  	_ =	shalt  }
0x53: {  	_ =	shalt  }
0x54: {  	_ =	shalt  }
0x55: {  	_ =	shalt  }
0x56: {  	_ =	shalt  }
0x57: {  	_ =	shalt  }
0x58: {  	_ =	shalt  }
0x59: {  	_ =	shalt  }
0x5a: {  	_ =	shalt  }
0x5b: {  	_ =	shalt  }
0x5c: {  	_ =	shalt  }
0x5d: {  	_ =	shalt  }
0x5e: {  	_ =	shalt  }
0x5f: {  	_ =	shalt  }
0x60: {  	_ =	shalt  }
0x61: {  	_ =	shalt  }
0x62: {  	_ =	shalt  }
0x63: {  	_ =	shalt  }
0x64: {  	_ =	shalt  }
0x65: {  	_ =	shalt  }
0x66: {  	_ =	shalt  }
0x67: {  	_ =	shalt  }
0x68: {  	_ =	shalt  }
0x69: {  	_ =	shalt  }
0x6a: {  	_ =	shalt  }
0x6b: {  	_ =	shalt  }
0x6c: {  	_ =	shalt  }
0x6d: {  	_ =	shalt  }
0x6e: {  	_ =	shalt  }
0x6f: {  	_ =	shalt  }
0x70: {  	_ =	shalt  }
0x71: {  	_ =	shalt  }
0x72: {  	_ =	shalt  }
0x73: {  	_ =	shalt  }
0x74: {  	_ =	shalt  }
0x75: {  	_ =	shalt  }
0x76: {  	_ =	shalt  }
0x77: {  	_ =	shalt  }
0x78: {  	_ =	shalt  }
0x79: {  	_ =	shalt  }
0x7a: {  	_ =	shalt  }
0x7b: {  	_ =	shalt  }
0x7c: {  	_ =	shalt  }
0x7d: {  	_ =	shalt  }
0x7e: {  	_ =	shalt  }
0x7f: {  	_ =	shalt  }
0x80: {  	_ =	shalt  }
0x81: {  	_ =	shalt  }
0x82: {  	_ =	shalt  }
0x83: {  	_ =	shalt  }
0x84: {  	_ =	shalt  }
0x85: {  	_ =	shalt  }
0x86: {  	_ =	shalt  }
0x87: {  	_ =	shalt  }
.Lfunc_end0:
.L_simem_size_0:
called_computation.3_lowered:
.L_overlay_start_0:
0x88: {  	s2 =	sld [smem:$0x3FD9]  }
0x89: {  	s3 =	sld [smem:$0x3FFE];
	_ =	sdelay $0x1  }
0x8a: {  	s1 =	srdreg.scid  }
0x8b: {  	s0 =	sand.u32 $0x1, s1  }
0x8c: {  	s14 =	sshll.u32 s0, $0xA;
	s2 =	sadd.s32 s3, s2  }
0x8d: {  	s2 =	sadd.s32 s2, s14  }
0x8e: {  	[smem:$0x3FB4] =	sst s2  }
0x8f: {  	_ = 	snop  }
0x90: {  	s2 =	sld [smem:$0x3FD0];
	_ =	sdelay $0x2  }
0x91: {  	s15 =	simm.s32 $0xA;
	s4 =	simm.s32 $0x10  }
0x92: {  	[smem:s4], [sflag:s15] =	dma.local [hbm:s2], $0x1  }
0x93: {  	_ =	swait.eq [sflag:s15], $0x1  }
0x94: {  	[sflag:s15] =	ssyncset.done $0x0  }
0x95: {  	[sflag:s15] =	ssyncadd.s32 $0xFFFFFFFF  }
0x96: {  	s16 =	sld [smem:$0x10];
	(tm) =	ssettm $0x1  }
0x97: {  	s17 =	sld [smem:$0x3FFB];
	_ =	sdelay $0x3  }
0x98: {  	_ =	strace s17  }
0x99: {  	s3 =	sld [smem:$0x3FFC];
	_ =	sdelay $0x3  }
0x9a: {  	_ =	strace s3  }
0x9b: {  	s3 =	sld [smem:$0x3FFD];
	_ =	sdelay $0x3  }
0x9c: {  	_ =	strace s3  }
0x9d: {  	_ =	strace $0x8FFFFFFF  }
0x9e: {  	s18 =	sld [smem:$0x3FDB];
	_ =	sdelay $0x1  }
0x9f: {  	s19 =	simm.s32 $_scs_section_size  }
0xa0: {  	s5 =	simm.s32 $_size__tile_overlayer_lowered;
	s6 =	simm.s32 $_tile_overlayer_lowered  }
0xa1: {  	s22 =	simm.s32 $0x1BFF;
	s21 =	sshll.u32 s6, $0x1;
	s3 =	sadd.s32 s19, s18  }
0xa2: {  	s7 =	simm.s32 $0x0;
	s20 =	sshll.u32 s5, $0x1;
	s5 =	sadd.s32 s21, s3  }
0xa3: {  	[timem:s7], [sflag:s22] =	dma.local [hbm:s5], s20  }
0xa4: {  	_ =	swait.ge [sflag:s22], s20  }
0xa5: {  	s4 =	ssub.s32 $0x0, s20;
	[sflag:s22] =	ssyncset.done $0x0  }
0xa6: {  	[sflag:s22] =	ssyncadd.s32 s4;
	_ =	sdelay $0x1  }
0xa7: {  	s23 =	simm.s32 $0x1B8B  }
0xa8: {  	_ =	swait.ge [sflag:s23], $0x1  }
0xa9: {  	[sflag:s23] =	ssyncset.done $0x0  }
0xaa: {  	s25 =	simm.s32 $0x1B8E;
	s24 =	sld [smem:$0x3FFE];
	[sflag:s23] =	ssyncadd.s32 $0xFFFFFFFF  }
0xab: {  	s26 =	simm.s32 $execute0_lowered;
	[smem:$0x3FD2] =	sst s25  }
0xac: {  	s5 =	sshll.u32 s26, $0x1;
	_ =	strace $0x8000004F;
	[dreg:$0x1] =	wrdreg $0xFFFFFFFF  }
0xad: {  	s28 =	simm.s32 $_size_execute0_lowered;
	s3 =	sadd.s32 s3, s5;
	[dreg:$0x0] =	wrdreg $0x0  }
0xae: {  	s5 =	sshll.u32 s28, $0x1;
	[dreg:$0x2] =	wrdreg s3  }
0xaf: {  	[dreg:$0x3] =	wrdreg s5  }
0xb0: {  	[dreg:$0x4] =	wrdreg $0xC0  }
0xb1: {  	_ =	task [dreg:s7], $0x5FFFF  }
0xb2: {  	[dreg:$0x1] =	wrdreg $0xFFFFFFFF  }
0xb3: {  	[dreg:$0x0] =	wrdreg $0x60  }
0xb4: {  	[dreg:$0x2] =	wrdreg s16  }
0xb5: {  	[dreg:$0x3] =	wrdreg s24  }
0xb6: {  	[dreg:$0x4] =	wrdreg $0x9  }
0xb7: {  	_ =	task.clear_ibuf [dreg:s7], $0x5FFFF;
	_ =	strace $0x9000004F  }
0xb8: {  	s29 =	simm.s32 $0x9;
	_ =	strace $0x80000051  }
0xb9: {  	_ =	swait.ge [sflag:s29], $0x1  }
0xba: {  	[sflag:s29] =	ssyncadd.s32 $0xFFFFFFFF  }
0xbb: {  	_ =	strace $0x90000051  }
0xbc: {  	_ =	sfence  }
0xbd: {  	s30 =	sld [smem:$0x0];
	_ =	sdelay $0x2  }
0xbe: {  	s31 =	sshll.u32 s1, $0xD;
	s1 =	sshrl.u32 s1, $0x2  }
0xbf: {  	s3 =	sand.u32 $0x4000, s31;
	s1 =	sadd.s32 s1, s30  }
0xc0: {  	s0 =	sor.u32 s3, s0;
	s1 =	sshll.u32 s1, $0x11  }
0xc1: {  	s0 =	sor.u32 s1, s0  }
0xc2: {  	s0 =	sadd.s32 $0x8F2B, s0  }
0xc3: {  	[sflag:s0] =	ssyncadd.remote.s32 $0x1  }
0xc4: {  	_ =	sfence.sel $0xFFFF  }
0xc5: {  	[dreg:$0x0] =	wrdreg $0xFFFFFFFF;
	(pc) =	sbr.abs _section_cstart, $3  }
0xc6: {  	[dreg:$0x1] =	wrdreg $0xFFFFFFFF  }
0xc7: {  	_ =	task.clear_ibuf [dreg:s7], $0x2FFFF;
	_ =	strace $0x9FFFFFFF  }
0xc8: {  	(tm) =	ssettm $0x7FFFFFFF  }
0xc9: {  	_ =	shalt  }
tec
execute0_lowered:
.L_overlay_start_1:
0x0: {  	(tag) =	ssettag $0x1  }
0x1: {  	s1 =	rddreg [dreg:$0x0]  }
0x2: {  	s4 =	rddreg [dreg:$0x1]  }
0x3: {  	s0 =	rddreg [dreg:$0x2];
	s3 =	simm.s32 $0x0;
	s5 =	srdreg.scid  }
0x4: {  	s2 =	stileid.u32;
	s11 =	simm.s32 $0x280;
	s12 =	simm.s32 $0x500  }
0x5: {  	s13 =	simm.s32 $0x780;
	s14 =	simm.s32 $0x1;
	s15 =	simm.s32 $0x2  }
0x6: {  	s16 =	simm.s32 $0xA00;
	s17 =	simm.s32 $0x0;
	s5 =	sand.u32 $0x1, s5  }
0x7: {  	s6 =	sshrl.u32 s2, $0x2;
	s7 =	sshll.u32 s2, $0x8;
	[smem:$0x7FF] =	sst s3  }
0x8: {  	s6 =	smul.u32 $0x1400, s6;
	s8 =	sshll.u32 s5, $0x7;
	s7 =	sand.u32 $0x300, s7  }
0x9: {  	s30 =	sadd.s32 $0xAD800, s4;
	s5 =	ssub.s32 $0x2, s5;
	s7 =	sor.u32 s8, s7  }
0xa: {  	_ =	strace $0x80000050;
	s31 =	sshrl.u32 s5, $0x1;
	s6 =	sor.u32 s6, s7  }
0xb: {  	s8 =	simm.s32 $0x80;
	s7 =	sshrl.u32 s6, $0x3;
	s6 =	sadd.s32 $0x5000, s6  }
0xc: {  	s10 =	ssub.s32 s5, s31;
	s9 =	sadd.s32 s7, s4;
	s6 =	sshrl.u32 s6, $0x3  }
0xd: {  	s4 =	sadd.s32 s30, s7;
	s7 =	smax.u32 s10, $0x1;
	s10 =	simm.s32 $0x3  }
0xe: {  	s5 =	sadd.s32 s30, s6;
	s6 =	sadd.s32 $0x3800, s9;
	s9 =	simm.s32 $0x400  }
.LBB2_1:
0xf: {  	[tilespmem:s3], [sflag:$0x3] =	stream.strided.gather [hbm4b:s4+s8], $0x280, s9, s8, $0x38;
	[tilespmem:$0xC80] =	vst v63  }
0x10: {  	_ =	swait.ge [sflag:s10], $0x280  }
0x11: {  	[sflag:s10] =	ssyncset.done $0x0  }
0x12: {  	[sflag:s10] =	ssyncadd.s32 $0xFFFFFD80  }
0x13: {  	[tilespmem:s11], [sflag:$0x3] =	stream.strided.gather [hbm4b:s5+s8], $0x280, s9, s8, $0x38;
	[tilespmem:$0xC80] =	vst v63  }
0x14: {  	_ =	swait.ge [sflag:s10], $0x280  }
0x15: {  	[sflag:s10] =	ssyncset.done $0x0  }
0x16: {  	[sflag:s10] =	ssyncadd.s32 $0xFFFFFD80  }
0x17: {  	[tilespmem:s12], [sflag:$0x1] =	stream.indirect.gather [hbm4b:s1+s11], $0x1, s3, s11, $0xb8;
	[tilespmem:$0xC80] =	vst v63  }
0x18: {  	_ = 	snop  }
0x19: {  	[tilespmem:s13], [sflag:$0x2] =	stream.indirect.gather [hbm4b:s1+s11], $0x1, s11, s11, $0xb8;
	[tilespmem:$0xC80] =	vst v63  }
0x1a: {  	_ =	swait.ge [sflag:s14], $0x280  }
0x1b: {  	[sflag:s14] =	ssyncset.done $0x0  }
0x1c: {  	[sflag:s14] =	ssyncadd.s32 $0xFFFFFD80  }
0x1d: {  	_ =	swait.ge [sflag:s15], $0x280  }
0x1e: {  	[sflag:s15] =	ssyncset.done $0x0  }
0x1f: {  	s18 =	simm.s32 $0x0;
	[sflag:s15] =	ssyncadd.s32 $0xFFFFFD80  }
0x20: {  	v0 =	vld [tilespmem:s18+$0x500]  }
0x21: {  	s19 =	simm.s32 $0x40;
	v1 =	vld [tilespmem:s18+$0x780]  }
.LBB2_2:
0x22: {  	_ = 	snop  }
0x23: {  	p0 =	sne.s32 s19, $0x9C0  }
.Ltmp0:
0x24: {  	_ = 	snop;
	(pc) =	sbr.rel @p0 .LBB2_2-.Ltmp0, $4  }
0x25: {  	_ = 	snop  }
0x26: {  	s20 =	sshra.s32 s19, $0x2;
	v2 =	vmul.f32 v1, v0  }
0x27: {  	v0 =	vld [tilespmem:s20+$0x500]  }
0x28: {  	s19 =	sadd.s32 $0x40, s19;
	v1 =	vld [tilespmem:s20+$0x780];
	[tilespmem:s18+$0xA00] =	vst v2;
	s18 =	smov.u32 s20  }
0x29: {  	_ =	sdelay $0x3  }
0x2a: {  	s17 =	sadd.s32 $0x1, s17;
	v0 =	vmul.f32 v1, v0  }
0x2b: {  	p0 =	sne.s32 s17, s7  }
.Ltmp1:
0x2c: {  	[tilespmem:s18+$0xA00] =	vst v0;
	(pc) =	sbr.rel @p0 .LBB2_1-.Ltmp1, $4  }
0x2d: {  	[hbm4b:s6+s8] =	stream.strided.scatter [tilespmem:s16], [sflag:$0x3], $0x280, s9, s8, $0x38;
	[tilespmem:$0xC80] =	vst v63  }
0x2e: {  	_ =	swait.ge [sflag:s10], $0x280  }
0x2f: {  	[sflag:s10] =	ssyncset.done $0x0  }
0x30: {  	[sflag:s10] =	ssyncadd.s32 $0xFFFFFD80  }
0x31: {  	_ =	sfence.sel $0x180000  }
0x32: {  	[bflag:$0x0] =	sbarrier.arrive $0xFFFF  }
0x33: {  	p0 =	sne.s32 s2, $0x0;
	_ =	strace $0x90000050  }
0x34: {  	s0 =	sadd.s32 @!p0 $0x100000, s0;
	[bflag:$0x2] =	sbarrier.arrive $0xFFFF  }
0x35: {  	[sflag:s0] =	ssyncadd.tile.s32 @!p0 $0x1;
	_ =	shalt  }
.Lfunc_end2:
_tile_overlayer_lowered:
.L_overlay_start_2:
0x36: {  	(tag) =	ssettag $0x2  }
0x37: {  	s0 =	rddreg [dreg:$0x0];
	s2 =	stileid.u32  }
0x38: {  	s1 =	rddreg [dreg:$0x1];
	p0 =	sne.s32 s2, $0x0  }
0x39: {  	s3 =	rddreg [dreg:$0x2];
	[bflag:$0x3] =	sbarrier.arrive $0xFFFF;
	s2 =	simm.s32 @!p0 $0x1C03  }
0x3a: {  	[timem:s3], [sflag:s2] =	dma.local @!p0 [hbm:s0], s1  }
0x3b: {  	s0 =	simm.s32 @!p0 $0x3  }
0x3c: {  	_ =	swait.ge @!p0 [sflag:s0], s1  }
0x3d: {  	s1 =	ssub.s32 @!p0 $0x0, s1;
	[sflag:s0] =	ssyncset.done @!p0 $0x0  }
0x3e: {  	[sflag:s0] =	ssyncadd.s32 @!p0 s1  }
0x3f: {  	[bflag:$0x3] =	sbarrier.arrive $0xFFFF  }
0x40: {  	_ =	shalt  }

// kernel: kernel.9.cloned.1.call-start
scs
__scs_entry_jumppad:
0x0: {  	(pc) =	sbr.rel $0x88, $3  }
0x1: {  	(tag) =	ssettag $0x0;
	lr =	simm.s32 $0x1  }
0x2: {  	[smem:$0x3F8D] =	sst lr;
	_ =	strace $0xD0000000  }
0x3: {  	_ = 	snop  }
0x4: {  	_ = 	snop  }
0x5: {  	_ = 	snop  }
0x6: {  	_ = 	snop  }
0x7: {  	_ = 	snop  }
__scs_overlays_trampoline_lowered:
0x8: {  	[smem:$0x3F9C] =	sst s0  }
0x9: {  	[smem:$0x3F9D] =	sst s1  }
0xa: {  	[smem:$0x3F9E] =	sst s2  }
0xb: {  	[smem:$0x3F9F] =	sst s3  }
0xc: {  	[smem:$0x3FA0] =	sst s4  }
0xd: {  	[smem:$0x3FA1] =	sst s5  }
0xe: {  	[smem:$0x3FA2] =	sst s6  }
0xf: {  	[smem:$0x3FA3] =	sst s7  }
0x10: {  	[smem:$0x3FA4] =	sst s8  }
0x11: {  	[smem:$0x3FA5] =	sst s9;
	s0 =	simm.s32 @!p0 $0x0  }
0x12: {  	s1 =	sld [smem:$0x3F8B];
	s0 =	simm.s32 @p0 $0x1  }
0x13: {  	[smem:$0x3FA6] =	sst s0;
	s0 =	simm.s32 @!p1 $0x0  }
0x14: {  	s2 =	sld [smem:$0x3F8A];
	s0 =	simm.s32 @p1 $0x1  }
0x15: {  	[smem:$0x3FA7] =	sst s0;
	s0 =	simm.s32 @!p2 $0x0  }
0x16: {  	s3 =	sld [smem:$0x3FDB];
	s0 =	simm.s32 @p2 $0x1  }
0x17: {  	s4 =	simm.s32 $0x1BF5;
	[smem:$0x3FA9] =	sst s0  }
0x18: {  	s0 =	sld [smem:$0x3F8C];
	_ =	swait.ge [sflag:s4], $0x0  }
0x19: {  	s7 =	sld [smem:$0x3F8D]  }
0x1a: {  	s8 =	sadd.s32 $0xFFFFE003, lr  }
0x1b: {  	s9 =	sadd.s32 $0xFFFFFEF7, lr;
	s5 =	simm.s32 $0xFFFFFFFF;
	p2 =	slt.u32 s8, $0xFFFFF086  }
0x1c: {  	p1 =	slt.u32 s9, $0xF7A;
	s5 =	simm.s32 @!p2 $0x0  }
0x1d: {  	s5 =	simm.s32 @p1 $0x1;
	p0 =	seq.s32 s7, s2  }
0x1e: {  	s7 =	smul.u32 @!p0 $0xF7A, s2;
	p2 =	seq.s32 @!p0 s5, $0x0  }
0x1f: {  	s9 =	smul.u32 $0xF7A, s1;
	s8 =	simm.s32 @!p0 $0x1BF5;
	p2 =	por !p2, p0  }
0x20: {  	[sflag:s8] =	ssyncset.s32 @!p0 $0xFFFFF086;
	s6 =	sadd.s32 @!p0 s3, s7;
	s7 =	simm.s32 @!p0 $0x108  }
0x21: {  	s3 =	sadd.s32 s3, s9;
	s6 =	sadd.s32 @!p0 $0x88, s6;
	s7 =	simm.s32 @p2 $0x1082  }
0x22: {  	[simem:s7], [sflag:s8] =	dma.local @!p0 [hbm:s6], $0xF7A  }
0x23: {  	s9 =	sor.u32 $0xD0000000, s2;
	s6 =	simm.s32 $0x108;
	_ =	swait.ge @!p0 [sflag:s8], $0x0  }
0x24: {  	s3 =	sadd.s32 $0x88, s3;
	s6 =	simm.s32 @!p1 $0x1082;
	[sflag:s4] =	ssyncset.s32 $0xFFFFF086  }
0x25: {  	[simem:s6], [sflag:s4] =	dma.local [hbm:s3], $0xF7A  }
0x26: {  	[smem:$0x3F8D] =	sst s1;
	(tag) =	ssettag s2;
	_ =	strace s9  }
0x27: {  	s1 =	sld [smem:$0x3F9D]  }
0x28: {  	s2 =	sld [smem:$0x3F9E]  }
0x29: {  	s4 =	sld [smem:$0x3FA0]  }
0x2a: {  	p0 =	seq.s32 s5, $0x0;
	s5 =	sld [smem:$0x3FA1]  }
0x2b: {  	s6 =	sld [smem:$0x3FA2]  }
0x2c: {  	s7 =	sld [smem:$0x3FA3]  }
0x2d: {  	s3 =	simm.s32 $0x108;
	s8 =	sld [smem:$0x3FA4]  }
0x2e: {  	s3 =	simm.s32 @!p0 $0x1082;
	s9 =	sld [smem:$0x3FA5]  }
0x2f: {  	lr =	sadd.s32 s0, s3;
	s0 =	sld [smem:$0x3F9C]  }
0x30: {  	s3 =	sld [smem:$0x3F9F]  }
0x31: {  	[smem:$0x3FA8] =	sst s10  }
0x32: {  	s10 =	sld [smem:$0x3FA6];
	_ =	sdelay $0x3  }
0x33: {  	p0 =	seq.s32 s10, $0x1;
	s10 =	sld [smem:$0x3FA8];
	_ =	sdelay $0x3  }
0x34: {  	[smem:$0x3FA8] =	sst s10  }
0x35: {  	s10 =	sld [smem:$0x3FA7];
	_ =	sdelay $0x3  }
0x36: {  	p1 =	seq.s32 s10, $0x1;
	s10 =	sld [smem:$0x3FA8];
	_ =	sdelay $0x3  }
0x37: {  	[smem:$0x3FA8] =	sst s10  }
0x38: {  	s10 =	sld [smem:$0x3FA9]  }
0x39: {  	_ = 	snop;
	(pc) =	sbr.ind lr, $3  }
0x3a: {  	_ = 	snop  }
0x3b: {  	_ = 	snop  }
0x3c: {  	p2 =	seq.s32 s10, $0x1;
	s10 =	sld [smem:$0x3FA8]  }
0x3d: {  	_ =	shalt  }
0x3e: {  	_ =	shalt  }
0x3f: {  	_ =	shalt  }
0x40: {  	_ =	shalt  }
0x41: {  	_ =	shalt  }
0x42: {  	_ =	shalt  }
0x43: {  	_ =	shalt  }
0x44: {  	_ =	shalt  }
0x45: {  	_ =	shalt  }
0x46: {  	_ =	shalt  }
0x47: {  	_ =	shalt  }
0x48: {  	_ =	shalt  }
0x49: {  	_ =	shalt  }
0x4a: {  	_ =	shalt  }
0x4b: {  	_ =	shalt  }
0x4c: {  	_ =	shalt  }
0x4d: {  	_ =	shalt  }
0x4e: {  	_ =	shalt  }
0x4f: {  	_ =	shalt  }
0x50: {  	_ =	shalt  }
0x51: {  	_ =	shalt  }
0x52: {  	_ =	shalt  }
0x53: {  	_ =	shalt  }
0x54: {  	_ =	shalt  }
0x55: {  	_ =	shalt  }
0x56: {  	_ =	shalt  }
0x57: {  	_ =	shalt  }
0x58: {  	_ =	shalt  }
0x59: {  	_ =	shalt  }
0x5a: {  	_ =	shalt  }
0x5b: {  	_ =	shalt  }
0x5c: {  	_ =	shalt  }
0x5d: {  	_ =	shalt  }
0x5e: {  	_ =	shalt  }
0x5f: {  	_ =	shalt  }
0x60: {  	_ =	shalt  }
0x61: {  	_ =	shalt  }
0x62: {  	_ =	shalt  }
0x63: {  	_ =	shalt  }
0x64: {  	_ =	shalt  }
0x65: {  	_ =	shalt  }
0x66: {  	_ =	shalt  }
0x67: {  	_ =	shalt  }
0x68: {  	_ =	shalt  }
0x69: {  	_ =	shalt  }
0x6a: {  	_ =	shalt  }
0x6b: {  	_ =	shalt  }
0x6c: {  	_ =	shalt  }
0x6d: {  	_ =	shalt  }
0x6e: {  	_ =	shalt  }
0x6f: {  	_ =	shalt  }
0x70: {  	_ =	shalt  }
0x71: {  	_ =	shalt  }
0x72: {  	_ =	shalt  }
0x73: {  	_ =	shalt  }
0x74: {  	_ =	shalt  }
0x75: {  	_ =	shalt  }
0x76: {  	_ =	shalt  }
0x77: {  	_ =	shalt  }
0x78: {  	_ =	shalt  }
0x79: {  	_ =	shalt  }
0x7a: {  	_ =	shalt  }
0x7b: {  	_ =	shalt  }
0x7c: {  	_ =	shalt  }
0x7d: {  	_ =	shalt  }
0x7e: {  	_ =	shalt  }
0x7f: {  	_ =	shalt  }
0x80: {  	_ =	shalt  }
0x81: {  	_ =	shalt  }
0x82: {  	_ =	shalt  }
0x83: {  	_ =	shalt  }
0x84: {  	_ =	shalt  }
0x85: {  	_ =	shalt  }
0x86: {  	_ =	shalt  }
0x87: {  	_ =	shalt  }
.Lfunc_end0:
.L_simem_size_0:
called_computation_lowered:
.L_overlay_start_0:
0x88: {  	s2 =	sld [smem:$0x3FD9]  }
0x89: {  	s3 =	sld [smem:$0x3FFE];
	_ =	sdelay $0x1  }
0x8a: {  	s1 =	srdreg.scid  }
0x8b: {  	s0 =	sand.u32 $0x1, s1  }
0x8c: {  	s14 =	sshll.u32 s0, $0xA;
	s2 =	sadd.s32 s3, s2  }
0x8d: {  	s2 =	sadd.s32 s2, s14  }
0x8e: {  	[smem:$0x3FB4] =	sst s2  }
0x8f: {  	_ = 	snop  }
0x90: {  	s2 =	sld [smem:$0x3FD0];
	_ =	sdelay $0x2  }
0x91: {  	s15 =	simm.s32 $0xA;
	s4 =	simm.s32 $0x10  }
0x92: {  	[smem:s4], [sflag:s15] =	dma.local [hbm:s2], $0x1  }
0x93: {  	_ =	swait.eq [sflag:s15], $0x1  }
0x94: {  	[sflag:s15] =	ssyncset.done $0x0  }
0x95: {  	[sflag:s15] =	ssyncadd.s32 $0xFFFFFFFF  }
0x96: {  	s16 =	sld [smem:$0x10];
	(tm) =	ssettm $0x1  }
0x97: {  	s17 =	sld [smem:$0x3FFB];
	_ =	sdelay $0x3  }
0x98: {  	_ =	strace s17  }
0x99: {  	s3 =	sld [smem:$0x3FFC];
	_ =	sdelay $0x3  }
0x9a: {  	_ =	strace s3  }
0x9b: {  	s3 =	sld [smem:$0x3FFD];
	_ =	sdelay $0x3  }
0x9c: {  	_ =	strace s3  }
0x9d: {  	_ =	strace $0x8FFFFFFF  }
0x9e: {  	s18 =	sld [smem:$0x3FDB];
	_ =	sdelay $0x1  }
0x9f: {  	s19 =	simm.s32 $_scs_section_size  }
0xa0: {  	s5 =	simm.s32 $_size__tile_overlayer_lowered;
	s6 =	simm.s32 $_tile_overlayer_lowered  }
0xa1: {  	s22 =	simm.s32 $0x1BFF;
	s21 =	sshll.u32 s6, $0x1;
	s3 =	sadd.s32 s19, s18  }
0xa2: {  	s7 =	simm.s32 $0x0;
	s20 =	sshll.u32 s5, $0x1;
	s5 =	sadd.s32 s21, s3  }
0xa3: {  	[timem:s7], [sflag:s22] =	dma.local [hbm:s5], s20  }
0xa4: {  	_ =	swait.ge [sflag:s22], s20  }
0xa5: {  	s4 =	ssub.s32 $0x0, s20;
	[sflag:s22] =	ssyncset.done $0x0  }
0xa6: {  	[sflag:s22] =	ssyncadd.s32 s4;
	_ =	sdelay $0x1  }
0xa7: {  	s23 =	simm.s32 $0x1B8B  }
0xa8: {  	_ =	swait.ge [sflag:s23], $0x1  }
0xa9: {  	[sflag:s23] =	ssyncset.done $0x0  }
0xaa: {  	s25 =	simm.s32 $0x1B8E;
	s24 =	sld [smem:$0x3FFE];
	[sflag:s23] =	ssyncadd.s32 $0xFFFFFFFF  }
0xab: {  	s26 =	simm.s32 $execute0_lowered;
	[smem:$0x3FD2] =	sst s25  }
0xac: {  	s5 =	sshll.u32 s26, $0x1;
	_ =	strace $0x80000046;
	[dreg:$0x1] =	wrdreg $0xFFFFFFFF  }
0xad: {  	s28 =	simm.s32 $_size_execute0_lowered;
	s3 =	sadd.s32 s3, s5;
	[dreg:$0x0] =	wrdreg $0x0  }
0xae: {  	s5 =	sshll.u32 s28, $0x1;
	[dreg:$0x2] =	wrdreg s3  }
0xaf: {  	[dreg:$0x3] =	wrdreg s5  }
0xb0: {  	[dreg:$0x4] =	wrdreg $0xC0  }
0xb1: {  	_ =	task [dreg:s7], $0x5FFFF  }
0xb2: {  	[dreg:$0x1] =	wrdreg $0xFFFFFFFF  }
0xb3: {  	[dreg:$0x0] =	wrdreg $0x60  }
0xb4: {  	[dreg:$0x2] =	wrdreg s24  }
0xb5: {  	[dreg:$0x3] =	wrdreg s16  }
0xb6: {  	[dreg:$0x4] =	wrdreg $0x68000  }
0xb7: {  	[dreg:$0x5] =	wrdreg $0x9  }
0xb8: {  	_ =	task.clear_ibuf [dreg:s7], $0x6FFFF;
	_ =	strace $0x90000046  }
0xb9: {  	s29 =	simm.s32 $0x9;
	_ =	strace $0x80000048  }
0xba: {  	_ =	swait.ge [sflag:s29], $0x1  }
0xbb: {  	[sflag:s29] =	ssyncadd.s32 $0xFFFFFFFF  }
0xbc: {  	_ =	strace $0x90000048  }
0xbd: {  	_ =	sfence  }
0xbe: {  	s30 =	sld [smem:$0x0];
	_ =	sdelay $0x2  }
0xbf: {  	s31 =	sshll.u32 s1, $0xD;
	s1 =	sshrl.u32 s1, $0x2  }
0xc0: {  	s3 =	sand.u32 $0x4000, s31;
	s1 =	sadd.s32 s1, s30  }
0xc1: {  	s0 =	sor.u32 s3, s0;
	s1 =	sshll.u32 s1, $0x11  }
0xc2: {  	s0 =	sor.u32 s1, s0  }
0xc3: {  	s0 =	sadd.s32 $0x8F2B, s0  }
0xc4: {  	[sflag:s0] =	ssyncadd.remote.s32 $0x1  }
0xc5: {  	_ =	sfence.sel $0xFFFF  }
0xc6: {  	[dreg:$0x0] =	wrdreg $0xFFFFFFFF;
	(pc) =	sbr.abs _section_cstart, $3  }
0xc7: {  	[dreg:$0x1] =	wrdreg $0xFFFFFFFF  }
0xc8: {  	_ =	task.clear_ibuf [dreg:s7], $0x2FFFF;
	_ =	strace $0x9FFFFFFF  }
0xc9: {  	(tm) =	ssettm $0x7FFFFFFF  }
tec
execute0_lowered:
.L_overlay_start_1:
0x0: {  	(tag) =	ssettag $0x1  }
0x1: {  	s1 =	srdreg.scid;
	s5 =	rddreg [dreg:$0x0]  }
0x2: {  	s0 =	stileid.u32;
	s2 =	rddreg [dreg:$0x1]  }
0x3: {  	s3 =	rddreg [dreg:$0x2];
	s4 =	simm.s32 $0x0;
	s13 =	simm.s32 $0x80  }
0x4: {  	s14 =	simm.s32 $0x1;
	s15 =	simm.s32 $0x2;
	s16 =	simm.s32 $0x0  }
0x5: {  	s6 =	sand.u32 $0x1, s1;
	s28 =	sshll.u32 s0, $0x1;
	s8 =	smul.u32 $0x14000, s0  }
0x6: {  	[smem:$0x7FF] =	sst s4;
	s29 =	smul.u32 $0x50000, s0;
	s31 =	sshll.u32 s0, $0x6  }
0x7: {  	s1 =	sor.u32 s6, s28;
	s9 =	smul.u32 $0x140000, s6;
	s6 =	ssub.s32 $0x2, s6  }
0x8: {  	s7 =	smul.u32 $0x500, s1;
	s1 =	rddreg [dreg:$0x3];
	_ =	strace $0x80000047  }
0x9: {  	s10 =	sshrl.u32 s8, $0x3;
	s30 =	sshrl.u32 s6, $0x1;
	s8 =	sadd.s32 s8, s9  }
0xa: {  	s10 =	sadd.s32 s10, s5;
	s9 =	sshrl.u32 s29, $0x2;
	s11 =	ssub.s32 s6, s30  }
0xb: {  	s7 =	sadd.s32 s7, s5;
	s8 =	sshrl.u32 s8, $0x3;
	s12 =	sadd.s32 s9, s3  }
0xc: {  	s9 =	simm.s32 $0x2800;
	s8 =	sadd.s32 s8, s5;
	s5 =	sadd.s32 $0xD800, s10  }
0xd: {  	s6 =	sadd.s32 $0x3800, s7;
	s10 =	simm.s32 $0x3;
	s12 =	sshrl.u32 s12, $0x3  }
0xe: {  	s7 =	sadd.s32 $0x35800, s8;
	s8 =	smax.u32 s11, $0x1;
	s11 =	sor.u32 $0x1C03, s31  }
.LBB2_1:
0xf: {  	[tilespmem:s9], [sflag:$0x3] =	stream.linear.gather [hbm4b:s2+s4], $0x4000, $0x38;
	[tilespmem:$0x1A800] =	vst v63  }
0x10: {  	_ =	swait.ge [sflag:s10], $0x4000  }
0x11: {  	[sflag:s10] =	ssyncset.done $0x0  }
0x12: {  	[sflag:s10] =	ssyncadd.s32 $0xFFFFC000  }
0x13: {  	[spmem:s12], [sflag:s11] =	dma.local [hbm:s5], $0x2800  }
0x14: {  	_ =	swait.ge [sflag:s10], $0x2800  }
0x15: {  	[sflag:s10] =	ssyncset.done $0x0  }
0x16: {  	[sflag:s10] =	ssyncadd.s32 $0xFFFFD800  }
0x17: {  	[bflag:$0x0] =	sbarrier.arrive $0xFFFF  }
0x18: {  	[tilespmem:s4], [sflag:$0x3] =	stream.linear.gather [hbm4b:s6+s4], $0x2800, $0x38;
	[tilespmem:$0x1A800] =	vst v63  }
0x19: {  	_ =	swait.ge [sflag:s10], $0x2800  }
0x1a: {  	[sflag:s10] =	ssyncset.done $0x0  }
0x1b: {  	[sflag:s10] =	ssyncadd.s32 $0xFFFFD800  }
0x1c: {  	[spmem:s3] =	stream.indirect.scatter.add.f32 [tilespmem:s9], [sflag:$0x1], $0x80, s4, s13, $0xb8;
	[tilespmem:$0x1A800] =	vst v63  }
0x1d: {  	_ = 	snop  }
0x1e: {  	[spmem:s3] =	stream.indirect.scatter.add.f32 [tilespmem:s9], [sflag:$0x2], $0x80, s13, s13, $0xb8;
	[tilespmem:$0x1A800] =	vst v63  }
0x1f: {  	_ =	swait.ge [sflag:s14], $0x4000  }
0x20: {  	[sflag:s14] =	ssyncset.done $0x0  }
0x21: {  	s17 =	simm.s32 $0x100;
	[sflag:s14] =	ssyncadd.s32 $0xFFFFC000  }
0x22: {  	[spmem:s3] =	stream.indirect.scatter.add.f32 [tilespmem:s9], [sflag:$0x1], $0x80, s17, s13, $0xb8;
	[tilespmem:$0x1A800] =	vst v63  }
0x23: {  	_ =	swait.ge [sflag:s15], $0x4000  }
0x24: {  	[sflag:s15] =	ssyncset.done $0x0  }
0x25: {  	s18 =	simm.s32 $0x180;
	s17 =	simm.s32 $0xFFFF6800;
	[sflag:s15] =	ssyncadd.s32 $0xFFFFC000  }
.LBB2_2:
0x26: {  	[spmem:s3] =	stream.indirect.scatter.add.f32 [tilespmem:s9], [sflag:$0x2], $0x80, s18, s13, $0xb8;
	[tilespmem:$0x1A800] =	vst v63  }
0x27: {  	s18 =	smov.u32 s17  }
0x28: {  	p0 =	sne.s32 s17, $0xFFFFFC00;
	s17 =	sadd.s32 $0x400, s17;
	_ =	swait.ge [sflag:s14], $0x4000  }
0x29: {  	s18 =	sshra.s32 s18, $0x2;
	[sflag:s14] =	ssyncset.done $0x0  }
.Ltmp0:
0x2a: {  	s19 =	sadd.s32 $0x2800, s18;
	[sflag:s14] =	ssyncadd.s32 $0xFFFFC000;
	(pc) =	sbr.rel @p0 .LBB2_2-.Ltmp0, $4  }
0x2b: {  	[spmem:s3] =	stream.indirect.scatter.add.f32 [tilespmem:s9], [sflag:$0x1], $0x80, s19, s13, $0xb8;
	[tilespmem:$0x1A800] =	vst v63  }
0x2c: {  	_ =	swait.ge [sflag:s15], $0x4000  }
0x2d: {  	[sflag:s15] =	ssyncset.done $0x0  }
0x2e: {  	s18 =	sadd.s32 $0x2880, s18;
	[sflag:s15] =	ssyncadd.s32 $0xFFFFC000  }
0x2f: {  	[spmem:s3] =	stream.indirect.scatter.add.f32 [tilespmem:s9], [sflag:$0x2], $0x80, s18, s13, $0xb8;
	[tilespmem:$0x1A800] =	vst v63  }
0x30: {  	_ =	swait.ge [sflag:s14], $0x4000  }
0x31: {  	[sflag:s14] =	ssyncset.done $0x0  }
0x32: {  	[sflag:s14] =	ssyncadd.s32 $0xFFFFC000  }
0x33: {  	_ =	swait.ge [sflag:s15], $0x4000  }
0x34: {  	s16 =	sadd.s32 $0x1, s16;
	[sflag:s15] =	ssyncset.done $0x0  }
0x35: {  	p0 =	sne.s32 s16, s8;
	[sflag:s15] =	ssyncadd.s32 $0xFFFFC000  }
.Ltmp1:
0x36: {  	[bflag:$0x0] =	sbarrier.arrive $0xFFFF;
	(pc) =	sbr.rel @p0 .LBB2_1-.Ltmp1, $4  }
0x37: {  	[hbm:s7], [sflag:s11] =	dma.local [spmem:s12], $0x2800  }
0x38: {  	_ =	swait.ge [sflag:s10], $0x2800  }
0x39: {  	[sflag:s10] =	ssyncset.done $0x0  }
0x3a: {  	[sflag:s10] =	ssyncadd.s32 $0xFFFFD800  }
0x3b: {  	_ =	sfence.sel $0x180000  }
0x3c: {  	[bflag:$0x0] =	sbarrier.arrive $0xFFFF  }
0x3d: {  	p0 =	sne.s32 s0, $0x0;
	_ =	strace $0x90000047  }
0x3e: {  	s0 =	sadd.s32 @!p0 $0x100000, s1;
	[bflag:$0x2] =	sbarrier.arrive $0xFFFF  }
0x3f: {  	[sflag:s0] =	ssyncadd.tile.s32 @!p0 $0x1;
	_ =	shalt  }
.Lfunc_end2:
_tile_overlayer_lowered:
.L_overlay_start_2:
0x40: {  	(tag) =	ssettag $0x2  }
0x41: {  	s0 =	rddreg [dreg:$0x0];
	s2 =	stileid.u32  }
0x42: {  	s1 =	rddreg [dreg:$0x1];
	p0 =	sne.s32 s2, $0x0  }
0x43: {  	s3 =	rddreg [dreg:$0x2];
	[bflag:$0x3] =	sbarrier.arrive $0xFFFF;
	s2 =	simm.s32 @!p0 $0x1C03  }
0x44: {  	[timem:s3], [sflag:s2] =	dma.local @!p0 [hbm:s0], s1  }
0x45: {  	s0 =	simm.s32 @!p0 $0x3  }
0x46: {  	_ =	swait.ge @!p0 [sflag:s0], s1  }
0x47: {  	s1 =	ssub.s32 @!p0 $0x0, s1;
	[sflag:s0] =	ssyncset.done @!p0 $0x0  }
0x48: {  	[sflag:s0] =	ssyncadd.s32 @!p0 s1  }
0x49: {  	[bflag:$0x3] =	sbarrier.arrive $0xFFFF  }
0x4a: {  	_ =	shalt  }

</sc_bundles>
